<compile_context>
chip_gen: v7x
topology: tpu7x:2x2x1
jax: 0.10.2.dev20260603
libtpu: 0.0.44.dev20260713+nightly
codegen_flags: <defaults>
</compile_context>

<pallas_src>
import functools

import jax
import jax.numpy as jnp
from jax import lax
from jax.experimental import pallas as pl
from jax.experimental.pallas import tpu as pltpu
from jax.experimental.pallas import tpu_sc as plsc

_L = 16
_NUM_TYPES = 64
_ATT_DIM = 256
_KB = _NUM_TYPES // _L


_ROWS_PER_CHUNK = 8
_NBUF = 8


@functools.partial(jax.jit, static_argnames=())
def _dep_type_sc(embT_flat, wq, adj2d):
    info = plsc.get_sparse_core_info()
    nc, ns = info.num_cores, info.num_subcores
    nw = nc * ns
    nrows, ncols = adj2d.shape
    assert ncols % _L == 0 and nrows % nw == 0
    rows_per_w = nrows // nw
    rch = _ROWS_PER_CHUNK
    vecs_per_row = ncols // _L
    assert rows_per_w % rch == 0
    n_chunks = rows_per_w // rch
    assert n_chunks % _NBUF == 0 and n_chunks >= 2 * _NBUF

    mesh = plsc.VectorSubcoreMesh(core_axis_name="c", subcore_axis_name="s")

    @functools.partial(
        pl.kernel,
        mesh=mesh,
        out_type=jax.ShapeDtypeStruct((nrows, ncols), jnp.float32),
        compiler_params=pltpu.CompilerParams(needs_layout_passes=False),
        scratch_types=[
            pltpu.VMEM((_ATT_DIM * _NUM_TYPES,), jnp.float32),
            pltpu.VMEM((_ATT_DIM,), jnp.float32),
            pltpu.VMEM((_NUM_TYPES,), jnp.float32),
            pltpu.VMEM((_NUM_TYPES * _L,), jnp.float32),
            *[pltpu.VMEM((rch, ncols), jnp.int32) for _ in range(_NBUF)],
            *[pltpu.VMEM((rch, ncols), jnp.float32) for _ in range(_NBUF)],
            pltpu.VMEM((_L,), jnp.float32),
            *[pltpu.SemaphoreType.DMA for _ in range(2 * _NBUF)],
        ],
    )
    def k(embT_hbm, wq_hbm, adj_hbm, out_hbm, embT_v, wq_v, table_v, rep_v,
          *bufs_and_sems):
        idx_bufs = bufs_and_sems[:_NBUF]
        res_bufs = bufs_and_sems[_NBUF:2 * _NBUF]
        red_v = bufs_and_sems[2 * _NBUF]
        in_sems = bufs_and_sems[2 * _NBUF + 1:2 * _NBUF + 1 + _NBUF]
        out_sems = bufs_and_sems[2 * _NBUF + 1 + _NBUF:]
        wid = lax.axis_index("s") * nc + lax.axis_index("c")
        base = wid * rows_per_w

        def in_copy(c, b):
            return pltpu.make_async_copy(
                adj_hbm.at[pl.ds(base + c * rch, rch)],
                idx_bufs[b], in_sems[b])

        def out_copy(c, b):
            return pltpu.make_async_copy(
                res_bufs[b],
                out_hbm.at[pl.ds(base + c * rch, rch)], out_sems[b])

        for b0 in range(_NBUF):
            in_copy(b0, b0).start()

        pltpu.sync_copy(embT_hbm, embT_v)
        pltpu.sync_copy(wq_hbm, wq_v)

        def matvec_body(db, accs):
            wv = wq_v[pl.ds(db * _L, _L)]
            accs = list(accs)
            for j in range(_L):
                d = db * _L + j
                w = wv[j]
                for kb in range(_KB):
                    accs[kb] = accs[kb] + embT_v[pl.ds(d * _NUM_TYPES + kb * _L, _L)] * w
            return tuple(accs)

        zero = jnp.zeros((_L,), jnp.float32)
        q = lax.fori_loop(0, _ATT_DIM // _L, matvec_body, (zero,) * _KB)

        lanes = lax.iota(jnp.int32, _L)

        def xlane_reduce(v, op):
            for k_sh in (8, 4, 2, 1):
                red_v[pl.ds(0, _L)] = v
                v = op(v, plsc.load_gather(red_v, [lanes ^ k_sh]))
            return v

        m = xlane_reduce(
            jnp.maximum(jnp.maximum(q[0], q[1]), jnp.maximum(q[2], q[3])),
            jnp.maximum,
        )
        e = tuple(jnp.exp(q[kb] - m) for kb in range(_KB))
        s = xlane_reduce(e[0] + e[1] + e[2] + e[3], jnp.add)
        t0 = jnp.where(lanes == 0, jnp.float32(0.0), e[0] / s)
        table_v[pl.ds(0, _L)] = t0
        for kb in range(1, _KB):
            table_v[pl.ds(kb * _L, _L)] = e[kb] / s

        def rep_body(j, _):
            jv = lax.broadcast_in_dim(j, (_L,), ())
            rep_v[pl.ds(j * _L, _L)] = plsc.load_gather(table_v, [jv])
            return 0

        lax.fori_loop(0, _NUM_TYPES, rep_body, 0)

        def outer(grp, _):
            for b in range(_NBUF):
                c = grp * _NBUF + b
                in_copy(c, b).wait()

                @pl.when(c >= _NBUF)
                def _():
                    out_copy(c - _NBUF, b).wait()

                @plsc.parallel_loop(0, rch * vecs_per_row, unroll=8)
                def inner(i):
                    r = i >> 5
                    col = (i & (vecs_per_row - 1)) * _L
                    idx = idx_bufs[b][r, pl.ds(col, _L)]
                    gidx = (idx << 4) + lanes
                    res_bufs[b][r, pl.ds(col, _L)] = plsc.load_gather(
                        rep_v, [gidx])

                out_copy(c, b).start()

                @pl.when(c + _NBUF < n_chunks)
                def _():
                    in_copy(c + _NBUF, b).start()

            return 0

        lax.fori_loop(0, n_chunks // _NBUF, outer, 0)
        for b0 in range(_NBUF):
            out_copy(n_chunks - _NBUF + b0, b0).wait()

    return k(embT_flat, wq, adj2d)


def kernel(dep_emb_weight, syn_dep_adj, overall_max_len, batch_size, W_q, b_q):
    del overall_max_len, batch_size, b_q
    b, lq, lk = syn_dep_adj.shape
    embT = dep_emb_weight.T.reshape(-1)
    wq = W_q.reshape(-1)
    adj2d = syn_dep_adj.reshape(b * lq, lk)
    out = _dep_type_sc(embT, wq, adj2d)
    return out.reshape(b, lq, lk)

# --- scband reference (transcript-rebuilt; emitter-appended) ---
"""Pipeline reference for scband-dep-type-9036611191407 (READ-ONLY COPY).

The authoritative reference and input builder live on the scoring server;
editing this copy changes nothing except your own understanding.
"""

import jax, jax.numpy as jnp
import numpy as np

NUM_DEP_TYPES = 64
ATT_DIM = 256
BATCH = 16
MAX_LEN = 512


def setup_inputs(seed: int = 0) -> dict:
    key = jax.random.key(seed)
    k1, k2, k3, k4 = jax.random.split(key, 4)
    dep_emb_weight = jax.random.normal(k1, (NUM_DEP_TYPES, ATT_DIM), dtype=jnp.float32)
    syn_dep_adj = jax.random.randint(k2, (BATCH, MAX_LEN, MAX_LEN), 0, NUM_DEP_TYPES, dtype=jnp.int64 if jax.config.jax_enable_x64 else jnp.int32).astype(jnp.int32)
    W_q = jax.random.normal(k3, (1, ATT_DIM), dtype=jnp.float32) * (1.0 / np.sqrt(ATT_DIM))
    b_q = jax.random.normal(k4, (1,), dtype=jnp.float32) * 0.01
    return {
        'dep_emb_weight': dep_emb_weight,
        'syn_dep_adj': syn_dep_adj,
        'overall_max_len': MAX_LEN,
        'batch_size': BATCH,
        'W_q': W_q,
        'b_q': b_q,
    }


def reference(dep_emb_weight, syn_dep_adj, overall_max_len, batch_size, W_q, b_q):
    # query = self.q(dep_emb_weight).T  -> [1, num_types]
    query = (dep_emb_weight @ W_q.T + b_q).T
    # softmax over last dim (num_types)
    attention_scores = jax.nn.softmax(query, axis=-1)
    # unsqueeze(0).repeat(batch_size, overall_max_len, 1) -> [B, L, num_types]
    static_batch = syn_dep_adj.shape[0]
    static_max_len = syn_dep_adj.shape[1]
    attention_scores = jnp.broadcast_to(
        attention_scores[None, :, :],
        (static_batch, static_max_len, attention_scores.shape[-1]),
    )
    # gather along dim 2 with syn_dep_adj [B, L, L]
    att_adj = jnp.take_along_axis(attention_scores, syn_dep_adj, axis=2)
    # zero out positions where adj == 0
    att_adj = jnp.where(syn_dep_adj == 0, jnp.float32(0.0), att_adj)
    zero_dep = (jnp.asarray(batch_size) * 0 + jnp.asarray(overall_max_len) * 0).astype(att_adj.dtype)
    att_adj = att_adj + zero_dep
    return att_adj

if __name__ == "__main__":
    import jax
    _d = setup_inputs()
    print(jax.jit(kernel)(*tuple(_d.values())))

</pallas_src>

<mosaic_0001>
#map = affine_map<(d0, d1) -> (0)>
#map1 = affine_map<(d0, d1) -> (0, 0)>
module attributes {stable_mosaic.version = 14 : i64} {
  func.func @k(%arg0: i32, %arg1: i32, %arg2: memref<16384xf32, #tpu.memory_space<hbm>>, %arg3: memref<256xf32, #tpu.memory_space<hbm>>, %arg4: memref<8192x512xi32, #tpu.memory_space<hbm>>, %arg5: memref<8192x512xf32, #tpu.memory_space<hbm>>, %arg6: memref<16384xf32, #tpu.memory_space<vmem>>, %arg7: memref<256xf32, #tpu.memory_space<vmem>>, %arg8: memref<64xf32, #tpu.memory_space<vmem>>, %arg9: memref<1024xf32, #tpu.memory_space<vmem>>, %arg10: memref<8x512xi32, #tpu.memory_space<vmem>>, %arg11: memref<8x512xi32, #tpu.memory_space<vmem>>, %arg12: memref<8x512xi32, #tpu.memory_space<vmem>>, %arg13: memref<8x512xi32, #tpu.memory_space<vmem>>, %arg14: memref<8x512xi32, #tpu.memory_space<vmem>>, %arg15: memref<8x512xi32, #tpu.memory_space<vmem>>, %arg16: memref<8x512xi32, #tpu.memory_space<vmem>>, %arg17: memref<8x512xi32, #tpu.memory_space<vmem>>, %arg18: memref<8x512xf32, #tpu.memory_space<vmem>>, %arg19: memref<8x512xf32, #tpu.memory_space<vmem>>, %arg20: memref<8x512xf32, #tpu.memory_space<vmem>>, %arg21: memref<8x512xf32, #tpu.memory_space<vmem>>, %arg22: memref<8x512xf32, #tpu.memory_space<vmem>>, %arg23: memref<8x512xf32, #tpu.memory_space<vmem>>, %arg24: memref<8x512xf32, #tpu.memory_space<vmem>>, %arg25: memref<8x512xf32, #tpu.memory_space<vmem>>, %arg26: memref<16xf32, #tpu.memory_space<vmem>>, %arg27: memref<!tpu.dma_semaphore, #tpu.memory_space<semaphore_mem>>, %arg28: memref<!tpu.dma_semaphore, #tpu.memory_space<semaphore_mem>>, %arg29: memref<!tpu.dma_semaphore, #tpu.memory_space<semaphore_mem>>, %arg30: memref<!tpu.dma_semaphore, #tpu.memory_space<semaphore_mem>>, %arg31: memref<!tpu.dma_semaphore, #tpu.memory_space<semaphore_mem>>, %arg32: memref<!tpu.dma_semaphore, #tpu.memory_space<semaphore_mem>>, %arg33: memref<!tpu.dma_semaphore, #tpu.memory_space<semaphore_mem>>, %arg34: memref<!tpu.dma_semaphore, #tpu.memory_space<semaphore_mem>>, %arg35: memref<!tpu.dma_semaphore, #tpu.memory_space<semaphore_mem>>, %arg36: memref<!tpu.dma_semaphore, #tpu.memory_space<semaphore_mem>>, %arg37: memref<!tpu.dma_semaphore, #tpu.memory_space<semaphore_mem>>, %arg38: memref<!tpu.dma_semaphore, #tpu.memory_space<semaphore_mem>>, %arg39: memref<!tpu.dma_semaphore, #tpu.memory_space<semaphore_mem>>, %arg40: memref<!tpu.dma_semaphore, #tpu.memory_space<semaphore_mem>>, %arg41: memref<!tpu.dma_semaphore, #tpu.memory_space<semaphore_mem>>, %arg42: memref<!tpu.dma_semaphore, #tpu.memory_space<semaphore_mem>>) attributes {dimension_semantics = [#tpu.dimension_semantics<core_parallel>, #tpu.dimension_semantics<subcore_parallel>], iteration_bounds = array<i64: 2, 16>, scalar_prefetch = 0 : i64, scratch_operands = 37 : i64, tpu.core_type = #tpu.core_type<sc_vector_subcore>, window_params = [{transform_indices = #map}, {transform_indices = #map}, {transform_indices = #map1}, {transform_indices = #map1}]} {
    %mul3A = arith.constant 2 : i32
    %mul3A_0 = arith.muli %arg1, %mul3A : i32
    %add3A = arith.addi %mul3A_0, %arg0 : i32
    %mul3A_1 = arith.constant 256 : i32
    %mul3A_2 = arith.muli %add3A, %mul3A_1 : i32
    %add3A_3 = arith.constant 0 : i32
    %add3A_4 = arith.addi %mul3A_2, %add3A_3 : i32
    %dma_start3A = arith.constant 0 : i32
    %dma_start3A_5 = tpu.memref_slice %arg4[%add3A_4, %dma_start3A] : memref<8192x512xi32, #tpu.memory_space<hbm>> -> memref<8x512xi32, #tpu.memory_space<hbm>>
    %dma_start3A_6 = arith.constant 0 : i32
    %dma_start3A_7 = tpu.memref_slice %arg4[%add3A_4, %dma_start3A_6] : memref<8192x512xi32, #tpu.memory_space<hbm>> -> memref<8x512xi32, #tpu.memory_space<hbm>>
    tpu.enqueue_dma source(%dma_start3A_7 : memref<8x512xi32, #tpu.memory_space<hbm>>) target(%arg10 : memref<8x512xi32, #tpu.memory_space<vmem>>) target_semaphore(%arg27 : memref<!tpu.dma_semaphore, #tpu.memory_space<semaphore_mem>>)
    %add3A_8 = arith.constant 8 : i32
    %add3A_9 = arith.addi %mul3A_2, %add3A_8 : i32
    %dma_start3A_10 = arith.constant 0 : i32
    %dma_start3A_11 = tpu.memref_slice %arg4[%add3A_9, %dma_start3A_10] : memref<8192x512xi32, #tpu.memory_space<hbm>> -> memref<8x512xi32, #tpu.memory_space<hbm>>
    %dma_start3A_12 = arith.constant 0 : i32
    %dma_start3A_13 = tpu.memref_slice %arg4[%add3A_9, %dma_start3A_12] : memref<8192x512xi32, #tpu.memory_space<hbm>> -> memref<8x512xi32, #tpu.memory_space<hbm>>
    tpu.enqueue_dma source(%dma_start3A_13 : memref<8x512xi32, #tpu.memory_space<hbm>>) target(%arg11 : memref<8x512xi32, #tpu.memory_space<vmem>>) target_semaphore(%arg28 : memref<!tpu.dma_semaphore, #tpu.memory_space<semaphore_mem>>)
    %add3A_14 = arith.constant 16 : i32
    %add3A_15 = arith.addi %mul3A_2, %add3A_14 : i32
    %dma_start3A_16 = arith.constant 0 : i32
    %dma_start3A_17 = tpu.memref_slice %arg4[%add3A_15, %dma_start3A_16] : memref<8192x512xi32, #tpu.memory_space<hbm>> -> memref<8x512xi32, #tpu.memory_space<hbm>>
    %dma_start3A_18 = arith.constant 0 : i32
    %dma_start3A_19 = tpu.memref_slice %arg4[%add3A_15, %dma_start3A_18] : memref<8192x512xi32, #tpu.memory_space<hbm>> -> memref<8x512xi32, #tpu.memory_space<hbm>>
    tpu.enqueue_dma source(%dma_start3A_19 : memref<8x512xi32, #tpu.memory_space<hbm>>) target(%arg12 : memref<8x512xi32, #tpu.memory_space<vmem>>) target_semaphore(%arg29 : memref<!tpu.dma_semaphore, #tpu.memory_space<semaphore_mem>>)
    %add3A_20 = arith.constant 24 : i32
    %add3A_21 = arith.addi %mul3A_2, %add3A_20 : i32
    %dma_start3A_22 = arith.constant 0 : i32
    %dma_start3A_23 = tpu.memref_slice %arg4[%add3A_21, %dma_start3A_22] : memref<8192x512xi32, #tpu.memory_space<hbm>> -> memref<8x512xi32, #tpu.memory_space<hbm>>
    %dma_start3A_24 = arith.constant 0 : i32
    %dma_start3A_25 = tpu.memref_slice %arg4[%add3A_21, %dma_start3A_24] : memref<8192x512xi32, #tpu.memory_space<hbm>> -> memref<8x512xi32, #tpu.memory_space<hbm>>
    tpu.enqueue_dma source(%dma_start3A_25 : memref<8x512xi32, #tpu.memory_space<hbm>>) target(%arg13 : memref<8x512xi32, #tpu.memory_space<vmem>>) target_semaphore(%arg30 : memref<!tpu.dma_semaphore, #tpu.memory_space<semaphore_mem>>)
    %add3A_26 = arith.constant 32 : i32
    %add3A_27 = arith.addi %mul3A_2, %add3A_26 : i32
    %dma_start3A_28 = arith.constant 0 : i32
    %dma_start3A_29 = tpu.memref_slice %arg4[%add3A_27, %dma_start3A_28] : memref<8192x512xi32, #tpu.memory_space<hbm>> -> memref<8x512xi32, #tpu.memory_space<hbm>>
    %dma_start3A_30 = arith.constant 0 : i32
    %dma_start3A_31 = tpu.memref_slice %arg4[%add3A_27, %dma_start3A_30] : memref<8192x512xi32, #tpu.memory_space<hbm>> -> memref<8x512xi32, #tpu.memory_space<hbm>>
    tpu.enqueue_dma source(%dma_start3A_31 : memref<8x512xi32, #tpu.memory_space<hbm>>) target(%arg14 : memref<8x512xi32, #tpu.memory_space<vmem>>) target_semaphore(%arg31 : memref<!tpu.dma_semaphore, #tpu.memory_space<semaphore_mem>>)
    %add3A_32 = arith.constant 40 : i32
    %add3A_33 = arith.addi %mul3A_2, %add3A_32 : i32
    %dma_start3A_34 = arith.constant 0 : i32
    %dma_start3A_35 = tpu.memref_slice %arg4[%add3A_33, %dma_start3A_34] : memref<8192x512xi32, #tpu.memory_space<hbm>> -> memref<8x512xi32, #tpu.memory_space<hbm>>
    %dma_start3A_36 = arith.constant 0 : i32
    %dma_start3A_37 = tpu.memref_slice %arg4[%add3A_33, %dma_start3A_36] : memref<8192x512xi32, #tpu.memory_space<hbm>> -> memref<8x512xi32, #tpu.memory_space<hbm>>
    tpu.enqueue_dma source(%dma_start3A_37 : memref<8x512xi32, #tpu.memory_space<hbm>>) target(%arg15 : memref<8x512xi32, #tpu.memory_space<vmem>>) target_semaphore(%arg32 : memref<!tpu.dma_semaphore, #tpu.memory_space<semaphore_mem>>)
    %add3A_38 = arith.constant 48 : i32
    %add3A_39 = arith.addi %mul3A_2, %add3A_38 : i32
    %dma_start3A_40 = arith.constant 0 : i32
    %dma_start3A_41 = tpu.memref_slice %arg4[%add3A_39, %dma_start3A_40] : memref<8192x512xi32, #tpu.memory_space<hbm>> -> memref<8x512xi32, #tpu.memory_space<hbm>>
    %dma_start3A_42 = arith.constant 0 : i32
    %dma_start3A_43 = tpu.memref_slice %arg4[%add3A_39, %dma_start3A_42] : memref<8192x512xi32, #tpu.memory_space<hbm>> -> memref<8x512xi32, #tpu.memory_space<hbm>>
    tpu.enqueue_dma source(%dma_start3A_43 : memref<8x512xi32, #tpu.memory_space<hbm>>) target(%arg16 : memref<8x512xi32, #tpu.memory_space<vmem>>) target_semaphore(%arg33 : memref<!tpu.dma_semaphore, #tpu.memory_space<semaphore_mem>>)
    %add3A_44 = arith.constant 56 : i32
    %add3A_45 = arith.addi %mul3A_2, %add3A_44 : i32
    %dma_start3A_46 = arith.constant 0 : i32
    %dma_start3A_47 = tpu.memref_slice %arg4[%add3A_45, %dma_start3A_46] : memref<8192x512xi32, #tpu.memory_space<hbm>> -> memref<8x512xi32, #tpu.memory_space<hbm>>
    %dma_start3A_48 = arith.constant 0 : i32
    %dma_start3A_49 = tpu.memref_slice %arg4[%add3A_45, %dma_start3A_48] : memref<8192x512xi32, #tpu.memory_space<hbm>> -> memref<8x512xi32, #tpu.memory_space<hbm>>
    tpu.enqueue_dma source(%dma_start3A_49 : memref<8x512xi32, #tpu.memory_space<hbm>>) target(%arg17 : memref<8x512xi32, #tpu.memory_space<vmem>>) target_semaphore(%arg34 : memref<!tpu.dma_semaphore, #tpu.memory_space<semaphore_mem>>)
    "tpu.region"() ({
      %run_scoped3A = tpu.sem_alloc : memref<!tpu.dma_semaphore, #tpu.memory_space<semaphore_mem>>
      tpu.enqueue_dma source(%arg2 : memref<16384xf32, #tpu.memory_space<hbm>>) target(%arg6 : memref<16384xf32, #tpu.memory_space<vmem>>) target_semaphore(%run_scoped3A : memref<!tpu.dma_semaphore, #tpu.memory_space<semaphore_mem>>)
      tpu.wait_dma2 semaphore(%run_scoped3A : memref<!tpu.dma_semaphore, #tpu.memory_space<semaphore_mem>>) src(%arg2 : memref<16384xf32, #tpu.memory_space<hbm>>) dst(%arg6 : memref<16384xf32, #tpu.memory_space<vmem>>)
      tpu.yield
    }) : () -> ()
    "tpu.region"() ({
      %run_scoped3A = tpu.sem_alloc : memref<!tpu.dma_semaphore, #tpu.memory_space<semaphore_mem>>
      tpu.enqueue_dma source(%arg3 : memref<256xf32, #tpu.memory_space<hbm>>) target(%arg7 : memref<256xf32, #tpu.memory_space<vmem>>) target_semaphore(%run_scoped3A : memref<!tpu.dma_semaphore, #tpu.memory_space<semaphore_mem>>)
      tpu.wait_dma2 semaphore(%run_scoped3A : memref<!tpu.dma_semaphore, #tpu.memory_space<semaphore_mem>>) src(%arg3 : memref<256xf32, #tpu.memory_space<hbm>>) dst(%arg7 : memref<256xf32, #tpu.memory_space<vmem>>)
      tpu.yield
    }) : () -> ()
    %broadcast_in_dim3A = arith.constant 0.000000e+00 : f32
    %broadcast_in_dim3A_50 = vector.broadcast %broadcast_in_dim3A : f32 to vector<16xf32>
    %scan3A = arith.constant 0 : i32
    %scan3A_51 = arith.constant 16 : i32
    %scan3A_52 = arith.addi %scan3A, %scan3A_51 : i32
    %scan3A_53 = arith.constant 1 : i32
    %scan3A_54:4 = scf.for %scan3A_195 = %scan3A to %scan3A_52 step %scan3A_53 iter_args(%scan3A_196 = %broadcast_in_dim3A_50, %scan3A_197 = %broadcast_in_dim3A_50, %scan3A_198 = %broadcast_in_dim3A_50, %scan3A_199 = %broadcast_in_dim3A_50) -> (vector<16xf32>, vector<16xf32>, vector<16xf32>, vector<16xf32>)  : i32 {
      %mul3A_200 = arith.constant 16 : i32
      %mul3A_201 = arith.muli %scan3A_195, %mul3A_200 : i32
      %get3A = arith.index_cast %mul3A_201 : i32 to index
      %get3A_202 = tpu.vector_load %arg7[%get3A] {strides = array<i32>} : memref<256xf32, #tpu.memory_space<vmem>>, vector<16xf32>,
      %mul3A_203 = arith.constant 16 : i32
      %mul3A_204 = arith.muli %scan3A_195, %mul3A_203 : i32
      %add3A_205 = arith.constant 0 : i32
      %add3A_206 = arith.addi %mul3A_204, %add3A_205 : i32
      %slice3A = vector.extract_strided_slice %get3A_202 {offsets = [0], sizes = [1], strides = [1]} : vector<16xf32> to vector<1xf32>
      %squeeze3A = vector.extract %slice3A[0] : f32 from vector<1xf32>
      %mul3A_207 = arith.constant 64 : i32
      %mul3A_208 = arith.muli %add3A_206, %mul3A_207 : i32
      %add3A_209 = arith.constant 0 : i32
      %add3A_210 = arith.addi %mul3A_208, %add3A_209 : i32
      %get3A_211 = arith.index_cast %add3A_210 : i32 to index
      %get3A_212 = tpu.vector_load %arg6[%get3A_211] {strides = array<i32>} : memref<16384xf32, #tpu.memory_space<vmem>>, vector<16xf32>,
      %mul3A_213 = vector.broadcast %squeeze3A : f32 to vector<16xf32>
      %mul3A_214 = arith.mulf %get3A_212, %mul3A_213 : vector<16xf32>
      %add3A_215 = arith.addf %scan3A_196, %mul3A_214 : vector<16xf32>
      %mul3A_216 = arith.constant 64 : i32
      %mul3A_217 = arith.muli %add3A_206, %mul3A_216 : i32
      %add3A_218 = arith.constant 16 : i32
      %add3A_219 = arith.addi %mul3A_217, %add3A_218 : i32
      %get3A_220 = arith.index_cast %add3A_219 : i32 to index
      %get3A_221 = tpu.vector_load %arg6[%get3A_220] {strides = array<i32>} : memref<16384xf32, #tpu.memory_space<vmem>>, vector<16xf32>,
      %mul3A_222 = vector.broadcast %squeeze3A : f32 to vector<16xf32>
      %mul3A_223 = arith.mulf %get3A_221, %mul3A_222 : vector<16xf32>
      %add3A_224 = arith.addf %scan3A_197, %mul3A_223 : vector<16xf32>
      %mul3A_225 = arith.constant 64 : i32
      %mul3A_226 = arith.muli %add3A_206, %mul3A_225 : i32
      %add3A_227 = arith.constant 32 : i32
      %add3A_228 = arith.addi %mul3A_226, %add3A_227 : i32
      %get3A_229 = arith.index_cast %add3A_228 : i32 to index
      %get3A_230 = tpu.vector_load %arg6[%get3A_229] {strides = array<i32>} : memref<16384xf32, #tpu.memory_space<vmem>>, vector<16xf32>,
      %mul3A_231 = vector.broadcast %squeeze3A : f32 to vector<16xf32>
      %mul3A_232 = arith.mulf %get3A_230, %mul3A_231 : vector<16xf32>
      %add3A_233 = arith.addf %scan3A_198, %mul3A_232 : vector<16xf32>
      %mul3A_234 = arith.constant 64 : i32
      %mul3A_235 = arith.muli %add3A_206, %mul3A_234 : i32
      %add3A_236 = arith.constant 48 : i32
      %add3A_237 = arith.addi %mul3A_235, %add3A_236 : i32
      %get3A_238 = arith.index_cast %add3A_237 : i32 to index
      %get3A_239 = tpu.vector_load %arg6[%get3A_238] {strides = array<i32>} : memref<16384xf32, #tpu.memory_space<vmem>>, vector<16xf32>,
      %mul3A_240 = vector.broadcast %squeeze3A : f32 to vector<16xf32>
      %mul3A_241 = arith.mulf %get3A_239, %mul3A_240 : vector<16xf32>
      %add3A_242 = arith.addf %scan3A_199, %mul3A_241 : vector<16xf32>
      %mul3A_243 = arith.constant 16 : i32
      %mul3A_244 = arith.muli %scan3A_195, %mul3A_243 : i32
      %add3A_245 = arith.constant 1 : i32
      %add3A_246 = arith.addi %mul3A_244, %add3A_245 : i32
      %slice3A_247 = vector.extract_strided_slice %get3A_202 {offsets = [1], sizes = [1], strides = [1]} : vector<16xf32> to vector<1xf32>
      %squeeze3A_248 = vector.extract %slice3A_247[0] : f32 from vector<1xf32>
      %mul3A_249 = arith.constant 64 : i32
      %mul3A_250 = arith.muli %add3A_246, %mul3A_249 : i32
      %add3A_251 = arith.constant 0 : i32
      %add3A_252 = arith.addi %mul3A_250, %add3A_251 : i32
      %get3A_253 = arith.index_cast %add3A_252 : i32 to index
      %get3A_254 = tpu.vector_load %arg6[%get3A_253] {strides = array<i32>} : memref<16384xf32, #tpu.memory_space<vmem>>, vector<16xf32>,
      %mul3A_255 = vector.broadcast %squeeze3A_248 : f32 to vector<16xf32>
      %mul3A_256 = arith.mulf %get3A_254, %mul3A_255 : vector<16xf32>
      %add3A_257 = arith.addf %add3A_215, %mul3A_256 : vector<16xf32>
      %mul3A_258 = arith.constant 64 : i32
      %mul3A_259 = arith.muli %add3A_246, %mul3A_258 : i32
      %add3A_260 = arith.constant 16 : i32
      %add3A_261 = arith.addi %mul3A_259, %add3A_260 : i32
      %get3A_262 = arith.index_cast %add3A_261 : i32 to index
      %get3A_263 = tpu.vector_load %arg6[%get3A_262] {strides = array<i32>} : memref<16384xf32, #tpu.memory_space<vmem>>, vector<16xf32>,
      %mul3A_264 = vector.broadcast %squeeze3A_248 : f32 to vector<16xf32>
      %mul3A_265 = arith.mulf %get3A_263, %mul3A_264 : vector<16xf32>
      %add3A_266 = arith.addf %add3A_224, %mul3A_265 : vector<16xf32>
      %mul3A_267 = arith.constant 64 : i32
      %mul3A_268 = arith.muli %add3A_246, %mul3A_267 : i32
      %add3A_269 = arith.constant 32 : i32
      %add3A_270 = arith.addi %mul3A_268, %add3A_269 : i32
      %get3A_271 = arith.index_cast %add3A_270 : i32 to index
      %get3A_272 = tpu.vector_load %arg6[%get3A_271] {strides = array<i32>} : memref<16384xf32, #tpu.memory_space<vmem>>, vector<16xf32>,
      %mul3A_273 = vector.broadcast %squeeze3A_248 : f32 to vector<16xf32>
      %mul3A_274 = arith.mulf %get3A_272, %mul3A_273 : vector<16xf32>
      %add3A_275 = arith.addf %add3A_233, %mul3A_274 : vector<16xf32>
      %mul3A_276 = arith.constant 64 : i32
      %mul3A_277 = arith.muli %add3A_246, %mul3A_276 : i32
      %add3A_278 = arith.constant 48 : i32
      %add3A_279 = arith.addi %mul3A_277, %add3A_278 : i32
      %get3A_280 = arith.index_cast %add3A_279 : i32 to index
      %get3A_281 = tpu.vector_load %arg6[%get3A_280] {strides = array<i32>} : memref<16384xf32, #tpu.memory_space<vmem>>, vector<16xf32>,
      %mul3A_282 = vector.broadcast %squeeze3A_248 : f32 to vector<16xf32>
      %mul3A_283 = arith.mulf %get3A_281, %mul3A_282 : vector<16xf32>
      %add3A_284 = arith.addf %add3A_242, %mul3A_283 : vector<16xf32>
      %mul3A_285 = arith.constant 16 : i32
      %mul3A_286 = arith.muli %scan3A_195, %mul3A_285 : i32
      %add3A_287 = arith.constant 2 : i32
      %add3A_288 = arith.addi %mul3A_286, %add3A_287 : i32
      %slice3A_289 = vector.extract_strided_slice %get3A_202 {offsets = [2], sizes = [1], strides = [1]} : vector<16xf32> to vector<1xf32>
      %squeeze3A_290 = vector.extract %slice3A_289[0] : f32 from vector<1xf32>
      %mul3A_291 = arith.constant 64 : i32
      %mul3A_292 = arith.muli %add3A_288, %mul3A_291 : i32
      %add3A_293 = arith.constant 0 : i32
      %add3A_294 = arith.addi %mul3A_292, %add3A_293 : i32
      %get3A_295 = arith.index_cast %add3A_294 : i32 to index
      %get3A_296 = tpu.vector_load %arg6[%get3A_295] {strides = array<i32>} : memref<16384xf32, #tpu.memory_space<vmem>>, vector<16xf32>,
      %mul3A_297 = vector.broadcast %squeeze3A_290 : f32 to vector<16xf32>
      %mul3A_298 = arith.mulf %get3A_296, %mul3A_297 : vector<16xf32>
      %add3A_299 = arith.addf %add3A_257, %mul3A_298 : vector<16xf32>
      %mul3A_300 = arith.constant 64 : i32
      %mul3A_301 = arith.muli %add3A_288, %mul3A_300 : i32
      %add3A_302 = arith.constant 16 : i32
      %add3A_303 = arith.addi %mul3A_301, %add3A_302 : i32
      %get3A_304 = arith.index_cast %add3A_303 : i32 to index
      %get3A_305 = tpu.vector_load %arg6[%get3A_304] {strides = array<i32>} : memref<16384xf32, #tpu.memory_space<vmem>>, vector<16xf32>,
      %mul3A_306 = vector.broadcast %squeeze3A_290 : f32 to vector<16xf32>
      %mul3A_307 = arith.mulf %get3A_305, %mul3A_306 : vector<16xf32>
      %add3A_308 = arith.addf %add3A_266, %mul3A_307 : vector<16xf32>
      %mul3A_309 = arith.constant 64 : i32
      %mul3A_310 = arith.muli %add3A_288, %mul3A_309 : i32
      %add3A_311 = arith.constant 32 : i32
      %add3A_312 = arith.addi %mul3A_310, %add3A_311 : i32
      %get3A_313 = arith.index_cast %add3A_312 : i32 to index
      %get3A_314 = tpu.vector_load %arg6[%get3A_313] {strides = array<i32>} : memref<16384xf32, #tpu.memory_space<vmem>>, vector<16xf32>,
      %mul3A_315 = vector.broadcast %squeeze3A_290 : f32 to vector<16xf32>
      %mul3A_316 = arith.mulf %get3A_314, %mul3A_315 : vector<16xf32>
      %add3A_317 = arith.addf %add3A_275, %mul3A_316 : vector<16xf32>
      %mul3A_318 = arith.constant 64 : i32
      %mul3A_319 = arith.muli %add3A_288, %mul3A_318 : i32
      %add3A_320 = arith.constant 48 : i32
      %add3A_321 = arith.addi %mul3A_319, %add3A_320 : i32
      %get3A_322 = arith.index_cast %add3A_321 : i32 to index
      %get3A_323 = tpu.vector_load %arg6[%get3A_322] {strides = array<i32>} : memref<16384xf32, #tpu.memory_space<vmem>>, vector<16xf32>,
      %mul3A_324 = vector.broadcast %squeeze3A_290 : f32 to vector<16xf32>
      %mul3A_325 = arith.mulf %get3A_323, %mul3A_324 : vector<16xf32>
      %add3A_326 = arith.addf %add3A_284, %mul3A_325 : vector<16xf32>
      %mul3A_327 = arith.constant 16 : i32
      %mul3A_328 = arith.muli %scan3A_195, %mul3A_327 : i32
      %add3A_329 = arith.constant 3 : i32
      %add3A_330 = arith.addi %mul3A_328, %add3A_329 : i32
      %slice3A_331 = vector.extract_strided_slice %get3A_202 {offsets = [3], sizes = [1], strides = [1]} : vector<16xf32> to vector<1xf32>
      %squeeze3A_332 = vector.extract %slice3A_331[0] : f32 from vector<1xf32>
      %mul3A_333 = arith.constant 64 : i32
      %mul3A_334 = arith.muli %add3A_330, %mul3A_333 : i32
      %add3A_335 = arith.constant 0 : i32
      %add3A_336 = arith.addi %mul3A_334, %add3A_335 : i32
      %get3A_337 = arith.index_cast %add3A_336 : i32 to index
      %get3A_338 = tpu.vector_load %arg6[%get3A_337] {strides = array<i32>} : memref<16384xf32, #tpu.memory_space<vmem>>, vector<16xf32>,
      %mul3A_339 = vector.broadcast %squeeze3A_332 : f32 to vector<16xf32>
      %mul3A_340 = arith.mulf %get3A_338, %mul3A_339 : vector<16xf32>
      %add3A_341 = arith.addf %add3A_299, %mul3A_340 : vector<16xf32>
      %mul3A_342 = arith.constant 64 : i32
      %mul3A_343 = arith.muli %add3A_330, %mul3A_342 : i32
      %add3A_344 = arith.constant 16 : i32
      %add3A_345 = arith.addi %mul3A_343, %add3A_344 : i32
      %get3A_346 = arith.index_cast %add3A_345 : i32 to index
      %get3A_347 = tpu.vector_load %arg6[%get3A_346] {strides = array<i32>} : memref<16384xf32, #tpu.memory_space<vmem>>, vector<16xf32>,
      %mul3A_348 = vector.broadcast %squeeze3A_332 : f32 to vector<16xf32>
      %mul3A_349 = arith.mulf %get3A_347, %mul3A_348 : vector<16xf32>
      %add3A_350 = arith.addf %add3A_308, %mul3A_349 : vector<16xf32>
      %mul3A_351 = arith.constant 64 : i32
      %mul3A_352 = arith.muli %add3A_330, %mul3A_351 : i32
      %add3A_353 = arith.constant 32 : i32
      %add3A_354 = arith.addi %mul3A_352, %add3A_353 : i32
      %get3A_355 = arith.index_cast %add3A_354 : i32 to index
      %get3A_356 = tpu.vector_load %arg6[%get3A_355] {strides = array<i32>} : memref<16384xf32, #tpu.memory_space<vmem>>, vector<16xf32>,
      %mul3A_357 = vector.broadcast %squeeze3A_332 : f32 to vector<16xf32>
      %mul3A_358 = arith.mulf %get3A_356, %mul3A_357 : vector<16xf32>
      %add3A_359 = arith.addf %add3A_317, %mul3A_358 : vector<16xf32>
      %mul3A_360 = arith.constant 64 : i32
      %mul3A_361 = arith.muli %add3A_330, %mul3A_360 : i32
      %add3A_362 = arith.constant 48 : i32
      %add3A_363 = arith.addi %mul3A_361, %add3A_362 : i32
      %get3A_364 = arith.index_cast %add3A_363 : i32 to index
      %get3A_365 = tpu.vector_load %arg6[%get3A_364] {strides = array<i32>} : memref<16384xf32, #tpu.memory_space<vmem>>, vector<16xf32>,
      %mul3A_366 = vector.broadcast %squeeze3A_332 : f32 to vector<16xf32>
      %mul3A_367 = arith.mulf %get3A_365, %mul3A_366 : vector<16xf32>
      %add3A_368 = arith.addf %add3A_326, %mul3A_367 : vector<16xf32>
      %mul3A_369 = arith.constant 16 : i32
      %mul3A_370 = arith.muli %scan3A_195, %mul3A_369 : i32
      %add3A_371 = arith.constant 4 : i32
      %add3A_372 = arith.addi %mul3A_370, %add3A_371 : i32
      %slice3A_373 = vector.extract_strided_slice %get3A_202 {offsets = [4], sizes = [1], strides = [1]} : vector<16xf32> to vector<1xf32>
      %squeeze3A_374 = vector.extract %slice3A_373[0] : f32 from vector<1xf32>
      %mul3A_375 = arith.constant 64 : i32
      %mul3A_376 = arith.muli %add3A_372, %mul3A_375 : i32
      %add3A_377 = arith.constant 0 : i32
      %add3A_378 = arith.addi %mul3A_376, %add3A_377 : i32
      %get3A_379 = arith.index_cast %add3A_378 : i32 to index
      %get3A_380 = tpu.vector_load %arg6[%get3A_379] {strides = array<i32>} : memref<16384xf32, #tpu.memory_space<vmem>>, vector<16xf32>,
      %mul3A_381 = vector.broadcast %squeeze3A_374 : f32 to vector<16xf32>
      %mul3A_382 = arith.mulf %get3A_380, %mul3A_381 : vector<16xf32>
      %add3A_383 = arith.addf %add3A_341, %mul3A_382 : vector<16xf32>
      %mul3A_384 = arith.constant 64 : i32
      %mul3A_385 = arith.muli %add3A_372, %mul3A_384 : i32
      %add3A_386 = arith.constant 16 : i32
      %add3A_387 = arith.addi %mul3A_385, %add3A_386 : i32
      %get3A_388 = arith.index_cast %add3A_387 : i32 to index
      %get3A_389 = tpu.vector_load %arg6[%get3A_388] {strides = array<i32>} : memref<16384xf32, #tpu.memory_space<vmem>>, vector<16xf32>,
      %mul3A_390 = vector.broadcast %squeeze3A_374 : f32 to vector<16xf32>
      %mul3A_391 = arith.mulf %get3A_389, %mul3A_390 : vector<16xf32>
      %add3A_392 = arith.addf %add3A_350, %mul3A_391 : vector<16xf32>
      %mul3A_393 = arith.constant 64 : i32
      %mul3A_394 = arith.muli %add3A_372, %mul3A_393 : i32
      %add3A_395 = arith.constant 32 : i32
      %add3A_396 = arith.addi %mul3A_394, %add3A_395 : i32
      %get3A_397 = arith.index_cast %add3A_396 : i32 to index
      %get3A_398 = tpu.vector_load %arg6[%get3A_397] {strides = array<i32>} : memref<16384xf32, #tpu.memory_space<vmem>>, vector<16xf32>,
      %mul3A_399 = vector.broadcast %squeeze3A_374 : f32 to vector<16xf32>
      %mul3A_400 = arith.mulf %get3A_398, %mul3A_399 : vector<16xf32>
      %add3A_401 = arith.addf %add3A_359, %mul3A_400 : vector<16xf32>
      %mul3A_402 = arith.constant 64 : i32
      %mul3A_403 = arith.muli %add3A_372, %mul3A_402 : i32
      %add3A_404 = arith.constant 48 : i32
      %add3A_405 = arith.addi %mul3A_403, %add3A_404 : i32
      %get3A_406 = arith.index_cast %add3A_405 : i32 to index
      %get3A_407 = tpu.vector_load %arg6[%get3A_406] {strides = array<i32>} : memref<16384xf32, #tpu.memory_space<vmem>>, vector<16xf32>,
      %mul3A_408 = vector.broadcast %squeeze3A_374 : f32 to vector<16xf32>
      %mul3A_409 = arith.mulf %get3A_407, %mul3A_408 : vector<16xf32>
      %add3A_410 = arith.addf %add3A_368, %mul3A_409 : vector<16xf32>
      %mul3A_411 = arith.constant 16 : i32
      %mul3A_412 = arith.muli %scan3A_195, %mul3A_411 : i32
      %add3A_413 = arith.constant 5 : i32
      %add3A_414 = arith.addi %mul3A_412, %add3A_413 : i32
      %slice3A_415 = vector.extract_strided_slice %get3A_202 {offsets = [5], sizes = [1], strides = [1]} : vector<16xf32> to vector<1xf32>
      %squeeze3A_416 = vector.extract %slice3A_415[0] : f32 from vector<1xf32>
      %mul3A_417 = arith.constant 64 : i32
      %mul3A_418 = arith.muli %add3A_414, %mul3A_417 : i32
      %add3A_419 = arith.constant 0 : i32
      %add3A_420 = arith.addi %mul3A_418, %add3A_419 : i32
      %get3A_421 = arith.index_cast %add3A_420 : i32 to index
      %get3A_422 = tpu.vector_load %arg6[%get3A_421] {strides = array<i32>} : memref<16384xf32, #tpu.memory_space<vmem>>, vector<16xf32>,
      %mul3A_423 = vector.broadcast %squeeze3A_416 : f32 to vector<16xf32>
      %mul3A_424 = arith.mulf %get3A_422, %mul3A_423 : vector<16xf32>
      %add3A_425 = arith.addf %add3A_383, %mul3A_424 : vector<16xf32>
      %mul3A_426 = arith.constant 64 : i32
      %mul3A_427 = arith.muli %add3A_414, %mul3A_426 : i32
      %add3A_428 = arith.constant 16 : i32
      %add3A_429 = arith.addi %mul3A_427, %add3A_428 : i32
      %get3A_430 = arith.index_cast %add3A_429 : i32 to index
      %get3A_431 = tpu.vector_load %arg6[%get3A_430] {strides = array<i32>} : memref<16384xf32, #tpu.memory_space<vmem>>, vector<16xf32>,
      %mul3A_432 = vector.broadcast %squeeze3A_416 : f32 to vector<16xf32>
      %mul3A_433 = arith.mulf %get3A_431, %mul3A_432 : vector<16xf32>
      %add3A_434 = arith.addf %add3A_392, %mul3A_433 : vector<16xf32>
      %mul3A_435 = arith.constant 64 : i32
      %mul3A_436 = arith.muli %add3A_414, %mul3A_435 : i32
      %add3A_437 = arith.constant 32 : i32
      %add3A_438 = arith.addi %mul3A_436, %add3A_437 : i32
      %get3A_439 = arith.index_cast %add3A_438 : i32 to index
      %get3A_440 = tpu.vector_load %arg6[%get3A_439] {strides = array<i32>} : memref<16384xf32, #tpu.memory_space<vmem>>, vector<16xf32>,
      %mul3A_441 = vector.broadcast %squeeze3A_416 : f32 to vector<16xf32>
      %mul3A_442 = arith.mulf %get3A_440, %mul3A_441 : vector<16xf32>
      %add3A_443 = arith.addf %add3A_401, %mul3A_442 : vector<16xf32>
      %mul3A_444 = arith.constant 64 : i32
      %mul3A_445 = arith.muli %add3A_414, %mul3A_444 : i32
      %add3A_446 = arith.constant 48 : i32
      %add3A_447 = arith.addi %mul3A_445, %add3A_446 : i32
      %get3A_448 = arith.index_cast %add3A_447 : i32 to index
      %get3A_449 = tpu.vector_load %arg6[%get3A_448] {strides = array<i32>} : memref<16384xf32, #tpu.memory_space<vmem>>, vector<16xf32>,
      %mul3A_450 = vector.broadcast %squeeze3A_416 : f32 to vector<16xf32>
      %mul3A_451 = arith.mulf %get3A_449, %mul3A_450 : vector<16xf32>
      %add3A_452 = arith.addf %add3A_410, %mul3A_451 : vector<16xf32>
      %mul3A_453 = arith.constant 16 : i32
      %mul3A_454 = arith.muli %scan3A_195, %mul3A_453 : i32
      %add3A_455 = arith.constant 6 : i32
      %add3A_456 = arith.addi %mul3A_454, %add3A_455 : i32
      %slice3A_457 = vector.extract_strided_slice %get3A_202 {offsets = [6], sizes = [1], strides = [1]} : vector<16xf32> to vector<1xf32>
      %squeeze3A_458 = vector.extract %slice3A_457[0] : f32 from vector<1xf32>
      %mul3A_459 = arith.constant 64 : i32
      %mul3A_460 = arith.muli %add3A_456, %mul3A_459 : i32
      %add3A_461 = arith.constant 0 : i32
      %add3A_462 = arith.addi %mul3A_460, %add3A_461 : i32
      %get3A_463 = arith.index_cast %add3A_462 : i32 to index
      %get3A_464 = tpu.vector_load %arg6[%get3A_463] {strides = array<i32>} : memref<16384xf32, #tpu.memory_space<vmem>>, vector<16xf32>,
      %mul3A_465 = vector.broadcast %squeeze3A_458 : f32 to vector<16xf32>
      %mul3A_466 = arith.mulf %get3A_464, %mul3A_465 : vector<16xf32>
      %add3A_467 = arith.addf %add3A_425, %mul3A_466 : vector<16xf32>
      %mul3A_468 = arith.constant 64 : i32
      %mul3A_469 = arith.muli %add3A_456, %mul3A_468 : i32
      %add3A_470 = arith.constant 16 : i32
      %add3A_471 = arith.addi %mul3A_469, %add3A_470 : i32
      %get3A_472 = arith.index_cast %add3A_471 : i32 to index
      %get3A_473 = tpu.vector_load %arg6[%get3A_472] {strides = array<i32>} : memref<16384xf32, #tpu.memory_space<vmem>>, vector<16xf32>,
      %mul3A_474 = vector.broadcast %squeeze3A_458 : f32 to vector<16xf32>
      %mul3A_475 = arith.mulf %get3A_473, %mul3A_474 : vector<16xf32>
      %add3A_476 = arith.addf %add3A_434, %mul3A_475 : vector<16xf32>
      %mul3A_477 = arith.constant 64 : i32
      %mul3A_478 = arith.muli %add3A_456, %mul3A_477 : i32
      %add3A_479 = arith.constant 32 : i32
      %add3A_480 = arith.addi %mul3A_478, %add3A_479 : i32
      %get3A_481 = arith.index_cast %add3A_480 : i32 to index
      %get3A_482 = tpu.vector_load %arg6[%get3A_481] {strides = array<i32>} : memref<16384xf32, #tpu.memory_space<vmem>>, vector<16xf32>,
      %mul3A_483 = vector.broadcast %squeeze3A_458 : f32 to vector<16xf32>
      %mul3A_484 = arith.mulf %get3A_482, %mul3A_483 : vector<16xf32>
      %add3A_485 = arith.addf %add3A_443, %mul3A_484 : vector<16xf32>
      %mul3A_486 = arith.constant 64 : i32
      %mul3A_487 = arith.muli %add3A_456, %mul3A_486 : i32
      %add3A_488 = arith.constant 48 : i32
      %add3A_489 = arith.addi %mul3A_487, %add3A_488 : i32
      %get3A_490 = arith.index_cast %add3A_489 : i32 to index
      %get3A_491 = tpu.vector_load %arg6[%get3A_490] {strides = array<i32>} : memref<16384xf32, #tpu.memory_space<vmem>>, vector<16xf32>,
      %mul3A_492 = vector.broadcast %squeeze3A_458 : f32 to vector<16xf32>
      %mul3A_493 = arith.mulf %get3A_491, %mul3A_492 : vector<16xf32>
      %add3A_494 = arith.addf %add3A_452, %mul3A_493 : vector<16xf32>
      %mul3A_495 = arith.constant 16 : i32
      %mul3A_496 = arith.muli %scan3A_195, %mul3A_495 : i32
      %add3A_497 = arith.constant 7 : i32
      %add3A_498 = arith.addi %mul3A_496, %add3A_497 : i32
      %slice3A_499 = vector.extract_strided_slice %get3A_202 {offsets = [7], sizes = [1], strides = [1]} : vector<16xf32> to vector<1xf32>
      %squeeze3A_500 = vector.extract %slice3A_499[0] : f32 from vector<1xf32>
      %mul3A_501 = arith.constant 64 : i32
      %mul3A_502 = arith.muli %add3A_498, %mul3A_501 : i32
      %add3A_503 = arith.constant 0 : i32
      %add3A_504 = arith.addi %mul3A_502, %add3A_503 : i32
      %get3A_505 = arith.index_cast %add3A_504 : i32 to index
      %get3A_506 = tpu.vector_load %arg6[%get3A_505] {strides = array<i32>} : memref<16384xf32, #tpu.memory_space<vmem>>, vector<16xf32>,
      %mul3A_507 = vector.broadcast %squeeze3A_500 : f32 to vector<16xf32>
      %mul3A_508 = arith.mulf %get3A_506, %mul3A_507 : vector<16xf32>
      %add3A_509 = arith.addf %add3A_467, %mul3A_508 : vector<16xf32>
      %mul3A_510 = arith.constant 64 : i32
      %mul3A_511 = arith.muli %add3A_498, %mul3A_510 : i32
      %add3A_512 = arith.constant 16 : i32
      %add3A_513 = arith.addi %mul3A_511, %add3A_512 : i32
      %get3A_514 = arith.index_cast %add3A_513 : i32 to index
      %get3A_515 = tpu.vector_load %arg6[%get3A_514] {strides = array<i32>} : memref<16384xf32, #tpu.memory_space<vmem>>, vector<16xf32>,
      %mul3A_516 = vector.broadcast %squeeze3A_500 : f32 to vector<16xf32>
      %mul3A_517 = arith.mulf %get3A_515, %mul3A_516 : vector<16xf32>
      %add3A_518 = arith.addf %add3A_476, %mul3A_517 : vector<16xf32>
      %mul3A_519 = arith.constant 64 : i32
      %mul3A_520 = arith.muli %add3A_498, %mul3A_519 : i32
      %add3A_521 = arith.constant 32 : i32
      %add3A_522 = arith.addi %mul3A_520, %add3A_521 : i32
      %get3A_523 = arith.index_cast %add3A_522 : i32 to index
      %get3A_524 = tpu.vector_load %arg6[%get3A_523] {strides = array<i32>} : memref<16384xf32, #tpu.memory_space<vmem>>, vector<16xf32>,
      %mul3A_525 = vector.broadcast %squeeze3A_500 : f32 to vector<16xf32>
      %mul3A_526 = arith.mulf %get3A_524, %mul3A_525 : vector<16xf32>
      %add3A_527 = arith.addf %add3A_485, %mul3A_526 : vector<16xf32>
      %mul3A_528 = arith.constant 64 : i32
      %mul3A_529 = arith.muli %add3A_498, %mul3A_528 : i32
      %add3A_530 = arith.constant 48 : i32
      %add3A_531 = arith.addi %mul3A_529, %add3A_530 : i32
      %get3A_532 = arith.index_cast %add3A_531 : i32 to index
      %get3A_533 = tpu.vector_load %arg6[%get3A_532] {strides = array<i32>} : memref<16384xf32, #tpu.memory_space<vmem>>, vector<16xf32>,
      %mul3A_534 = vector.broadcast %squeeze3A_500 : f32 to vector<16xf32>
      %mul3A_535 = arith.mulf %get3A_533, %mul3A_534 : vector<16xf32>
      %add3A_536 = arith.addf %add3A_494, %mul3A_535 : vector<16xf32>
      %mul3A_537 = arith.constant 16 : i32
      %mul3A_538 = arith.muli %scan3A_195, %mul3A_537 : i32
      %add3A_539 = arith.constant 8 : i32
      %add3A_540 = arith.addi %mul3A_538, %add3A_539 : i32
      %slice3A_541 = vector.extract_strided_slice %get3A_202 {offsets = [8], sizes = [1], strides = [1]} : vector<16xf32> to vector<1xf32>
      %squeeze3A_542 = vector.extract %slice3A_541[0] : f32 from vector<1xf32>
      %mul3A_543 = arith.constant 64 : i32
      %mul3A_544 = arith.muli %add3A_540, %mul3A_543 : i32
      %add3A_545 = arith.constant 0 : i32
      %add3A_546 = arith.addi %mul3A_544, %add3A_545 : i32
      %get3A_547 = arith.index_cast %add3A_546 : i32 to index
      %get3A_548 = tpu.vector_load %arg6[%get3A_547] {strides = array<i32>} : memref<16384xf32, #tpu.memory_space<vmem>>, vector<16xf32>,
      %mul3A_549 = vector.broadcast %squeeze3A_542 : f32 to vector<16xf32>
      %mul3A_550 = arith.mulf %get3A_548, %mul3A_549 : vector<16xf32>
      %add3A_551 = arith.addf %add3A_509, %mul3A_550 : vector<16xf32>
      %mul3A_552 = arith.constant 64 : i32
      %mul3A_553 = arith.muli %add3A_540, %mul3A_552 : i32
      %add3A_554 = arith.constant 16 : i32
      %add3A_555 = arith.addi %mul3A_553, %add3A_554 : i32
      %get3A_556 = arith.index_cast %add3A_555 : i32 to index
      %get3A_557 = tpu.vector_load %arg6[%get3A_556] {strides = array<i32>} : memref<16384xf32, #tpu.memory_space<vmem>>, vector<16xf32>,
      %mul3A_558 = vector.broadcast %squeeze3A_542 : f32 to vector<16xf32>
      %mul3A_559 = arith.mulf %get3A_557, %mul3A_558 : vector<16xf32>
      %add3A_560 = arith.addf %add3A_518, %mul3A_559 : vector<16xf32>
      %mul3A_561 = arith.constant 64 : i32
      %mul3A_562 = arith.muli %add3A_540, %mul3A_561 : i32
      %add3A_563 = arith.constant 32 : i32
      %add3A_564 = arith.addi %mul3A_562, %add3A_563 : i32
      %get3A_565 = arith.index_cast %add3A_564 : i32 to index
      %get3A_566 = tpu.vector_load %arg6[%get3A_565] {strides = array<i32>} : memref<16384xf32, #tpu.memory_space<vmem>>, vector<16xf32>,
      %mul3A_567 = vector.broadcast %squeeze3A_542 : f32 to vector<16xf32>
      %mul3A_568 = arith.mulf %get3A_566, %mul3A_567 : vector<16xf32>
      %add3A_569 = arith.addf %add3A_527, %mul3A_568 : vector<16xf32>
      %mul3A_570 = arith.constant 64 : i32
      %mul3A_571 = arith.muli %add3A_540, %mul3A_570 : i32
      %add3A_572 = arith.constant 48 : i32
      %add3A_573 = arith.addi %mul3A_571, %add3A_572 : i32
      %get3A_574 = arith.index_cast %add3A_573 : i32 to index
      %get3A_575 = tpu.vector_load %arg6[%get3A_574] {strides = array<i32>} : memref<16384xf32, #tpu.memory_space<vmem>>, vector<16xf32>,
      %mul3A_576 = vector.broadcast %squeeze3A_542 : f32 to vector<16xf32>
      %mul3A_577 = arith.mulf %get3A_575, %mul3A_576 : vector<16xf32>
      %add3A_578 = arith.addf %add3A_536, %mul3A_577 : vector<16xf32>
      %mul3A_579 = arith.constant 16 : i32
      %mul3A_580 = arith.muli %scan3A_195, %mul3A_579 : i32
      %add3A_581 = arith.constant 9 : i32
      %add3A_582 = arith.addi %mul3A_580, %add3A_581 : i32
      %slice3A_583 = vector.extract_strided_slice %get3A_202 {offsets = [9], sizes = [1], strides = [1]} : vector<16xf32> to vector<1xf32>
      %squeeze3A_584 = vector.extract %slice3A_583[0] : f32 from vector<1xf32>
      %mul3A_585 = arith.constant 64 : i32
      %mul3A_586 = arith.muli %add3A_582, %mul3A_585 : i32
      %add3A_587 = arith.constant 0 : i32
      %add3A_588 = arith.addi %mul3A_586, %add3A_587 : i32
      %get3A_589 = arith.index_cast %add3A_588 : i32 to index
      %get3A_590 = tpu.vector_load %arg6[%get3A_589] {strides = array<i32>} : memref<16384xf32, #tpu.memory_space<vmem>>, vector<16xf32>,
      %mul3A_591 = vector.broadcast %squeeze3A_584 : f32 to vector<16xf32>
      %mul3A_592 = arith.mulf %get3A_590, %mul3A_591 : vector<16xf32>
      %add3A_593 = arith.addf %add3A_551, %mul3A_592 : vector<16xf32>
      %mul3A_594 = arith.constant 64 : i32
      %mul3A_595 = arith.muli %add3A_582, %mul3A_594 : i32
      %add3A_596 = arith.constant 16 : i32
      %add3A_597 = arith.addi %mul3A_595, %add3A_596 : i32
      %get3A_598 = arith.index_cast %add3A_597 : i32 to index
      %get3A_599 = tpu.vector_load %arg6[%get3A_598] {strides = array<i32>} : memref<16384xf32, #tpu.memory_space<vmem>>, vector<16xf32>,
      %mul3A_600 = vector.broadcast %squeeze3A_584 : f32 to vector<16xf32>
      %mul3A_601 = arith.mulf %get3A_599, %mul3A_600 : vector<16xf32>
      %add3A_602 = arith.addf %add3A_560, %mul3A_601 : vector<16xf32>
      %mul3A_603 = arith.constant 64 : i32
      %mul3A_604 = arith.muli %add3A_582, %mul3A_603 : i32
      %add3A_605 = arith.constant 32 : i32
      %add3A_606 = arith.addi %mul3A_604, %add3A_605 : i32
      %get3A_607 = arith.index_cast %add3A_606 : i32 to index
      %get3A_608 = tpu.vector_load %arg6[%get3A_607] {strides = array<i32>} : memref<16384xf32, #tpu.memory_space<vmem>>, vector<16xf32>,
      %mul3A_609 = vector.broadcast %squeeze3A_584 : f32 to vector<16xf32>
      %mul3A_610 = arith.mulf %get3A_608, %mul3A_609 : vector<16xf32>
      %add3A_611 = arith.addf %add3A_569, %mul3A_610 : vector<16xf32>
      %mul3A_612 = arith.constant 64 : i32
      %mul3A_613 = arith.muli %add3A_582, %mul3A_612 : i32
      %add3A_614 = arith.constant 48 : i32
      %add3A_615 = arith.addi %mul3A_613, %add3A_614 : i32
      %get3A_616 = arith.index_cast %add3A_615 : i32 to index
      %get3A_617 = tpu.vector_load %arg6[%get3A_616] {strides = array<i32>} : memref<16384xf32, #tpu.memory_space<vmem>>, vector<16xf32>,
      %mul3A_618 = vector.broadcast %squeeze3A_584 : f32 to vector<16xf32>
      %mul3A_619 = arith.mulf %get3A_617, %mul3A_618 : vector<16xf32>
      %add3A_620 = arith.addf %add3A_578, %mul3A_619 : vector<16xf32>
      %mul3A_621 = arith.constant 16 : i32
      %mul3A_622 = arith.muli %scan3A_195, %mul3A_621 : i32
      %add3A_623 = arith.constant 10 : i32
      %add3A_624 = arith.addi %mul3A_622, %add3A_623 : i32
      %slice3A_625 = vector.extract_strided_slice %get3A_202 {offsets = [10], sizes = [1], strides = [1]} : vector<16xf32> to vector<1xf32>
      %squeeze3A_626 = vector.extract %slice3A_625[0] : f32 from vector<1xf32>
      %mul3A_627 = arith.constant 64 : i32
      %mul3A_628 = arith.muli %add3A_624, %mul3A_627 : i32
      %add3A_629 = arith.constant 0 : i32
      %add3A_630 = arith.addi %mul3A_628, %add3A_629 : i32
      %get3A_631 = arith.index_cast %add3A_630 : i32 to index
      %get3A_632 = tpu.vector_load %arg6[%get3A_631] {strides = array<i32>} : memref<16384xf32, #tpu.memory_space<vmem>>, vector<16xf32>,
      %mul3A_633 = vector.broadcast %squeeze3A_626 : f32 to vector<16xf32>
      %mul3A_634 = arith.mulf %get3A_632, %mul3A_633 : vector<16xf32>
      %add3A_635 = arith.addf %add3A_593, %mul3A_634 : vector<16xf32>
      %mul3A_636 = arith.constant 64 : i32
      %mul3A_637 = arith.muli %add3A_624, %mul3A_636 : i32
      %add3A_638 = arith.constant 16 : i32
      %add3A_639 = arith.addi %mul3A_637, %add3A_638 : i32
      %get3A_640 = arith.index_cast %add3A_639 : i32 to index
      %get3A_641 = tpu.vector_load %arg6[%get3A_640] {strides = array<i32>} : memref<16384xf32, #tpu.memory_space<vmem>>, vector<16xf32>,
      %mul3A_642 = vector.broadcast %squeeze3A_626 : f32 to vector<16xf32>
      %mul3A_643 = arith.mulf %get3A_641, %mul3A_642 : vector<16xf32>
      %add3A_644 = arith.addf %add3A_602, %mul3A_643 : vector<16xf32>
      %mul3A_645 = arith.constant 64 : i32
      %mul3A_646 = arith.muli %add3A_624, %mul3A_645 : i32
      %add3A_647 = arith.constant 32 : i32
      %add3A_648 = arith.addi %mul3A_646, %add3A_647 : i32
      %get3A_649 = arith.index_cast %add3A_648 : i32 to index
      %get3A_650 = tpu.vector_load %arg6[%get3A_649] {strides = array<i32>} : memref<16384xf32, #tpu.memory_space<vmem>>, vector<16xf32>,
      %mul3A_651 = vector.broadcast %squeeze3A_626 : f32 to vector<16xf32>
      %mul3A_652 = arith.mulf %get3A_650, %mul3A_651 : vector<16xf32>
      %add3A_653 = arith.addf %add3A_611, %mul3A_652 : vector<16xf32>
      %mul3A_654 = arith.constant 64 : i32
      %mul3A_655 = arith.muli %add3A_624, %mul3A_654 : i32
      %add3A_656 = arith.constant 48 : i32
      %add3A_657 = arith.addi %mul3A_655, %add3A_656 : i32
      %get3A_658 = arith.index_cast %add3A_657 : i32 to index
      %get3A_659 = tpu.vector_load %arg6[%get3A_658] {strides = array<i32>} : memref<16384xf32, #tpu.memory_space<vmem>>, vector<16xf32>,
      %mul3A_660 = vector.broadcast %squeeze3A_626 : f32 to vector<16xf32>
      %mul3A_661 = arith.mulf %get3A_659, %mul3A_660 : vector<16xf32>
      %add3A_662 = arith.addf %add3A_620, %mul3A_661 : vector<16xf32>
      %mul3A_663 = arith.constant 16 : i32
      %mul3A_664 = arith.muli %scan3A_195, %mul3A_663 : i32
      %add3A_665 = arith.constant 11 : i32
      %add3A_666 = arith.addi %mul3A_664, %add3A_665 : i32
      %slice3A_667 = vector.extract_strided_slice %get3A_202 {offsets = [11], sizes = [1], strides = [1]} : vector<16xf32> to vector<1xf32>
      %squeeze3A_668 = vector.extract %slice3A_667[0] : f32 from vector<1xf32>
      %mul3A_669 = arith.constant 64 : i32
      %mul3A_670 = arith.muli %add3A_666, %mul3A_669 : i32
      %add3A_671 = arith.constant 0 : i32
      %add3A_672 = arith.addi %mul3A_670, %add3A_671 : i32
      %get3A_673 = arith.index_cast %add3A_672 : i32 to index
      %get3A_674 = tpu.vector_load %arg6[%get3A_673] {strides = array<i32>} : memref<16384xf32, #tpu.memory_space<vmem>>, vector<16xf32>,
      %mul3A_675 = vector.broadcast %squeeze3A_668 : f32 to vector<16xf32>
      %mul3A_676 = arith.mulf %get3A_674, %mul3A_675 : vector<16xf32>
      %add3A_677 = arith.addf %add3A_635, %mul3A_676 : vector<16xf32>
      %mul3A_678 = arith.constant 64 : i32
      %mul3A_679 = arith.muli %add3A_666, %mul3A_678 : i32
      %add3A_680 = arith.constant 16 : i32
      %add3A_681 = arith.addi %mul3A_679, %add3A_680 : i32
      %get3A_682 = arith.index_cast %add3A_681 : i32 to index
      %get3A_683 = tpu.vector_load %arg6[%get3A_682] {strides = array<i32>} : memref<16384xf32, #tpu.memory_space<vmem>>, vector<16xf32>,
      %mul3A_684 = vector.broadcast %squeeze3A_668 : f32 to vector<16xf32>
      %mul3A_685 = arith.mulf %get3A_683, %mul3A_684 : vector<16xf32>
      %add3A_686 = arith.addf %add3A_644, %mul3A_685 : vector<16xf32>
      %mul3A_687 = arith.constant 64 : i32
      %mul3A_688 = arith.muli %add3A_666, %mul3A_687 : i32
      %add3A_689 = arith.constant 32 : i32
      %add3A_690 = arith.addi %mul3A_688, %add3A_689 : i32
      %get3A_691 = arith.index_cast %add3A_690 : i32 to index
      %get3A_692 = tpu.vector_load %arg6[%get3A_691] {strides = array<i32>} : memref<16384xf32, #tpu.memory_space<vmem>>, vector<16xf32>,
      %mul3A_693 = vector.broadcast %squeeze3A_668 : f32 to vector<16xf32>
      %mul3A_694 = arith.mulf %get3A_692, %mul3A_693 : vector<16xf32>
      %add3A_695 = arith.addf %add3A_653, %mul3A_694 : vector<16xf32>
      %mul3A_696 = arith.constant 64 : i32
      %mul3A_697 = arith.muli %add3A_666, %mul3A_696 : i32
      %add3A_698 = arith.constant 48 : i32
      %add3A_699 = arith.addi %mul3A_697, %add3A_698 : i32
      %get3A_700 = arith.index_cast %add3A_699 : i32 to index
      %get3A_701 = tpu.vector_load %arg6[%get3A_700] {strides = array<i32>} : memref<16384xf32, #tpu.memory_space<vmem>>, vector<16xf32>,
      %mul3A_702 = vector.broadcast %squeeze3A_668 : f32 to vector<16xf32>
      %mul3A_703 = arith.mulf %get3A_701, %mul3A_702 : vector<16xf32>
      %add3A_704 = arith.addf %add3A_662, %mul3A_703 : vector<16xf32>
      %mul3A_705 = arith.constant 16 : i32
      %mul3A_706 = arith.muli %scan3A_195, %mul3A_705 : i32
      %add3A_707 = arith.constant 12 : i32
      %add3A_708 = arith.addi %mul3A_706, %add3A_707 : i32
      %slice3A_709 = vector.extract_strided_slice %get3A_202 {offsets = [12], sizes = [1], strides = [1]} : vector<16xf32> to vector<1xf32>
      %squeeze3A_710 = vector.extract %slice3A_709[0] : f32 from vector<1xf32>
      %mul3A_711 = arith.constant 64 : i32
      %mul3A_712 = arith.muli %add3A_708, %mul3A_711 : i32
      %add3A_713 = arith.constant 0 : i32
      %add3A_714 = arith.addi %mul3A_712, %add3A_713 : i32
      %get3A_715 = arith.index_cast %add3A_714 : i32 to index
      %get3A_716 = tpu.vector_load %arg6[%get3A_715] {strides = array<i32>} : memref<16384xf32, #tpu.memory_space<vmem>>, vector<16xf32>,
      %mul3A_717 = vector.broadcast %squeeze3A_710 : f32 to vector<16xf32>
      %mul3A_718 = arith.mulf %get3A_716, %mul3A_717 : vector<16xf32>
      %add3A_719 = arith.addf %add3A_677, %mul3A_718 : vector<16xf32>
      %mul3A_720 = arith.constant 64 : i32
      %mul3A_721 = arith.muli %add3A_708, %mul3A_720 : i32
      %add3A_722 = arith.constant 16 : i32
      %add3A_723 = arith.addi %mul3A_721, %add3A_722 : i32
      %get3A_724 = arith.index_cast %add3A_723 : i32 to index
      %get3A_725 = tpu.vector_load %arg6[%get3A_724] {strides = array<i32>} : memref<16384xf32, #tpu.memory_space<vmem>>, vector<16xf32>,
      %mul3A_726 = vector.broadcast %squeeze3A_710 : f32 to vector<16xf32>
      %mul3A_727 = arith.mulf %get3A_725, %mul3A_726 : vector<16xf32>
      %add3A_728 = arith.addf %add3A_686, %mul3A_727 : vector<16xf32>
      %mul3A_729 = arith.constant 64 : i32
      %mul3A_730 = arith.muli %add3A_708, %mul3A_729 : i32
      %add3A_731 = arith.constant 32 : i32
      %add3A_732 = arith.addi %mul3A_730, %add3A_731 : i32
      %get3A_733 = arith.index_cast %add3A_732 : i32 to index
      %get3A_734 = tpu.vector_load %arg6[%get3A_733] {strides = array<i32>} : memref<16384xf32, #tpu.memory_space<vmem>>, vector<16xf32>,
      %mul3A_735 = vector.broadcast %squeeze3A_710 : f32 to vector<16xf32>
      %mul3A_736 = arith.mulf %get3A_734, %mul3A_735 : vector<16xf32>
      %add3A_737 = arith.addf %add3A_695, %mul3A_736 : vector<16xf32>
      %mul3A_738 = arith.constant 64 : i32
      %mul3A_739 = arith.muli %add3A_708, %mul3A_738 : i32
      %add3A_740 = arith.constant 48 : i32
      %add3A_741 = arith.addi %mul3A_739, %add3A_740 : i32
      %get3A_742 = arith.index_cast %add3A_741 : i32 to index
      %get3A_743 = tpu.vector_load %arg6[%get3A_742] {strides = array<i32>} : memref<16384xf32, #tpu.memory_space<vmem>>, vector<16xf32>,
      %mul3A_744 = vector.broadcast %squeeze3A_710 : f32 to vector<16xf32>
      %mul3A_745 = arith.mulf %get3A_743, %mul3A_744 : vector<16xf32>
      %add3A_746 = arith.addf %add3A_704, %mul3A_745 : vector<16xf32>
      %mul3A_747 = arith.constant 16 : i32
      %mul3A_748 = arith.muli %scan3A_195, %mul3A_747 : i32
      %add3A_749 = arith.constant 13 : i32
      %add3A_750 = arith.addi %mul3A_748, %add3A_749 : i32
      %slice3A_751 = vector.extract_strided_slice %get3A_202 {offsets = [13], sizes = [1], strides = [1]} : vector<16xf32> to vector<1xf32>
      %squeeze3A_752 = vector.extract %slice3A_751[0] : f32 from vector<1xf32>
      %mul3A_753 = arith.constant 64 : i32
      %mul3A_754 = arith.muli %add3A_750, %mul3A_753 : i32
      %add3A_755 = arith.constant 0 : i32
      %add3A_756 = arith.addi %mul3A_754, %add3A_755 : i32
      %get3A_757 = arith.index_cast %add3A_756 : i32 to index
      %get3A_758 = tpu.vector_load %arg6[%get3A_757] {strides = array<i32>} : memref<16384xf32, #tpu.memory_space<vmem>>, vector<16xf32>,
      %mul3A_759 = vector.broadcast %squeeze3A_752 : f32 to vector<16xf32>
      %mul3A_760 = arith.mulf %get3A_758, %mul3A_759 : vector<16xf32>
      %add3A_761 = arith.addf %add3A_719, %mul3A_760 : vector<16xf32>
      %mul3A_762 = arith.constant 64 : i32
      %mul3A_763 = arith.muli %add3A_750, %mul3A_762 : i32
      %add3A_764 = arith.constant 16 : i32
      %add3A_765 = arith.addi %mul3A_763, %add3A_764 : i32
      %get3A_766 = arith.index_cast %add3A_765 : i32 to index
      %get3A_767 = tpu.vector_load %arg6[%get3A_766] {strides = array<i32>} : memref<16384xf32, #tpu.memory_space<vmem>>, vector<16xf32>,
      %mul3A_768 = vector.broadcast %squeeze3A_752 : f32 to vector<16xf32>
      %mul3A_769 = arith.mulf %get3A_767, %mul3A_768 : vector<16xf32>
      %add3A_770 = arith.addf %add3A_728, %mul3A_769 : vector<16xf32>
      %mul3A_771 = arith.constant 64 : i32
      %mul3A_772 = arith.muli %add3A_750, %mul3A_771 : i32
      %add3A_773 = arith.constant 32 : i32
      %add3A_774 = arith.addi %mul3A_772, %add3A_773 : i32
      %get3A_775 = arith.index_cast %add3A_774 : i32 to index
      %get3A_776 = tpu.vector_load %arg6[%get3A_775] {strides = array<i32>} : memref<16384xf32, #tpu.memory_space<vmem>>, vector<16xf32>,
      %mul3A_777 = vector.broadcast %squeeze3A_752 : f32 to vector<16xf32>
      %mul3A_778 = arith.mulf %get3A_776, %mul3A_777 : vector<16xf32>
      %add3A_779 = arith.addf %add3A_737, %mul3A_778 : vector<16xf32>
      %mul3A_780 = arith.constant 64 : i32
      %mul3A_781 = arith.muli %add3A_750, %mul3A_780 : i32
      %add3A_782 = arith.constant 48 : i32
      %add3A_783 = arith.addi %mul3A_781, %add3A_782 : i32
      %get3A_784 = arith.index_cast %add3A_783 : i32 to index
      %get3A_785 = tpu.vector_load %arg6[%get3A_784] {strides = array<i32>} : memref<16384xf32, #tpu.memory_space<vmem>>, vector<16xf32>,
      %mul3A_786 = vector.broadcast %squeeze3A_752 : f32 to vector<16xf32>
      %mul3A_787 = arith.mulf %get3A_785, %mul3A_786 : vector<16xf32>
      %add3A_788 = arith.addf %add3A_746, %mul3A_787 : vector<16xf32>
      %mul3A_789 = arith.constant 16 : i32
      %mul3A_790 = arith.muli %scan3A_195, %mul3A_789 : i32
      %add3A_791 = arith.constant 14 : i32
      %add3A_792 = arith.addi %mul3A_790, %add3A_791 : i32
      %slice3A_793 = vector.extract_strided_slice %get3A_202 {offsets = [14], sizes = [1], strides = [1]} : vector<16xf32> to vector<1xf32>
      %squeeze3A_794 = vector.extract %slice3A_793[0] : f32 from vector<1xf32>
      %mul3A_795 = arith.constant 64 : i32
      %mul3A_796 = arith.muli %add3A_792, %mul3A_795 : i32
      %add3A_797 = arith.constant 0 : i32
      %add3A_798 = arith.addi %mul3A_796, %add3A_797 : i32
      %get3A_799 = arith.index_cast %add3A_798 : i32 to index
      %get3A_800 = tpu.vector_load %arg6[%get3A_799] {strides = array<i32>} : memref<16384xf32, #tpu.memory_space<vmem>>, vector<16xf32>,
      %mul3A_801 = vector.broadcast %squeeze3A_794 : f32 to vector<16xf32>
      %mul3A_802 = arith.mulf %get3A_800, %mul3A_801 : vector<16xf32>
      %add3A_803 = arith.addf %add3A_761, %mul3A_802 : vector<16xf32>
      %mul3A_804 = arith.constant 64 : i32
      %mul3A_805 = arith.muli %add3A_792, %mul3A_804 : i32
      %add3A_806 = arith.constant 16 : i32
      %add3A_807 = arith.addi %mul3A_805, %add3A_806 : i32
      %get3A_808 = arith.index_cast %add3A_807 : i32 to index
      %get3A_809 = tpu.vector_load %arg6[%get3A_808] {strides = array<i32>} : memref<16384xf32, #tpu.memory_space<vmem>>, vector<16xf32>,
      %mul3A_810 = vector.broadcast %squeeze3A_794 : f32 to vector<16xf32>
      %mul3A_811 = arith.mulf %get3A_809, %mul3A_810 : vector<16xf32>
      %add3A_812 = arith.addf %add3A_770, %mul3A_811 : vector<16xf32>
      %mul3A_813 = arith.constant 64 : i32
      %mul3A_814 = arith.muli %add3A_792, %mul3A_813 : i32
      %add3A_815 = arith.constant 32 : i32
      %add3A_816 = arith.addi %mul3A_814, %add3A_815 : i32
      %get3A_817 = arith.index_cast %add3A_816 : i32 to index
      %get3A_818 = tpu.vector_load %arg6[%get3A_817] {strides = array<i32>} : memref<16384xf32, #tpu.memory_space<vmem>>, vector<16xf32>,
      %mul3A_819 = vector.broadcast %squeeze3A_794 : f32 to vector<16xf32>
      %mul3A_820 = arith.mulf %get3A_818, %mul3A_819 : vector<16xf32>
      %add3A_821 = arith.addf %add3A_779, %mul3A_820 : vector<16xf32>
      %mul3A_822 = arith.constant 64 : i32
      %mul3A_823 = arith.muli %add3A_792, %mul3A_822 : i32
      %add3A_824 = arith.constant 48 : i32
      %add3A_825 = arith.addi %mul3A_823, %add3A_824 : i32
      %get3A_826 = arith.index_cast %add3A_825 : i32 to index
      %get3A_827 = tpu.vector_load %arg6[%get3A_826] {strides = array<i32>} : memref<16384xf32, #tpu.memory_space<vmem>>, vector<16xf32>,
      %mul3A_828 = vector.broadcast %squeeze3A_794 : f32 to vector<16xf32>
      %mul3A_829 = arith.mulf %get3A_827, %mul3A_828 : vector<16xf32>
      %add3A_830 = arith.addf %add3A_788, %mul3A_829 : vector<16xf32>
      %mul3A_831 = arith.constant 16 : i32
      %mul3A_832 = arith.muli %scan3A_195, %mul3A_831 : i32
      %add3A_833 = arith.constant 15 : i32
      %add3A_834 = arith.addi %mul3A_832, %add3A_833 : i32
      %slice3A_835 = vector.extract_strided_slice %get3A_202 {offsets = [15], sizes = [1], strides = [1]} : vector<16xf32> to vector<1xf32>
      %squeeze3A_836 = vector.extract %slice3A_835[0] : f32 from vector<1xf32>
      %mul3A_837 = arith.constant 64 : i32
      %mul3A_838 = arith.muli %add3A_834, %mul3A_837 : i32
      %add3A_839 = arith.constant 0 : i32
      %add3A_840 = arith.addi %mul3A_838, %add3A_839 : i32
      %get3A_841 = arith.index_cast %add3A_840 : i32 to index
      %get3A_842 = tpu.vector_load %arg6[%get3A_841] {strides = array<i32>} : memref<16384xf32, #tpu.memory_space<vmem>>, vector<16xf32>,
      %mul3A_843 = vector.broadcast %squeeze3A_836 : f32 to vector<16xf32>
      %mul3A_844 = arith.mulf %get3A_842, %mul3A_843 : vector<16xf32>
      %add3A_845 = arith.addf %add3A_803, %mul3A_844 : vector<16xf32>
      %mul3A_846 = arith.constant 64 : i32
      %mul3A_847 = arith.muli %add3A_834, %mul3A_846 : i32
      %add3A_848 = arith.constant 16 : i32
      %add3A_849 = arith.addi %mul3A_847, %add3A_848 : i32
      %get3A_850 = arith.index_cast %add3A_849 : i32 to index
      %get3A_851 = tpu.vector_load %arg6[%get3A_850] {strides = array<i32>} : memref<16384xf32, #tpu.memory_space<vmem>>, vector<16xf32>,
      %mul3A_852 = vector.broadcast %squeeze3A_836 : f32 to vector<16xf32>
      %mul3A_853 = arith.mulf %get3A_851, %mul3A_852 : vector<16xf32>
      %add3A_854 = arith.addf %add3A_812, %mul3A_853 : vector<16xf32>
      %mul3A_855 = arith.constant 64 : i32
      %mul3A_856 = arith.muli %add3A_834, %mul3A_855 : i32
      %add3A_857 = arith.constant 32 : i32
      %add3A_858 = arith.addi %mul3A_856, %add3A_857 : i32
      %get3A_859 = arith.index_cast %add3A_858 : i32 to index
      %get3A_860 = tpu.vector_load %arg6[%get3A_859] {strides = array<i32>} : memref<16384xf32, #tpu.memory_space<vmem>>, vector<16xf32>,
      %mul3A_861 = vector.broadcast %squeeze3A_836 : f32 to vector<16xf32>
      %mul3A_862 = arith.mulf %get3A_860, %mul3A_861 : vector<16xf32>
      %add3A_863 = arith.addf %add3A_821, %mul3A_862 : vector<16xf32>
      %mul3A_864 = arith.constant 64 : i32
      %mul3A_865 = arith.muli %add3A_834, %mul3A_864 : i32
      %add3A_866 = arith.constant 48 : i32
      %add3A_867 = arith.addi %mul3A_865, %add3A_866 : i32
      %get3A_868 = arith.index_cast %add3A_867 : i32 to index
      %get3A_869 = tpu.vector_load %arg6[%get3A_868] {strides = array<i32>} : memref<16384xf32, #tpu.memory_space<vmem>>, vector<16xf32>,
      %mul3A_870 = vector.broadcast %squeeze3A_836 : f32 to vector<16xf32>
      %mul3A_871 = arith.mulf %get3A_869, %mul3A_870 : vector<16xf32>
      %add3A_872 = arith.addf %add3A_830, %mul3A_871 : vector<16xf32>
      scf.yield %add3A_845, %add3A_854, %add3A_863, %add3A_872 : vector<16xf32>, vector<16xf32>, vector<16xf32>, vector<16xf32>
    }
    %scan3A_55 = arith.constant 16 : i32
    %iota3A = tpu.iota {dimensions = array<i32: 0>} : vector<16xi32>
    %max3A = arith.maximumf %scan3A_54#0, %scan3A_54#1 : vector<16xf32>
    %max3A_56 = arith.maximumf %scan3A_54#2, %scan3A_54#3 : vector<16xf32>
    %max3A_57 = arith.maximumf %max3A, %max3A_56 : vector<16xf32>
    %swap3A = arith.constant 0 : index
    %swap3A_58 = tpu.vector_load %arg26[%swap3A] {strides = array<i32>} : memref<16xf32, #tpu.memory_space<vmem>>, vector<16xf32>,
    tpu.vector_store %arg26[%swap3A], %max3A_57 {strides = array<i32>} : memref<16xf32, #tpu.memory_space<vmem>>, vector<16xf32>,
    %xor3A = arith.constant 8 : i32
    %xor3A_59 = vector.broadcast %xor3A : i32 to vector<16xi32>
    %xor3A_60 = arith.xori %iota3A, %xor3A_59 : vector<16xi32>
    %gather3A = tpu.vector_load_idx %arg26[%xor3A_60] : memref<16xf32, #tpu.memory_space<vmem>>[vector<16xi32>], vector<16xf32>,
    %max3A_61 = arith.maximumf %max3A_57, %gather3A : vector<16xf32>
    %swap3A_62 = arith.constant 0 : index
    %swap3A_63 = tpu.vector_load %arg26[%swap3A_62] {strides = array<i32>} : memref<16xf32, #tpu.memory_space<vmem>>, vector<16xf32>,
    tpu.vector_store %arg26[%swap3A_62], %max3A_61 {strides = array<i32>} : memref<16xf32, #tpu.memory_space<vmem>>, vector<16xf32>,
    %xor3A_64 = arith.constant 4 : i32
    %xor3A_65 = vector.broadcast %xor3A_64 : i32 to vector<16xi32>
    %xor3A_66 = arith.xori %iota3A, %xor3A_65 : vector<16xi32>
    %gather3A_67 = tpu.vector_load_idx %arg26[%xor3A_66] : memref<16xf32, #tpu.memory_space<vmem>>[vector<16xi32>], vector<16xf32>,
    %max3A_68 = arith.maximumf %max3A_61, %gather3A_67 : vector<16xf32>
    %swap3A_69 = arith.constant 0 : index
    %swap3A_70 = tpu.vector_load %arg26[%swap3A_69] {strides = array<i32>} : memref<16xf32, #tpu.memory_space<vmem>>, vector<16xf32>,
    tpu.vector_store %arg26[%swap3A_69], %max3A_68 {strides = array<i32>} : memref<16xf32, #tpu.memory_space<vmem>>, vector<16xf32>,
    %xor3A_71 = arith.constant 2 : i32
    %xor3A_72 = vector.broadcast %xor3A_71 : i32 to vector<16xi32>
    %xor3A_73 = arith.xori %iota3A, %xor3A_72 : vector<16xi32>
    %gather3A_74 = tpu.vector_load_idx %arg26[%xor3A_73] : memref<16xf32, #tpu.memory_space<vmem>>[vector<16xi32>], vector<16xf32>,
    %max3A_75 = arith.maximumf %max3A_68, %gather3A_74 : vector<16xf32>
    %swap3A_76 = arith.constant 0 : index
    %swap3A_77 = tpu.vector_load %arg26[%swap3A_76] {strides = array<i32>} : memref<16xf32, #tpu.memory_space<vmem>>, vector<16xf32>,
    tpu.vector_store %arg26[%swap3A_76], %max3A_75 {strides = array<i32>} : memref<16xf32, #tpu.memory_space<vmem>>, vector<16xf32>,
    %xor3A_78 = arith.constant 1 : i32
    %xor3A_79 = vector.broadcast %xor3A_78 : i32 to vector<16xi32>
    %xor3A_80 = arith.xori %iota3A, %xor3A_79 : vector<16xi32>
    %gather3A_81 = tpu.vector_load_idx %arg26[%xor3A_80] : memref<16xf32, #tpu.memory_space<vmem>>[vector<16xi32>], vector<16xf32>,
    %max3A_82 = arith.maximumf %max3A_75, %gather3A_81 : vector<16xf32>
    %sub3A = arith.subf %scan3A_54#0, %max3A_82 : vector<16xf32>
    %exp3A = math.exp %sub3A : vector<16xf32>
    %sub3A_83 = arith.subf %scan3A_54#1, %max3A_82 : vector<16xf32>
    %exp3A_84 = math.exp %sub3A_83 : vector<16xf32>
    %sub3A_85 = arith.subf %scan3A_54#2, %max3A_82 : vector<16xf32>
    %exp3A_86 = math.exp %sub3A_85 : vector<16xf32>
    %sub3A_87 = arith.subf %scan3A_54#3, %max3A_82 : vector<16xf32>
    %exp3A_88 = math.exp %sub3A_87 : vector<16xf32>
    %add3A_89 = arith.addf %exp3A, %exp3A_84 : vector<16xf32>
    %add3A_90 = arith.addf %add3A_89, %exp3A_86 : vector<16xf32>
    %add3A_91 = arith.addf %add3A_90, %exp3A_88 : vector<16xf32>
    %swap3A_92 = arith.constant 0 : index
    %swap3A_93 = tpu.vector_load %arg26[%swap3A_92] {strides = array<i32>} : memref<16xf32, #tpu.memory_space<vmem>>, vector<16xf32>,
    tpu.vector_store %arg26[%swap3A_92], %add3A_91 {strides = array<i32>} : memref<16xf32, #tpu.memory_space<vmem>>, vector<16xf32>,
    %xor3A_94 = arith.constant 8 : i32
    %xor3A_95 = vector.broadcast %xor3A_94 : i32 to vector<16xi32>
    %xor3A_96 = arith.xori %iota3A, %xor3A_95 : vector<16xi32>
    %gather3A_97 = tpu.vector_load_idx %arg26[%xor3A_96] : memref<16xf32, #tpu.memory_space<vmem>>[vector<16xi32>], vector<16xf32>,
    %add3A_98 = arith.addf %add3A_91, %gather3A_97 : vector<16xf32>
    %swap3A_99 = arith.constant 0 : index
    %swap3A_100 = tpu.vector_load %arg26[%swap3A_99] {strides = array<i32>} : memref<16xf32, #tpu.memory_space<vmem>>, vector<16xf32>,
    tpu.vector_store %arg26[%swap3A_99], %add3A_98 {strides = array<i32>} : memref<16xf32, #tpu.memory_space<vmem>>, vector<16xf32>,
    %xor3A_101 = arith.constant 4 : i32
    %xor3A_102 = vector.broadcast %xor3A_101 : i32 to vector<16xi32>
    %xor3A_103 = arith.xori %iota3A, %xor3A_102 : vector<16xi32>
    %gather3A_104 = tpu.vector_load_idx %arg26[%xor3A_103] : memref<16xf32, #tpu.memory_space<vmem>>[vector<16xi32>], vector<16xf32>,
    %add3A_105 = arith.addf %add3A_98, %gather3A_104 : vector<16xf32>
    %swap3A_106 = arith.constant 0 : index
    %swap3A_107 = tpu.vector_load %arg26[%swap3A_106] {strides = array<i32>} : memref<16xf32, #tpu.memory_space<vmem>>, vector<16xf32>,
    tpu.vector_store %arg26[%swap3A_106], %add3A_105 {strides = array<i32>} : memref<16xf32, #tpu.memory_space<vmem>>, vector<16xf32>,
    %xor3A_108 = arith.constant 2 : i32
    %xor3A_109 = vector.broadcast %xor3A_108 : i32 to vector<16xi32>
    %xor3A_110 = arith.xori %iota3A, %xor3A_109 : vector<16xi32>
    %gather3A_111 = tpu.vector_load_idx %arg26[%xor3A_110] : memref<16xf32, #tpu.memory_space<vmem>>[vector<16xi32>], vector<16xf32>,
    %add3A_112 = arith.addf %add3A_105, %gather3A_111 : vector<16xf32>
    %swap3A_113 = arith.constant 0 : index
    %swap3A_114 = tpu.vector_load %arg26[%swap3A_113] {strides = array<i32>} : memref<16xf32, #tpu.memory_space<vmem>>, vector<16xf32>,
    tpu.vector_store %arg26[%swap3A_113], %add3A_112 {strides = array<i32>} : memref<16xf32, #tpu.memory_space<vmem>>, vector<16xf32>,
    %xor3A_115 = arith.constant 1 : i32
    %xor3A_116 = vector.broadcast %xor3A_115 : i32 to vector<16xi32>
    %xor3A_117 = arith.xori %iota3A, %xor3A_116 : vector<16xi32>
    %gather3A_118 = tpu.vector_load_idx %arg26[%xor3A_117] : memref<16xf32, #tpu.memory_space<vmem>>[vector<16xi32>], vector<16xf32>,
    %add3A_119 = arith.addf %add3A_112, %gather3A_118 : vector<16xf32>
    %eq3A = arith.constant 0 : i32
    %eq3A_120 = vector.broadcast %eq3A : i32 to vector<16xi32>
    %eq3A_121 = arith.cmpi eq, %iota3A, %eq3A_120 : vector<16xi32>
    %div3A = arith.divf %exp3A, %add3A_119 : vector<16xf32>
    %jit3A = arith.constant 0.000000e+00 : f32
    %broadcast_in_dim3A_122 = vector.broadcast %jit3A : f32 to vector<16xf32>
    %select_n3A = arith.select %eq3A_121, %broadcast_in_dim3A_122, %div3A : vector<16xi1>, vector<16xf32>
    %swap3A_123 = arith.constant 0 : index
    %swap3A_124 = tpu.vector_load %arg8[%swap3A_123] {strides = array<i32>} : memref<64xf32, #tpu.memory_space<vmem>>, vector<16xf32>,
    tpu.vector_store %arg8[%swap3A_123], %select_n3A {strides = array<i32>} : memref<64xf32, #tpu.memory_space<vmem>>, vector<16xf32>,
    %div3A_125 = arith.divf %exp3A_84, %add3A_119 : vector<16xf32>
    %swap3A_126 = arith.constant 16 : index
    %swap3A_127 = tpu.vector_load %arg8[%swap3A_126] {strides = array<i32>} : memref<64xf32, #tpu.memory_space<vmem>>, vector<16xf32>,
    tpu.vector_store %arg8[%swap3A_126], %div3A_125 {strides = array<i32>} : memref<64xf32, #tpu.memory_space<vmem>>, vector<16xf32>,
    %div3A_128 = arith.divf %exp3A_86, %add3A_119 : vector<16xf32>
    %swap3A_129 = arith.constant 32 : index
    %swap3A_130 = tpu.vector_load %arg8[%swap3A_129] {strides = array<i32>} : memref<64xf32, #tpu.memory_space<vmem>>, vector<16xf32>,
    tpu.vector_store %arg8[%swap3A_129], %div3A_128 {strides = array<i32>} : memref<64xf32, #tpu.memory_space<vmem>>, vector<16xf32>,
    %div3A_131 = arith.divf %exp3A_88, %add3A_119 : vector<16xf32>
    %swap3A_132 = arith.constant 48 : index
    %swap3A_133 = tpu.vector_load %arg8[%swap3A_132] {strides = array<i32>} : memref<64xf32, #tpu.memory_space<vmem>>, vector<16xf32>,
    tpu.vector_store %arg8[%swap3A_132], %div3A_131 {strides = array<i32>} : memref<64xf32, #tpu.memory_space<vmem>>, vector<16xf32>,
    %scan3A_134 = arith.constant 0 : i32
    %scan3A_135 = arith.constant 0 : i32
    %scan3A_136 = arith.constant 64 : i32
    %scan3A_137 = arith.addi %scan3A_135, %scan3A_136 : i32
    %scan3A_138 = arith.constant 1 : i32
    %scan3A_139 = scf.for %scan3A_195 = %scan3A_135 to %scan3A_137 step %scan3A_138 iter_args(%scan3A_196 = %scan3A_134) -> (i32)  : i32 {
      %broadcast_in_dim3A_197 = vector.broadcast %scan3A_195 : i32 to vector<16xi32>
      %gather3A_198 = tpu.vector_load_idx %arg8[%broadcast_in_dim3A_197] : memref<64xf32, #tpu.memory_space<vmem>>[vector<16xi32>], vector<16xf32>,
      %mul3A_199 = arith.constant 16 : i32
      %mul3A_200 = arith.muli %scan3A_195, %mul3A_199 : i32
      %swap3A_201 = arith.index_cast %mul3A_200 : i32 to index
      %swap3A_202 = tpu.vector_load %arg9[%swap3A_201] {strides = array<i32>} : memref<1024xf32, #tpu.memory_space<vmem>>, vector<16xf32>,
      tpu.vector_store %arg9[%swap3A_201], %gather3A_198 {strides = array<i32>} : memref<1024xf32, #tpu.memory_space<vmem>>, vector<16xf32>,
      %scan3A_203 = arith.constant 0 : i32
      scf.yield %scan3A_203 : i32
    }
    %scan3A_140 = arith.constant 64 : i32
    %scan3A_141 = arith.constant 0 : i32
    %scan3A_142 = arith.constant 0 : i32
    %scan3A_143 = arith.constant 4 : i32
    %scan3A_144 = arith.addi %scan3A_142, %scan3A_143 : i32
    %scan3A_145 = arith.constant 1 : i32
    %scan3A_146 = scf.for %scan3A_195 = %scan3A_142 to %scan3A_144 step %scan3A_145 iter_args(%scan3A_196 = %scan3A_141) -> (i32)  : i32 {
      %mul3A_197 = arith.constant 8 : i32
      %mul3A_198 = arith.muli %scan3A_195, %mul3A_197 : i32
      %add3A_199 = arith.constant 0 : i32
      %add3A_200 = arith.addi %mul3A_198, %add3A_199 : i32
      %mul3A_201 = arith.constant 8 : i32
      %mul3A_202 = arith.muli %add3A_200, %mul3A_201 : i32
      %add3A_203 = arith.addi %mul3A_2, %mul3A_202 : i32
      %dma_wait3A_204 = arith.constant 0 : i32
      %dma_wait3A_205 = tpu.memref_slice %arg4[%add3A_203, %dma_wait3A_204] : memref<8192x512xi32, #tpu.memory_space<hbm>> -> memref<8x512xi32, #tpu.memory_space<hbm>>
      %dma_wait3A_206 = arith.constant 0 : i32
      %dma_wait3A_207 = tpu.memref_slice %arg4[%add3A_203, %dma_wait3A_206] : memref<8192x512xi32, #tpu.memory_space<hbm>> -> memref<8x512xi32, #tpu.memory_space<hbm>>
      tpu.wait_dma2 semaphore(%arg27 : memref<!tpu.dma_semaphore, #tpu.memory_space<semaphore_mem>>) src(%dma_wait3A_207 : memref<8x512xi32, #tpu.memory_space<hbm>>) dst(%arg10 : memref<8x512xi32, #tpu.memory_space<vmem>>)
      %ge3A = arith.constant 8 : i32
      %ge3A_208 = arith.cmpi sge, %add3A_200, %ge3A : i32
      %convert_element_type3A = arith.extui %ge3A_208 : i1 to i32
      %cond3A = arith.constant 0 : i32
      %cond3A_209 = arith.cmpi ne, %convert_element_type3A, %cond3A : i32
      scf.if %cond3A_209 {
        %sub3A_457 = arith.constant 8 : i32
        %sub3A_458 = arith.subi %add3A_200, %sub3A_457 : i32
        %mul3A_459 = arith.constant 8 : i32
        %mul3A_460 = arith.muli %sub3A_458, %mul3A_459 : i32
        %add3A_461 = arith.addi %mul3A_2, %mul3A_460 : i32
        %dma_wait3A_462 = arith.constant 0 : i32
        %dma_wait3A_463 = tpu.memref_slice %arg5[%add3A_461, %dma_wait3A_462] : memref<8192x512xf32, #tpu.memory_space<hbm>> -> memref<8x512xf32, #tpu.memory_space<hbm>>
        %dma_wait3A_464 = arith.constant 0 : i32
        %dma_wait3A_465 = tpu.memref_slice %arg5[%add3A_461, %dma_wait3A_464] : memref<8192x512xf32, #tpu.memory_space<hbm>> -> memref<8x512xf32, #tpu.memory_space<hbm>>
        tpu.wait_dma2 semaphore(%arg35 : memref<!tpu.dma_semaphore, #tpu.memory_space<semaphore_mem>>) src(%arg18 : memref<8x512xf32, #tpu.memory_space<vmem>>) dst(%dma_wait3A_465 : memref<8x512xf32, #tpu.memory_space<hbm>>)
      } else {
      }
      %parallel_loop3A = arith.constant 0 : i32
      %parallel_loop3A_210 = arith.constant 256 : i32
      %parallel_loop3A_211 = arith.constant 1 : i32
      scf.for %parallel_loop3A_457 = %parallel_loop3A to %parallel_loop3A_210 step %parallel_loop3A_211  : i32 {
        %parallel_loop3A_458 = arith.constant 5 : i32
        %parallel_loop3A_459 = arith.shrsi %parallel_loop3A_457, %parallel_loop3A_458 : i32
        %parallel_loop3A_460 = arith.constant 31 : i32
        %parallel_loop3A_461 = arith.andi %parallel_loop3A_457, %parallel_loop3A_460 : i32
        %parallel_loop3A_462 = arith.constant 16 : i32
        %parallel_loop3A_463 = arith.muli %parallel_loop3A_461, %parallel_loop3A_462 : i32
        %parallel_loop3A_464 = arith.index_cast %parallel_loop3A_459 : i32 to index
        %parallel_loop3A_465 = arith.index_cast %parallel_loop3A_463 : i32 to index
        %parallel_loop3A_466 = tpu.vector_load %arg10[%parallel_loop3A_464, %parallel_loop3A_465] {strides = array<i32>} : memref<8x512xi32, #tpu.memory_space<vmem>>, vector<16xi32>,
        %parallel_loop3A_467 = arith.constant 4 : i32
        %parallel_loop3A_468 = vector.broadcast %parallel_loop3A_467 : i32 to vector<16xi32>
        %parallel_loop3A_469 = arith.shli %parallel_loop3A_466, %parallel_loop3A_468 : vector<16xi32>
        %parallel_loop3A_470 = arith.addi %parallel_loop3A_469, %iota3A : vector<16xi32>
        %parallel_loop3A_471 = tpu.vector_load_idx %arg9[%parallel_loop3A_470] : memref<1024xf32, #tpu.memory_space<vmem>>[vector<16xi32>], vector<16xf32>,
        %parallel_loop3A_472 = arith.index_cast %parallel_loop3A_459 : i32 to index
        %parallel_loop3A_473 = arith.index_cast %parallel_loop3A_463 : i32 to index
        %parallel_loop3A_474 = tpu.vector_load %arg18[%parallel_loop3A_472, %parallel_loop3A_473] {strides = array<i32>} : memref<8x512xf32, #tpu.memory_space<vmem>>, vector<16xf32>,
        tpu.vector_store %arg18[%parallel_loop3A_472, %parallel_loop3A_473], %parallel_loop3A_471 {strides = array<i32>} : memref<8x512xf32, #tpu.memory_space<vmem>>, vector<16xf32>,
      } {sc.loop_unroll_factor = 8 : i64, sc.parallel_access}
      %mul3A_212 = arith.constant 8 : i32
      %mul3A_213 = arith.muli %add3A_200, %mul3A_212 : i32
      %add3A_214 = arith.addi %mul3A_2, %mul3A_213 : i32
      %dma_start3A_215 = arith.constant 0 : i32
      %dma_start3A_216 = tpu.memref_slice %arg5[%add3A_214, %dma_start3A_215] : memref<8192x512xf32, #tpu.memory_space<hbm>> -> memref<8x512xf32, #tpu.memory_space<hbm>>
      %dma_start3A_217 = arith.constant 0 : i32
      %dma_start3A_218 = tpu.memref_slice %arg5[%add3A_214, %dma_start3A_217] : memref<8192x512xf32, #tpu.memory_space<hbm>> -> memref<8x512xf32, #tpu.memory_space<hbm>>
      tpu.enqueue_dma source(%arg18 : memref<8x512xf32, #tpu.memory_space<vmem>>) target(%dma_start3A_218 : memref<8x512xf32, #tpu.memory_space<hbm>>) target_semaphore(%arg35 : memref<!tpu.dma_semaphore, #tpu.memory_space<semaphore_mem>>)
      %add3A_219 = arith.constant 8 : i32
      %add3A_220 = arith.addi %add3A_200, %add3A_219 : i32
      %lt3A = arith.constant 32 : i32
      %lt3A_221 = arith.cmpi slt, %add3A_220, %lt3A : i32
      %convert_element_type3A_222 = arith.extui %lt3A_221 : i1 to i32
      %cond3A_223 = arith.constant 0 : i32
      %cond3A_224 = arith.cmpi ne, %convert_element_type3A_222, %cond3A_223 : i32
      scf.if %cond3A_224 {
        %add3A_457 = arith.constant 8 : i32
        %add3A_458 = arith.addi %add3A_200, %add3A_457 : i32
        %mul3A_459 = arith.constant 8 : i32
        %mul3A_460 = arith.muli %add3A_458, %mul3A_459 : i32
        %add3A_461 = arith.addi %mul3A_2, %mul3A_460 : i32
        %dma_start3A_462 = arith.constant 0 : i32
        %dma_start3A_463 = tpu.memref_slice %arg4[%add3A_461, %dma_start3A_462] : memref<8192x512xi32, #tpu.memory_space<hbm>> -> memref<8x512xi32, #tpu.memory_space<hbm>>
        %dma_start3A_464 = arith.constant 0 : i32
        %dma_start3A_465 = tpu.memref_slice %arg4[%add3A_461, %dma_start3A_464] : memref<8192x512xi32, #tpu.memory_space<hbm>> -> memref<8x512xi32, #tpu.memory_space<hbm>>
        tpu.enqueue_dma source(%dma_start3A_465 : memref<8x512xi32, #tpu.memory_space<hbm>>) target(%arg10 : memref<8x512xi32, #tpu.memory_space<vmem>>) target_semaphore(%arg27 : memref<!tpu.dma_semaphore, #tpu.memory_space<semaphore_mem>>)
      } else {
      }
      %mul3A_225 = arith.constant 8 : i32
      %mul3A_226 = arith.muli %scan3A_195, %mul3A_225 : i32
      %add3A_227 = arith.constant 1 : i32
      %add3A_228 = arith.addi %mul3A_226, %add3A_227 : i32
      %mul3A_229 = arith.constant 8 : i32
      %mul3A_230 = arith.muli %add3A_228, %mul3A_229 : i32
      %add3A_231 = arith.addi %mul3A_2, %mul3A_230 : i32
      %dma_wait3A_232 = arith.constant 0 : i32
      %dma_wait3A_233 = tpu.memref_slice %arg4[%add3A_231, %dma_wait3A_232] : memref<8192x512xi32, #tpu.memory_space<hbm>> -> memref<8x512xi32, #tpu.memory_space<hbm>>
      %dma_wait3A_234 = arith.constant 0 : i32
      %dma_wait3A_235 = tpu.memref_slice %arg4[%add3A_231, %dma_wait3A_234] : memref<8192x512xi32, #tpu.memory_space<hbm>> -> memref<8x512xi32, #tpu.memory_space<hbm>>
      tpu.wait_dma2 semaphore(%arg28 : memref<!tpu.dma_semaphore, #tpu.memory_space<semaphore_mem>>) src(%dma_wait3A_235 : memref<8x512xi32, #tpu.memory_space<hbm>>) dst(%arg11 : memref<8x512xi32, #tpu.memory_space<vmem>>)
      %ge3A_236 = arith.constant 8 : i32
      %ge3A_237 = arith.cmpi sge, %add3A_228, %ge3A_236 : i32
      %convert_element_type3A_238 = arith.extui %ge3A_237 : i1 to i32
      %cond3A_239 = arith.constant 0 : i32
      %cond3A_240 = arith.cmpi ne, %convert_element_type3A_238, %cond3A_239 : i32
      scf.if %cond3A_240 {
        %sub3A_457 = arith.constant 8 : i32
        %sub3A_458 = arith.subi %add3A_228, %sub3A_457 : i32
        %mul3A_459 = arith.constant 8 : i32
        %mul3A_460 = arith.muli %sub3A_458, %mul3A_459 : i32
        %add3A_461 = arith.addi %mul3A_2, %mul3A_460 : i32
        %dma_wait3A_462 = arith.constant 0 : i32
        %dma_wait3A_463 = tpu.memref_slice %arg5[%add3A_461, %dma_wait3A_462] : memref<8192x512xf32, #tpu.memory_space<hbm>> -> memref<8x512xf32, #tpu.memory_space<hbm>>
        %dma_wait3A_464 = arith.constant 0 : i32
        %dma_wait3A_465 = tpu.memref_slice %arg5[%add3A_461, %dma_wait3A_464] : memref<8192x512xf32, #tpu.memory_space<hbm>> -> memref<8x512xf32, #tpu.memory_space<hbm>>
        tpu.wait_dma2 semaphore(%arg36 : memref<!tpu.dma_semaphore, #tpu.memory_space<semaphore_mem>>) src(%arg19 : memref<8x512xf32, #tpu.memory_space<vmem>>) dst(%dma_wait3A_465 : memref<8x512xf32, #tpu.memory_space<hbm>>)
      } else {
      }
      %parallel_loop3A_241 = arith.constant 0 : i32
      %parallel_loop3A_242 = arith.constant 256 : i32
      %parallel_loop3A_243 = arith.constant 1 : i32
      scf.for %parallel_loop3A_457 = %parallel_loop3A_241 to %parallel_loop3A_242 step %parallel_loop3A_243  : i32 {
        %parallel_loop3A_458 = arith.constant 5 : i32
        %parallel_loop3A_459 = arith.shrsi %parallel_loop3A_457, %parallel_loop3A_458 : i32
        %parallel_loop3A_460 = arith.constant 31 : i32
        %parallel_loop3A_461 = arith.andi %parallel_loop3A_457, %parallel_loop3A_460 : i32
        %parallel_loop3A_462 = arith.constant 16 : i32
        %parallel_loop3A_463 = arith.muli %parallel_loop3A_461, %parallel_loop3A_462 : i32
        %parallel_loop3A_464 = arith.index_cast %parallel_loop3A_459 : i32 to index
        %parallel_loop3A_465 = arith.index_cast %parallel_loop3A_463 : i32 to index
        %parallel_loop3A_466 = tpu.vector_load %arg11[%parallel_loop3A_464, %parallel_loop3A_465] {strides = array<i32>} : memref<8x512xi32, #tpu.memory_space<vmem>>, vector<16xi32>,
        %parallel_loop3A_467 = arith.constant 4 : i32
        %parallel_loop3A_468 = vector.broadcast %parallel_loop3A_467 : i32 to vector<16xi32>
        %parallel_loop3A_469 = arith.shli %parallel_loop3A_466, %parallel_loop3A_468 : vector<16xi32>
        %parallel_loop3A_470 = arith.addi %parallel_loop3A_469, %iota3A : vector<16xi32>
        %parallel_loop3A_471 = tpu.vector_load_idx %arg9[%parallel_loop3A_470] : memref<1024xf32, #tpu.memory_space<vmem>>[vector<16xi32>], vector<16xf32>,
        %parallel_loop3A_472 = arith.index_cast %parallel_loop3A_459 : i32 to index
        %parallel_loop3A_473 = arith.index_cast %parallel_loop3A_463 : i32 to index
        %parallel_loop3A_474 = tpu.vector_load %arg19[%parallel_loop3A_472, %parallel_loop3A_473] {strides = array<i32>} : memref<8x512xf32, #tpu.memory_space<vmem>>, vector<16xf32>,
        tpu.vector_store %arg19[%parallel_loop3A_472, %parallel_loop3A_473], %parallel_loop3A_471 {strides = array<i32>} : memref<8x512xf32, #tpu.memory_space<vmem>>, vector<16xf32>,
      } {sc.loop_unroll_factor = 8 : i64, sc.parallel_access}
      %mul3A_244 = arith.constant 8 : i32
      %mul3A_245 = arith.muli %add3A_228, %mul3A_244 : i32
      %add3A_246 = arith.addi %mul3A_2, %mul3A_245 : i32
      %dma_start3A_247 = arith.constant 0 : i32
      %dma_start3A_248 = tpu.memref_slice %arg5[%add3A_246, %dma_start3A_247] : memref<8192x512xf32, #tpu.memory_space<hbm>> -> memref<8x512xf32, #tpu.memory_space<hbm>>
      %dma_start3A_249 = arith.constant 0 : i32
      %dma_start3A_250 = tpu.memref_slice %arg5[%add3A_246, %dma_start3A_249] : memref<8192x512xf32, #tpu.memory_space<hbm>> -> memref<8x512xf32, #tpu.memory_space<hbm>>
      tpu.enqueue_dma source(%arg19 : memref<8x512xf32, #tpu.memory_space<vmem>>) target(%dma_start3A_250 : memref<8x512xf32, #tpu.memory_space<hbm>>) target_semaphore(%arg36 : memref<!tpu.dma_semaphore, #tpu.memory_space<semaphore_mem>>)
      %add3A_251 = arith.constant 8 : i32
      %add3A_252 = arith.addi %add3A_228, %add3A_251 : i32
      %lt3A_253 = arith.constant 32 : i32
      %lt3A_254 = arith.cmpi slt, %add3A_252, %lt3A_253 : i32
      %convert_element_type3A_255 = arith.extui %lt3A_254 : i1 to i32
      %cond3A_256 = arith.constant 0 : i32
      %cond3A_257 = arith.cmpi ne, %convert_element_type3A_255, %cond3A_256 : i32
      scf.if %cond3A_257 {
        %add3A_457 = arith.constant 8 : i32
        %add3A_458 = arith.addi %add3A_228, %add3A_457 : i32
        %mul3A_459 = arith.constant 8 : i32
        %mul3A_460 = arith.muli %add3A_458, %mul3A_459 : i32
        %add3A_461 = arith.addi %mul3A_2, %mul3A_460 : i32
        %dma_start3A_462 = arith.constant 0 : i32
        %dma_start3A_463 = tpu.memref_slice %arg4[%add3A_461, %dma_start3A_462] : memref<8192x512xi32, #tpu.memory_space<hbm>> -> memref<8x512xi32, #tpu.memory_space<hbm>>
        %dma_start3A_464 = arith.constant 0 : i32
        %dma_start3A_465 = tpu.memref_slice %arg4[%add3A_461, %dma_start3A_464] : memref<8192x512xi32, #tpu.memory_space<hbm>> -> memref<8x512xi32, #tpu.memory_space<hbm>>
        tpu.enqueue_dma source(%dma_start3A_465 : memref<8x512xi32, #tpu.memory_space<hbm>>) target(%arg11 : memref<8x512xi32, #tpu.memory_space<vmem>>) target_semaphore(%arg28 : memref<!tpu.dma_semaphore, #tpu.memory_space<semaphore_mem>>)
      } else {
      }
      %mul3A_258 = arith.constant 8 : i32
      %mul3A_259 = arith.muli %scan3A_195, %mul3A_258 : i32
      %add3A_260 = arith.constant 2 : i32
      %add3A_261 = arith.addi %mul3A_259, %add3A_260 : i32
      %mul3A_262 = arith.constant 8 : i32
      %mul3A_263 = arith.muli %add3A_261, %mul3A_262 : i32
      %add3A_264 = arith.addi %mul3A_2, %mul3A_263 : i32
      %dma_wait3A_265 = arith.constant 0 : i32
      %dma_wait3A_266 = tpu.memref_slice %arg4[%add3A_264, %dma_wait3A_265] : memref<8192x512xi32, #tpu.memory_space<hbm>> -> memref<8x512xi32, #tpu.memory_space<hbm>>
      %dma_wait3A_267 = arith.constant 0 : i32
      %dma_wait3A_268 = tpu.memref_slice %arg4[%add3A_264, %dma_wait3A_267] : memref<8192x512xi32, #tpu.memory_space<hbm>> -> memref<8x512xi32, #tpu.memory_space<hbm>>
      tpu.wait_dma2 semaphore(%arg29 : memref<!tpu.dma_semaphore, #tpu.memory_space<semaphore_mem>>) src(%dma_wait3A_268 : memref<8x512xi32, #tpu.memory_space<hbm>>) dst(%arg12 : memref<8x512xi32, #tpu.memory_space<vmem>>)
      %ge3A_269 = arith.constant 8 : i32
      %ge3A_270 = arith.cmpi sge, %add3A_261, %ge3A_269 : i32
      %convert_element_type3A_271 = arith.extui %ge3A_270 : i1 to i32
      %cond3A_272 = arith.constant 0 : i32
      %cond3A_273 = arith.cmpi ne, %convert_element_type3A_271, %cond3A_272 : i32
      scf.if %cond3A_273 {
        %sub3A_457 = arith.constant 8 : i32
        %sub3A_458 = arith.subi %add3A_261, %sub3A_457 : i32
        %mul3A_459 = arith.constant 8 : i32
        %mul3A_460 = arith.muli %sub3A_458, %mul3A_459 : i32
        %add3A_461 = arith.addi %mul3A_2, %mul3A_460 : i32
        %dma_wait3A_462 = arith.constant 0 : i32
        %dma_wait3A_463 = tpu.memref_slice %arg5[%add3A_461, %dma_wait3A_462] : memref<8192x512xf32, #tpu.memory_space<hbm>> -> memref<8x512xf32, #tpu.memory_space<hbm>>
        %dma_wait3A_464 = arith.constant 0 : i32
        %dma_wait3A_465 = tpu.memref_slice %arg5[%add3A_461, %dma_wait3A_464] : memref<8192x512xf32, #tpu.memory_space<hbm>> -> memref<8x512xf32, #tpu.memory_space<hbm>>
        tpu.wait_dma2 semaphore(%arg37 : memref<!tpu.dma_semaphore, #tpu.memory_space<semaphore_mem>>) src(%arg20 : memref<8x512xf32, #tpu.memory_space<vmem>>) dst(%dma_wait3A_465 : memref<8x512xf32, #tpu.memory_space<hbm>>)
      } else {
      }
      %parallel_loop3A_274 = arith.constant 0 : i32
      %parallel_loop3A_275 = arith.constant 256 : i32
      %parallel_loop3A_276 = arith.constant 1 : i32
      scf.for %parallel_loop3A_457 = %parallel_loop3A_274 to %parallel_loop3A_275 step %parallel_loop3A_276  : i32 {
        %parallel_loop3A_458 = arith.constant 5 : i32
        %parallel_loop3A_459 = arith.shrsi %parallel_loop3A_457, %parallel_loop3A_458 : i32
        %parallel_loop3A_460 = arith.constant 31 : i32
        %parallel_loop3A_461 = arith.andi %parallel_loop3A_457, %parallel_loop3A_460 : i32
        %parallel_loop3A_462 = arith.constant 16 : i32
        %parallel_loop3A_463 = arith.muli %parallel_loop3A_461, %parallel_loop3A_462 : i32
        %parallel_loop3A_464 = arith.index_cast %parallel_loop3A_459 : i32 to index
        %parallel_loop3A_465 = arith.index_cast %parallel_loop3A_463 : i32 to index
        %parallel_loop3A_466 = tpu.vector_load %arg12[%parallel_loop3A_464, %parallel_loop3A_465] {strides = array<i32>} : memref<8x512xi32, #tpu.memory_space<vmem>>, vector<16xi32>,
        %parallel_loop3A_467 = arith.constant 4 : i32
        %parallel_loop3A_468 = vector.broadcast %parallel_loop3A_467 : i32 to vector<16xi32>
        %parallel_loop3A_469 = arith.shli %parallel_loop3A_466, %parallel_loop3A_468 : vector<16xi32>
        %parallel_loop3A_470 = arith.addi %parallel_loop3A_469, %iota3A : vector<16xi32>
        %parallel_loop3A_471 = tpu.vector_load_idx %arg9[%parallel_loop3A_470] : memref<1024xf32, #tpu.memory_space<vmem>>[vector<16xi32>], vector<16xf32>,
        %parallel_loop3A_472 = arith.index_cast %parallel_loop3A_459 : i32 to index
        %parallel_loop3A_473 = arith.index_cast %parallel_loop3A_463 : i32 to index
        %parallel_loop3A_474 = tpu.vector_load %arg20[%parallel_loop3A_472, %parallel_loop3A_473] {strides = array<i32>} : memref<8x512xf32, #tpu.memory_space<vmem>>, vector<16xf32>,
        tpu.vector_store %arg20[%parallel_loop3A_472, %parallel_loop3A_473], %parallel_loop3A_471 {strides = array<i32>} : memref<8x512xf32, #tpu.memory_space<vmem>>, vector<16xf32>,
      } {sc.loop_unroll_factor = 8 : i64, sc.parallel_access}
      %mul3A_277 = arith.constant 8 : i32
      %mul3A_278 = arith.muli %add3A_261, %mul3A_277 : i32
      %add3A_279 = arith.addi %mul3A_2, %mul3A_278 : i32
      %dma_start3A_280 = arith.constant 0 : i32
      %dma_start3A_281 = tpu.memref_slice %arg5[%add3A_279, %dma_start3A_280] : memref<8192x512xf32, #tpu.memory_space<hbm>> -> memref<8x512xf32, #tpu.memory_space<hbm>>
      %dma_start3A_282 = arith.constant 0 : i32
      %dma_start3A_283 = tpu.memref_slice %arg5[%add3A_279, %dma_start3A_282] : memref<8192x512xf32, #tpu.memory_space<hbm>> -> memref<8x512xf32, #tpu.memory_space<hbm>>
      tpu.enqueue_dma source(%arg20 : memref<8x512xf32, #tpu.memory_space<vmem>>) target(%dma_start3A_283 : memref<8x512xf32, #tpu.memory_space<hbm>>) target_semaphore(%arg37 : memref<!tpu.dma_semaphore, #tpu.memory_space<semaphore_mem>>)
      %add3A_284 = arith.constant 8 : i32
      %add3A_285 = arith.addi %add3A_261, %add3A_284 : i32
      %lt3A_286 = arith.constant 32 : i32
      %lt3A_287 = arith.cmpi slt, %add3A_285, %lt3A_286 : i32
      %convert_element_type3A_288 = arith.extui %lt3A_287 : i1 to i32
      %cond3A_289 = arith.constant 0 : i32
      %cond3A_290 = arith.cmpi ne, %convert_element_type3A_288, %cond3A_289 : i32
      scf.if %cond3A_290 {
        %add3A_457 = arith.constant 8 : i32
        %add3A_458 = arith.addi %add3A_261, %add3A_457 : i32
        %mul3A_459 = arith.constant 8 : i32
        %mul3A_460 = arith.muli %add3A_458, %mul3A_459 : i32
        %add3A_461 = arith.addi %mul3A_2, %mul3A_460 : i32
        %dma_start3A_462 = arith.constant 0 : i32
        %dma_start3A_463 = tpu.memref_slice %arg4[%add3A_461, %dma_start3A_462] : memref<8192x512xi32, #tpu.memory_space<hbm>> -> memref<8x512xi32, #tpu.memory_space<hbm>>
        %dma_start3A_464 = arith.constant 0 : i32
        %dma_start3A_465 = tpu.memref_slice %arg4[%add3A_461, %dma_start3A_464] : memref<8192x512xi32, #tpu.memory_space<hbm>> -> memref<8x512xi32, #tpu.memory_space<hbm>>
        tpu.enqueue_dma source(%dma_start3A_465 : memref<8x512xi32, #tpu.memory_space<hbm>>) target(%arg12 : memref<8x512xi32, #tpu.memory_space<vmem>>) target_semaphore(%arg29 : memref<!tpu.dma_semaphore, #tpu.memory_space<semaphore_mem>>)
      } else {
      }
      %mul3A_291 = arith.constant 8 : i32
      %mul3A_292 = arith.muli %scan3A_195, %mul3A_291 : i32
      %add3A_293 = arith.constant 3 : i32
      %add3A_294 = arith.addi %mul3A_292, %add3A_293 : i32
      %mul3A_295 = arith.constant 8 : i32
      %mul3A_296 = arith.muli %add3A_294, %mul3A_295 : i32
      %add3A_297 = arith.addi %mul3A_2, %mul3A_296 : i32
      %dma_wait3A_298 = arith.constant 0 : i32
      %dma_wait3A_299 = tpu.memref_slice %arg4[%add3A_297, %dma_wait3A_298] : memref<8192x512xi32, #tpu.memory_space<hbm>> -> memref<8x512xi32, #tpu.memory_space<hbm>>
      %dma_wait3A_300 = arith.constant 0 : i32
      %dma_wait3A_301 = tpu.memref_slice %arg4[%add3A_297, %dma_wait3A_300] : memref<8192x512xi32, #tpu.memory_space<hbm>> -> memref<8x512xi32, #tpu.memory_space<hbm>>
      tpu.wait_dma2 semaphore(%arg30 : memref<!tpu.dma_semaphore, #tpu.memory_space<semaphore_mem>>) src(%dma_wait3A_301 : memref<8x512xi32, #tpu.memory_space<hbm>>) dst(%arg13 : memref<8x512xi32, #tpu.memory_space<vmem>>)
      %ge3A_302 = arith.constant 8 : i32
      %ge3A_303 = arith.cmpi sge, %add3A_294, %ge3A_302 : i32
      %convert_element_type3A_304 = arith.extui %ge3A_303 : i1 to i32
      %cond3A_305 = arith.constant 0 : i32
      %cond3A_306 = arith.cmpi ne, %convert_element_type3A_304, %cond3A_305 : i32
      scf.if %cond3A_306 {
        %sub3A_457 = arith.constant 8 : i32
        %sub3A_458 = arith.subi %add3A_294, %sub3A_457 : i32
        %mul3A_459 = arith.constant 8 : i32
        %mul3A_460 = arith.muli %sub3A_458, %mul3A_459 : i32
        %add3A_461 = arith.addi %mul3A_2, %mul3A_460 : i32
        %dma_wait3A_462 = arith.constant 0 : i32
        %dma_wait3A_463 = tpu.memref_slice %arg5[%add3A_461, %dma_wait3A_462] : memref<8192x512xf32, #tpu.memory_space<hbm>> -> memref<8x512xf32, #tpu.memory_space<hbm>>
        %dma_wait3A_464 = arith.constant 0 : i32
        %dma_wait3A_465 = tpu.memref_slice %arg5[%add3A_461, %dma_wait3A_464] : memref<8192x512xf32, #tpu.memory_space<hbm>> -> memref<8x512xf32, #tpu.memory_space<hbm>>
        tpu.wait_dma2 semaphore(%arg38 : memref<!tpu.dma_semaphore, #tpu.memory_space<semaphore_mem>>) src(%arg21 : memref<8x512xf32, #tpu.memory_space<vmem>>) dst(%dma_wait3A_465 : memref<8x512xf32, #tpu.memory_space<hbm>>)
      } else {
      }
      %parallel_loop3A_307 = arith.constant 0 : i32
      %parallel_loop3A_308 = arith.constant 256 : i32
      %parallel_loop3A_309 = arith.constant 1 : i32
      scf.for %parallel_loop3A_457 = %parallel_loop3A_307 to %parallel_loop3A_308 step %parallel_loop3A_309  : i32 {
        %parallel_loop3A_458 = arith.constant 5 : i32
        %parallel_loop3A_459 = arith.shrsi %parallel_loop3A_457, %parallel_loop3A_458 : i32
        %parallel_loop3A_460 = arith.constant 31 : i32
        %parallel_loop3A_461 = arith.andi %parallel_loop3A_457, %parallel_loop3A_460 : i32
        %parallel_loop3A_462 = arith.constant 16 : i32
        %parallel_loop3A_463 = arith.muli %parallel_loop3A_461, %parallel_loop3A_462 : i32
        %parallel_loop3A_464 = arith.index_cast %parallel_loop3A_459 : i32 to index
        %parallel_loop3A_465 = arith.index_cast %parallel_loop3A_463 : i32 to index
        %parallel_loop3A_466 = tpu.vector_load %arg13[%parallel_loop3A_464, %parallel_loop3A_465] {strides = array<i32>} : memref<8x512xi32, #tpu.memory_space<vmem>>, vector<16xi32>,
        %parallel_loop3A_467 = arith.constant 4 : i32
        %parallel_loop3A_468 = vector.broadcast %parallel_loop3A_467 : i32 to vector<16xi32>
        %parallel_loop3A_469 = arith.shli %parallel_loop3A_466, %parallel_loop3A_468 : vector<16xi32>
        %parallel_loop3A_470 = arith.addi %parallel_loop3A_469, %iota3A : vector<16xi32>
        %parallel_loop3A_471 = tpu.vector_load_idx %arg9[%parallel_loop3A_470] : memref<1024xf32, #tpu.memory_space<vmem>>[vector<16xi32>], vector<16xf32>,
        %parallel_loop3A_472 = arith.index_cast %parallel_loop3A_459 : i32 to index
        %parallel_loop3A_473 = arith.index_cast %parallel_loop3A_463 : i32 to index
        %parallel_loop3A_474 = tpu.vector_load %arg21[%parallel_loop3A_472, %parallel_loop3A_473] {strides = array<i32>} : memref<8x512xf32, #tpu.memory_space<vmem>>, vector<16xf32>,
        tpu.vector_store %arg21[%parallel_loop3A_472, %parallel_loop3A_473], %parallel_loop3A_471 {strides = array<i32>} : memref<8x512xf32, #tpu.memory_space<vmem>>, vector<16xf32>,
      } {sc.loop_unroll_factor = 8 : i64, sc.parallel_access}
      %mul3A_310 = arith.constant 8 : i32
      %mul3A_311 = arith.muli %add3A_294, %mul3A_310 : i32
      %add3A_312 = arith.addi %mul3A_2, %mul3A_311 : i32
      %dma_start3A_313 = arith.constant 0 : i32
      %dma_start3A_314 = tpu.memref_slice %arg5[%add3A_312, %dma_start3A_313] : memref<8192x512xf32, #tpu.memory_space<hbm>> -> memref<8x512xf32, #tpu.memory_space<hbm>>
      %dma_start3A_315 = arith.constant 0 : i32
      %dma_start3A_316 = tpu.memref_slice %arg5[%add3A_312, %dma_start3A_315] : memref<8192x512xf32, #tpu.memory_space<hbm>> -> memref<8x512xf32, #tpu.memory_space<hbm>>
      tpu.enqueue_dma source(%arg21 : memref<8x512xf32, #tpu.memory_space<vmem>>) target(%dma_start3A_316 : memref<8x512xf32, #tpu.memory_space<hbm>>) target_semaphore(%arg38 : memref<!tpu.dma_semaphore, #tpu.memory_space<semaphore_mem>>)
      %add3A_317 = arith.constant 8 : i32
      %add3A_318 = arith.addi %add3A_294, %add3A_317 : i32
      %lt3A_319 = arith.constant 32 : i32
      %lt3A_320 = arith.cmpi slt, %add3A_318, %lt3A_319 : i32
      %convert_element_type3A_321 = arith.extui %lt3A_320 : i1 to i32
      %cond3A_322 = arith.constant 0 : i32
      %cond3A_323 = arith.cmpi ne, %convert_element_type3A_321, %cond3A_322 : i32
      scf.if %cond3A_323 {
        %add3A_457 = arith.constant 8 : i32
        %add3A_458 = arith.addi %add3A_294, %add3A_457 : i32
        %mul3A_459 = arith.constant 8 : i32
        %mul3A_460 = arith.muli %add3A_458, %mul3A_459 : i32
        %add3A_461 = arith.addi %mul3A_2, %mul3A_460 : i32
        %dma_start3A_462 = arith.constant 0 : i32
        %dma_start3A_463 = tpu.memref_slice %arg4[%add3A_461, %dma_start3A_462] : memref<8192x512xi32, #tpu.memory_space<hbm>> -> memref<8x512xi32, #tpu.memory_space<hbm>>
        %dma_start3A_464 = arith.constant 0 : i32
        %dma_start3A_465 = tpu.memref_slice %arg4[%add3A_461, %dma_start3A_464] : memref<8192x512xi32, #tpu.memory_space<hbm>> -> memref<8x512xi32, #tpu.memory_space<hbm>>
        tpu.enqueue_dma source(%dma_start3A_465 : memref<8x512xi32, #tpu.memory_space<hbm>>) target(%arg13 : memref<8x512xi32, #tpu.memory_space<vmem>>) target_semaphore(%arg30 : memref<!tpu.dma_semaphore, #tpu.memory_space<semaphore_mem>>)
      } else {
      }
      %mul3A_324 = arith.constant 8 : i32
      %mul3A_325 = arith.muli %scan3A_195, %mul3A_324 : i32
      %add3A_326 = arith.constant 4 : i32
      %add3A_327 = arith.addi %mul3A_325, %add3A_326 : i32
      %mul3A_328 = arith.constant 8 : i32
      %mul3A_329 = arith.muli %add3A_327, %mul3A_328 : i32
      %add3A_330 = arith.addi %mul3A_2, %mul3A_329 : i32
      %dma_wait3A_331 = arith.constant 0 : i32
      %dma_wait3A_332 = tpu.memref_slice %arg4[%add3A_330, %dma_wait3A_331] : memref<8192x512xi32, #tpu.memory_space<hbm>> -> memref<8x512xi32, #tpu.memory_space<hbm>>
      %dma_wait3A_333 = arith.constant 0 : i32
      %dma_wait3A_334 = tpu.memref_slice %arg4[%add3A_330, %dma_wait3A_333] : memref<8192x512xi32, #tpu.memory_space<hbm>> -> memref<8x512xi32, #tpu.memory_space<hbm>>
      tpu.wait_dma2 semaphore(%arg31 : memref<!tpu.dma_semaphore, #tpu.memory_space<semaphore_mem>>) src(%dma_wait3A_334 : memref<8x512xi32, #tpu.memory_space<hbm>>) dst(%arg14 : memref<8x512xi32, #tpu.memory_space<vmem>>)
      %ge3A_335 = arith.constant 8 : i32
      %ge3A_336 = arith.cmpi sge, %add3A_327, %ge3A_335 : i32
      %convert_element_type3A_337 = arith.extui %ge3A_336 : i1 to i32
      %cond3A_338 = arith.constant 0 : i32
      %cond3A_339 = arith.cmpi ne, %convert_element_type3A_337, %cond3A_338 : i32
      scf.if %cond3A_339 {
        %sub3A_457 = arith.constant 8 : i32
        %sub3A_458 = arith.subi %add3A_327, %sub3A_457 : i32
        %mul3A_459 = arith.constant 8 : i32
        %mul3A_460 = arith.muli %sub3A_458, %mul3A_459 : i32
        %add3A_461 = arith.addi %mul3A_2, %mul3A_460 : i32
        %dma_wait3A_462 = arith.constant 0 : i32
        %dma_wait3A_463 = tpu.memref_slice %arg5[%add3A_461, %dma_wait3A_462] : memref<8192x512xf32, #tpu.memory_space<hbm>> -> memref<8x512xf32, #tpu.memory_space<hbm>>
        %dma_wait3A_464 = arith.constant 0 : i32
        %dma_wait3A_465 = tpu.memref_slice %arg5[%add3A_461, %dma_wait3A_464] : memref<8192x512xf32, #tpu.memory_space<hbm>> -> memref<8x512xf32, #tpu.memory_space<hbm>>
        tpu.wait_dma2 semaphore(%arg39 : memref<!tpu.dma_semaphore, #tpu.memory_space<semaphore_mem>>) src(%arg22 : memref<8x512xf32, #tpu.memory_space<vmem>>) dst(%dma_wait3A_465 : memref<8x512xf32, #tpu.memory_space<hbm>>)
      } else {
      }
      %parallel_loop3A_340 = arith.constant 0 : i32
      %parallel_loop3A_341 = arith.constant 256 : i32
      %parallel_loop3A_342 = arith.constant 1 : i32
      scf.for %parallel_loop3A_457 = %parallel_loop3A_340 to %parallel_loop3A_341 step %parallel_loop3A_342  : i32 {
        %parallel_loop3A_458 = arith.constant 5 : i32
        %parallel_loop3A_459 = arith.shrsi %parallel_loop3A_457, %parallel_loop3A_458 : i32
        %parallel_loop3A_460 = arith.constant 31 : i32
        %parallel_loop3A_461 = arith.andi %parallel_loop3A_457, %parallel_loop3A_460 : i32
        %parallel_loop3A_462 = arith.constant 16 : i32
        %parallel_loop3A_463 = arith.muli %parallel_loop3A_461, %parallel_loop3A_462 : i32
        %parallel_loop3A_464 = arith.index_cast %parallel_loop3A_459 : i32 to index
        %parallel_loop3A_465 = arith.index_cast %parallel_loop3A_463 : i32 to index
        %parallel_loop3A_466 = tpu.vector_load %arg14[%parallel_loop3A_464, %parallel_loop3A_465] {strides = array<i32>} : memref<8x512xi32, #tpu.memory_space<vmem>>, vector<16xi32>,
        %parallel_loop3A_467 = arith.constant 4 : i32
        %parallel_loop3A_468 = vector.broadcast %parallel_loop3A_467 : i32 to vector<16xi32>
        %parallel_loop3A_469 = arith.shli %parallel_loop3A_466, %parallel_loop3A_468 : vector<16xi32>
        %parallel_loop3A_470 = arith.addi %parallel_loop3A_469, %iota3A : vector<16xi32>
        %parallel_loop3A_471 = tpu.vector_load_idx %arg9[%parallel_loop3A_470] : memref<1024xf32, #tpu.memory_space<vmem>>[vector<16xi32>], vector<16xf32>,
        %parallel_loop3A_472 = arith.index_cast %parallel_loop3A_459 : i32 to index
        %parallel_loop3A_473 = arith.index_cast %parallel_loop3A_463 : i32 to index
        %parallel_loop3A_474 = tpu.vector_load %arg22[%parallel_loop3A_472, %parallel_loop3A_473] {strides = array<i32>} : memref<8x512xf32, #tpu.memory_space<vmem>>, vector<16xf32>,
        tpu.vector_store %arg22[%parallel_loop3A_472, %parallel_loop3A_473], %parallel_loop3A_471 {strides = array<i32>} : memref<8x512xf32, #tpu.memory_space<vmem>>, vector<16xf32>,
      } {sc.loop_unroll_factor = 8 : i64, sc.parallel_access}
      %mul3A_343 = arith.constant 8 : i32
      %mul3A_344 = arith.muli %add3A_327, %mul3A_343 : i32
      %add3A_345 = arith.addi %mul3A_2, %mul3A_344 : i32
      %dma_start3A_346 = arith.constant 0 : i32
      %dma_start3A_347 = tpu.memref_slice %arg5[%add3A_345, %dma_start3A_346] : memref<8192x512xf32, #tpu.memory_space<hbm>> -> memref<8x512xf32, #tpu.memory_space<hbm>>
      %dma_start3A_348 = arith.constant 0 : i32
      %dma_start3A_349 = tpu.memref_slice %arg5[%add3A_345, %dma_start3A_348] : memref<8192x512xf32, #tpu.memory_space<hbm>> -> memref<8x512xf32, #tpu.memory_space<hbm>>
      tpu.enqueue_dma source(%arg22 : memref<8x512xf32, #tpu.memory_space<vmem>>) target(%dma_start3A_349 : memref<8x512xf32, #tpu.memory_space<hbm>>) target_semaphore(%arg39 : memref<!tpu.dma_semaphore, #tpu.memory_space<semaphore_mem>>)
      %add3A_350 = arith.constant 8 : i32
      %add3A_351 = arith.addi %add3A_327, %add3A_350 : i32
      %lt3A_352 = arith.constant 32 : i32
      %lt3A_353 = arith.cmpi slt, %add3A_351, %lt3A_352 : i32
      %convert_element_type3A_354 = arith.extui %lt3A_353 : i1 to i32
      %cond3A_355 = arith.constant 0 : i32
      %cond3A_356 = arith.cmpi ne, %convert_element_type3A_354, %cond3A_355 : i32
      scf.if %cond3A_356 {
        %add3A_457 = arith.constant 8 : i32
        %add3A_458 = arith.addi %add3A_327, %add3A_457 : i32
        %mul3A_459 = arith.constant 8 : i32
        %mul3A_460 = arith.muli %add3A_458, %mul3A_459 : i32
        %add3A_461 = arith.addi %mul3A_2, %mul3A_460 : i32
        %dma_start3A_462 = arith.constant 0 : i32
        %dma_start3A_463 = tpu.memref_slice %arg4[%add3A_461, %dma_start3A_462] : memref<8192x512xi32, #tpu.memory_space<hbm>> -> memref<8x512xi32, #tpu.memory_space<hbm>>
        %dma_start3A_464 = arith.constant 0 : i32
        %dma_start3A_465 = tpu.memref_slice %arg4[%add3A_461, %dma_start3A_464] : memref<8192x512xi32, #tpu.memory_space<hbm>> -> memref<8x512xi32, #tpu.memory_space<hbm>>
        tpu.enqueue_dma source(%dma_start3A_465 : memref<8x512xi32, #tpu.memory_space<hbm>>) target(%arg14 : memref<8x512xi32, #tpu.memory_space<vmem>>) target_semaphore(%arg31 : memref<!tpu.dma_semaphore, #tpu.memory_space<semaphore_mem>>)
      } else {
      }
      %mul3A_357 = arith.constant 8 : i32
      %mul3A_358 = arith.muli %scan3A_195, %mul3A_357 : i32
      %add3A_359 = arith.constant 5 : i32
      %add3A_360 = arith.addi %mul3A_358, %add3A_359 : i32
      %mul3A_361 = arith.constant 8 : i32
      %mul3A_362 = arith.muli %add3A_360, %mul3A_361 : i32
      %add3A_363 = arith.addi %mul3A_2, %mul3A_362 : i32
      %dma_wait3A_364 = arith.constant 0 : i32
      %dma_wait3A_365 = tpu.memref_slice %arg4[%add3A_363, %dma_wait3A_364] : memref<8192x512xi32, #tpu.memory_space<hbm>> -> memref<8x512xi32, #tpu.memory_space<hbm>>
      %dma_wait3A_366 = arith.constant 0 : i32
      %dma_wait3A_367 = tpu.memref_slice %arg4[%add3A_363, %dma_wait3A_366] : memref<8192x512xi32, #tpu.memory_space<hbm>> -> memref<8x512xi32, #tpu.memory_space<hbm>>
      tpu.wait_dma2 semaphore(%arg32 : memref<!tpu.dma_semaphore, #tpu.memory_space<semaphore_mem>>) src(%dma_wait3A_367 : memref<8x512xi32, #tpu.memory_space<hbm>>) dst(%arg15 : memref<8x512xi32, #tpu.memory_space<vmem>>)
      %ge3A_368 = arith.constant 8 : i32
      %ge3A_369 = arith.cmpi sge, %add3A_360, %ge3A_368 : i32
      %convert_element_type3A_370 = arith.extui %ge3A_369 : i1 to i32
      %cond3A_371 = arith.constant 0 : i32
      %cond3A_372 = arith.cmpi ne, %convert_element_type3A_370, %cond3A_371 : i32
      scf.if %cond3A_372 {
        %sub3A_457 = arith.constant 8 : i32
        %sub3A_458 = arith.subi %add3A_360, %sub3A_457 : i32
        %mul3A_459 = arith.constant 8 : i32
        %mul3A_460 = arith.muli %sub3A_458, %mul3A_459 : i32
        %add3A_461 = arith.addi %mul3A_2, %mul3A_460 : i32
        %dma_wait3A_462 = arith.constant 0 : i32
        %dma_wait3A_463 = tpu.memref_slice %arg5[%add3A_461, %dma_wait3A_462] : memref<8192x512xf32, #tpu.memory_space<hbm>> -> memref<8x512xf32, #tpu.memory_space<hbm>>
        %dma_wait3A_464 = arith.constant 0 : i32
        %dma_wait3A_465 = tpu.memref_slice %arg5[%add3A_461, %dma_wait3A_464] : memref<8192x512xf32, #tpu.memory_space<hbm>> -> memref<8x512xf32, #tpu.memory_space<hbm>>
        tpu.wait_dma2 semaphore(%arg40 : memref<!tpu.dma_semaphore, #tpu.memory_space<semaphore_mem>>) src(%arg23 : memref<8x512xf32, #tpu.memory_space<vmem>>) dst(%dma_wait3A_465 : memref<8x512xf32, #tpu.memory_space<hbm>>)
      } else {
      }
      %parallel_loop3A_373 = arith.constant 0 : i32
      %parallel_loop3A_374 = arith.constant 256 : i32
      %parallel_loop3A_375 = arith.constant 1 : i32
      scf.for %parallel_loop3A_457 = %parallel_loop3A_373 to %parallel_loop3A_374 step %parallel_loop3A_375  : i32 {
        %parallel_loop3A_458 = arith.constant 5 : i32
        %parallel_loop3A_459 = arith.shrsi %parallel_loop3A_457, %parallel_loop3A_458 : i32
        %parallel_loop3A_460 = arith.constant 31 : i32
        %parallel_loop3A_461 = arith.andi %parallel_loop3A_457, %parallel_loop3A_460 : i32
        %parallel_loop3A_462 = arith.constant 16 : i32
        %parallel_loop3A_463 = arith.muli %parallel_loop3A_461, %parallel_loop3A_462 : i32
        %parallel_loop3A_464 = arith.index_cast %parallel_loop3A_459 : i32 to index
        %parallel_loop3A_465 = arith.index_cast %parallel_loop3A_463 : i32 to index
        %parallel_loop3A_466 = tpu.vector_load %arg15[%parallel_loop3A_464, %parallel_loop3A_465] {strides = array<i32>} : memref<8x512xi32, #tpu.memory_space<vmem>>, vector<16xi32>,
        %parallel_loop3A_467 = arith.constant 4 : i32
        %parallel_loop3A_468 = vector.broadcast %parallel_loop3A_467 : i32 to vector<16xi32>
        %parallel_loop3A_469 = arith.shli %parallel_loop3A_466, %parallel_loop3A_468 : vector<16xi32>
        %parallel_loop3A_470 = arith.addi %parallel_loop3A_469, %iota3A : vector<16xi32>
        %parallel_loop3A_471 = tpu.vector_load_idx %arg9[%parallel_loop3A_470] : memref<1024xf32, #tpu.memory_space<vmem>>[vector<16xi32>], vector<16xf32>,
        %parallel_loop3A_472 = arith.index_cast %parallel_loop3A_459 : i32 to index
        %parallel_loop3A_473 = arith.index_cast %parallel_loop3A_463 : i32 to index
        %parallel_loop3A_474 = tpu.vector_load %arg23[%parallel_loop3A_472, %parallel_loop3A_473] {strides = array<i32>} : memref<8x512xf32, #tpu.memory_space<vmem>>, vector<16xf32>,
        tpu.vector_store %arg23[%parallel_loop3A_472, %parallel_loop3A_473], %parallel_loop3A_471 {strides = array<i32>} : memref<8x512xf32, #tpu.memory_space<vmem>>, vector<16xf32>,
      } {sc.loop_unroll_factor = 8 : i64, sc.parallel_access}
      %mul3A_376 = arith.constant 8 : i32
      %mul3A_377 = arith.muli %add3A_360, %mul3A_376 : i32
      %add3A_378 = arith.addi %mul3A_2, %mul3A_377 : i32
      %dma_start3A_379 = arith.constant 0 : i32
      %dma_start3A_380 = tpu.memref_slice %arg5[%add3A_378, %dma_start3A_379] : memref<8192x512xf32, #tpu.memory_space<hbm>> -> memref<8x512xf32, #tpu.memory_space<hbm>>
      %dma_start3A_381 = arith.constant 0 : i32
      %dma_start3A_382 = tpu.memref_slice %arg5[%add3A_378, %dma_start3A_381] : memref<8192x512xf32, #tpu.memory_space<hbm>> -> memref<8x512xf32, #tpu.memory_space<hbm>>
      tpu.enqueue_dma source(%arg23 : memref<8x512xf32, #tpu.memory_space<vmem>>) target(%dma_start3A_382 : memref<8x512xf32, #tpu.memory_space<hbm>>) target_semaphore(%arg40 : memref<!tpu.dma_semaphore, #tpu.memory_space<semaphore_mem>>)
      %add3A_383 = arith.constant 8 : i32
      %add3A_384 = arith.addi %add3A_360, %add3A_383 : i32
      %lt3A_385 = arith.constant 32 : i32
      %lt3A_386 = arith.cmpi slt, %add3A_384, %lt3A_385 : i32
      %convert_element_type3A_387 = arith.extui %lt3A_386 : i1 to i32
      %cond3A_388 = arith.constant 0 : i32
      %cond3A_389 = arith.cmpi ne, %convert_element_type3A_387, %cond3A_388 : i32
      scf.if %cond3A_389 {
        %add3A_457 = arith.constant 8 : i32
        %add3A_458 = arith.addi %add3A_360, %add3A_457 : i32
        %mul3A_459 = arith.constant 8 : i32
        %mul3A_460 = arith.muli %add3A_458, %mul3A_459 : i32
        %add3A_461 = arith.addi %mul3A_2, %mul3A_460 : i32
        %dma_start3A_462 = arith.constant 0 : i32
        %dma_start3A_463 = tpu.memref_slice %arg4[%add3A_461, %dma_start3A_462] : memref<8192x512xi32, #tpu.memory_space<hbm>> -> memref<8x512xi32, #tpu.memory_space<hbm>>
        %dma_start3A_464 = arith.constant 0 : i32
        %dma_start3A_465 = tpu.memref_slice %arg4[%add3A_461, %dma_start3A_464] : memref<8192x512xi32, #tpu.memory_space<hbm>> -> memref<8x512xi32, #tpu.memory_space<hbm>>
        tpu.enqueue_dma source(%dma_start3A_465 : memref<8x512xi32, #tpu.memory_space<hbm>>) target(%arg15 : memref<8x512xi32, #tpu.memory_space<vmem>>) target_semaphore(%arg32 : memref<!tpu.dma_semaphore, #tpu.memory_space<semaphore_mem>>)
      } else {
      }
      %mul3A_390 = arith.constant 8 : i32
      %mul3A_391 = arith.muli %scan3A_195, %mul3A_390 : i32
      %add3A_392 = arith.constant 6 : i32
      %add3A_393 = arith.addi %mul3A_391, %add3A_392 : i32
      %mul3A_394 = arith.constant 8 : i32
      %mul3A_395 = arith.muli %add3A_393, %mul3A_394 : i32
      %add3A_396 = arith.addi %mul3A_2, %mul3A_395 : i32
      %dma_wait3A_397 = arith.constant 0 : i32
      %dma_wait3A_398 = tpu.memref_slice %arg4[%add3A_396, %dma_wait3A_397] : memref<8192x512xi32, #tpu.memory_space<hbm>> -> memref<8x512xi32, #tpu.memory_space<hbm>>
      %dma_wait3A_399 = arith.constant 0 : i32
      %dma_wait3A_400 = tpu.memref_slice %arg4[%add3A_396, %dma_wait3A_399] : memref<8192x512xi32, #tpu.memory_space<hbm>> -> memref<8x512xi32, #tpu.memory_space<hbm>>
      tpu.wait_dma2 semaphore(%arg33 : memref<!tpu.dma_semaphore, #tpu.memory_space<semaphore_mem>>) src(%dma_wait3A_400 : memref<8x512xi32, #tpu.memory_space<hbm>>) dst(%arg16 : memref<8x512xi32, #tpu.memory_space<vmem>>)
      %ge3A_401 = arith.constant 8 : i32
      %ge3A_402 = arith.cmpi sge, %add3A_393, %ge3A_401 : i32
      %convert_element_type3A_403 = arith.extui %ge3A_402 : i1 to i32
      %cond3A_404 = arith.constant 0 : i32
      %cond3A_405 = arith.cmpi ne, %convert_element_type3A_403, %cond3A_404 : i32
      scf.if %cond3A_405 {
        %sub3A_457 = arith.constant 8 : i32
        %sub3A_458 = arith.subi %add3A_393, %sub3A_457 : i32
        %mul3A_459 = arith.constant 8 : i32
        %mul3A_460 = arith.muli %sub3A_458, %mul3A_459 : i32
        %add3A_461 = arith.addi %mul3A_2, %mul3A_460 : i32
        %dma_wait3A_462 = arith.constant 0 : i32
        %dma_wait3A_463 = tpu.memref_slice %arg5[%add3A_461, %dma_wait3A_462] : memref<8192x512xf32, #tpu.memory_space<hbm>> -> memref<8x512xf32, #tpu.memory_space<hbm>>
        %dma_wait3A_464 = arith.constant 0 : i32
        %dma_wait3A_465 = tpu.memref_slice %arg5[%add3A_461, %dma_wait3A_464] : memref<8192x512xf32, #tpu.memory_space<hbm>> -> memref<8x512xf32, #tpu.memory_space<hbm>>
        tpu.wait_dma2 semaphore(%arg41 : memref<!tpu.dma_semaphore, #tpu.memory_space<semaphore_mem>>) src(%arg24 : memref<8x512xf32, #tpu.memory_space<vmem>>) dst(%dma_wait3A_465 : memref<8x512xf32, #tpu.memory_space<hbm>>)
      } else {
      }
      %parallel_loop3A_406 = arith.constant 0 : i32
      %parallel_loop3A_407 = arith.constant 256 : i32
      %parallel_loop3A_408 = arith.constant 1 : i32
      scf.for %parallel_loop3A_457 = %parallel_loop3A_406 to %parallel_loop3A_407 step %parallel_loop3A_408  : i32 {
        %parallel_loop3A_458 = arith.constant 5 : i32
        %parallel_loop3A_459 = arith.shrsi %parallel_loop3A_457, %parallel_loop3A_458 : i32
        %parallel_loop3A_460 = arith.constant 31 : i32
        %parallel_loop3A_461 = arith.andi %parallel_loop3A_457, %parallel_loop3A_460 : i32
        %parallel_loop3A_462 = arith.constant 16 : i32
        %parallel_loop3A_463 = arith.muli %parallel_loop3A_461, %parallel_loop3A_462 : i32
        %parallel_loop3A_464 = arith.index_cast %parallel_loop3A_459 : i32 to index
        %parallel_loop3A_465 = arith.index_cast %parallel_loop3A_463 : i32 to index
        %parallel_loop3A_466 = tpu.vector_load %arg16[%parallel_loop3A_464, %parallel_loop3A_465] {strides = array<i32>} : memref<8x512xi32, #tpu.memory_space<vmem>>, vector<16xi32>,
        %parallel_loop3A_467 = arith.constant 4 : i32
        %parallel_loop3A_468 = vector.broadcast %parallel_loop3A_467 : i32 to vector<16xi32>
        %parallel_loop3A_469 = arith.shli %parallel_loop3A_466, %parallel_loop3A_468 : vector<16xi32>
        %parallel_loop3A_470 = arith.addi %parallel_loop3A_469, %iota3A : vector<16xi32>
        %parallel_loop3A_471 = tpu.vector_load_idx %arg9[%parallel_loop3A_470] : memref<1024xf32, #tpu.memory_space<vmem>>[vector<16xi32>], vector<16xf32>,
        %parallel_loop3A_472 = arith.index_cast %parallel_loop3A_459 : i32 to index
        %parallel_loop3A_473 = arith.index_cast %parallel_loop3A_463 : i32 to index
        %parallel_loop3A_474 = tpu.vector_load %arg24[%parallel_loop3A_472, %parallel_loop3A_473] {strides = array<i32>} : memref<8x512xf32, #tpu.memory_space<vmem>>, vector<16xf32>,
        tpu.vector_store %arg24[%parallel_loop3A_472, %parallel_loop3A_473], %parallel_loop3A_471 {strides = array<i32>} : memref<8x512xf32, #tpu.memory_space<vmem>>, vector<16xf32>,
      } {sc.loop_unroll_factor = 8 : i64, sc.parallel_access}
      %mul3A_409 = arith.constant 8 : i32
      %mul3A_410 = arith.muli %add3A_393, %mul3A_409 : i32
      %add3A_411 = arith.addi %mul3A_2, %mul3A_410 : i32
      %dma_start3A_412 = arith.constant 0 : i32
      %dma_start3A_413 = tpu.memref_slice %arg5[%add3A_411, %dma_start3A_412] : memref<8192x512xf32, #tpu.memory_space<hbm>> -> memref<8x512xf32, #tpu.memory_space<hbm>>
      %dma_start3A_414 = arith.constant 0 : i32
      %dma_start3A_415 = tpu.memref_slice %arg5[%add3A_411, %dma_start3A_414] : memref<8192x512xf32, #tpu.memory_space<hbm>> -> memref<8x512xf32, #tpu.memory_space<hbm>>
      tpu.enqueue_dma source(%arg24 : memref<8x512xf32, #tpu.memory_space<vmem>>) target(%dma_start3A_415 : memref<8x512xf32, #tpu.memory_space<hbm>>) target_semaphore(%arg41 : memref<!tpu.dma_semaphore, #tpu.memory_space<semaphore_mem>>)
      %add3A_416 = arith.constant 8 : i32
      %add3A_417 = arith.addi %add3A_393, %add3A_416 : i32
      %lt3A_418 = arith.constant 32 : i32
      %lt3A_419 = arith.cmpi slt, %add3A_417, %lt3A_418 : i32
      %convert_element_type3A_420 = arith.extui %lt3A_419 : i1 to i32
      %cond3A_421 = arith.constant 0 : i32
      %cond3A_422 = arith.cmpi ne, %convert_element_type3A_420, %cond3A_421 : i32
      scf.if %cond3A_422 {
        %add3A_457 = arith.constant 8 : i32
        %add3A_458 = arith.addi %add3A_393, %add3A_457 : i32
        %mul3A_459 = arith.constant 8 : i32
        %mul3A_460 = arith.muli %add3A_458, %mul3A_459 : i32
        %add3A_461 = arith.addi %mul3A_2, %mul3A_460 : i32
        %dma_start3A_462 = arith.constant 0 : i32
        %dma_start3A_463 = tpu.memref_slice %arg4[%add3A_461, %dma_start3A_462] : memref<8192x512xi32, #tpu.memory_space<hbm>> -> memref<8x512xi32, #tpu.memory_space<hbm>>
        %dma_start3A_464 = arith.constant 0 : i32
        %dma_start3A_465 = tpu.memref_slice %arg4[%add3A_461, %dma_start3A_464] : memref<8192x512xi32, #tpu.memory_space<hbm>> -> memref<8x512xi32, #tpu.memory_space<hbm>>
        tpu.enqueue_dma source(%dma_start3A_465 : memref<8x512xi32, #tpu.memory_space<hbm>>) target(%arg16 : memref<8x512xi32, #tpu.memory_space<vmem>>) target_semaphore(%arg33 : memref<!tpu.dma_semaphore, #tpu.memory_space<semaphore_mem>>)
      } else {
      }
      %mul3A_423 = arith.constant 8 : i32
      %mul3A_424 = arith.muli %scan3A_195, %mul3A_423 : i32
      %add3A_425 = arith.constant 7 : i32
      %add3A_426 = arith.addi %mul3A_424, %add3A_425 : i32
      %mul3A_427 = arith.constant 8 : i32
      %mul3A_428 = arith.muli %add3A_426, %mul3A_427 : i32
      %add3A_429 = arith.addi %mul3A_2, %mul3A_428 : i32
      %dma_wait3A_430 = arith.constant 0 : i32
      %dma_wait3A_431 = tpu.memref_slice %arg4[%add3A_429, %dma_wait3A_430] : memref<8192x512xi32, #tpu.memory_space<hbm>> -> memref<8x512xi32, #tpu.memory_space<hbm>>
      %dma_wait3A_432 = arith.constant 0 : i32
      %dma_wait3A_433 = tpu.memref_slice %arg4[%add3A_429, %dma_wait3A_432] : memref<8192x512xi32, #tpu.memory_space<hbm>> -> memref<8x512xi32, #tpu.memory_space<hbm>>
      tpu.wait_dma2 semaphore(%arg34 : memref<!tpu.dma_semaphore, #tpu.memory_space<semaphore_mem>>) src(%dma_wait3A_433 : memref<8x512xi32, #tpu.memory_space<hbm>>) dst(%arg17 : memref<8x512xi32, #tpu.memory_space<vmem>>)
      %ge3A_434 = arith.constant 8 : i32
      %ge3A_435 = arith.cmpi sge, %add3A_426, %ge3A_434 : i32
      %convert_element_type3A_436 = arith.extui %ge3A_435 : i1 to i32
      %cond3A_437 = arith.constant 0 : i32
      %cond3A_438 = arith.cmpi ne, %convert_element_type3A_436, %cond3A_437 : i32
      scf.if %cond3A_438 {
        %sub3A_457 = arith.constant 8 : i32
        %sub3A_458 = arith.subi %add3A_426, %sub3A_457 : i32
        %mul3A_459 = arith.constant 8 : i32
        %mul3A_460 = arith.muli %sub3A_458, %mul3A_459 : i32
        %add3A_461 = arith.addi %mul3A_2, %mul3A_460 : i32
        %dma_wait3A_462 = arith.constant 0 : i32
        %dma_wait3A_463 = tpu.memref_slice %arg5[%add3A_461, %dma_wait3A_462] : memref<8192x512xf32, #tpu.memory_space<hbm>> -> memref<8x512xf32, #tpu.memory_space<hbm>>
        %dma_wait3A_464 = arith.constant 0 : i32
        %dma_wait3A_465 = tpu.memref_slice %arg5[%add3A_461, %dma_wait3A_464] : memref<8192x512xf32, #tpu.memory_space<hbm>> -> memref<8x512xf32, #tpu.memory_space<hbm>>
        tpu.wait_dma2 semaphore(%arg42 : memref<!tpu.dma_semaphore, #tpu.memory_space<semaphore_mem>>) src(%arg25 : memref<8x512xf32, #tpu.memory_space<vmem>>) dst(%dma_wait3A_465 : memref<8x512xf32, #tpu.memory_space<hbm>>)
      } else {
      }
      %parallel_loop3A_439 = arith.constant 0 : i32
      %parallel_loop3A_440 = arith.constant 256 : i32
      %parallel_loop3A_441 = arith.constant 1 : i32
      scf.for %parallel_loop3A_457 = %parallel_loop3A_439 to %parallel_loop3A_440 step %parallel_loop3A_441  : i32 {
        %parallel_loop3A_458 = arith.constant 5 : i32
        %parallel_loop3A_459 = arith.shrsi %parallel_loop3A_457, %parallel_loop3A_458 : i32
        %parallel_loop3A_460 = arith.constant 31 : i32
        %parallel_loop3A_461 = arith.andi %parallel_loop3A_457, %parallel_loop3A_460 : i32
        %parallel_loop3A_462 = arith.constant 16 : i32
        %parallel_loop3A_463 = arith.muli %parallel_loop3A_461, %parallel_loop3A_462 : i32
        %parallel_loop3A_464 = arith.index_cast %parallel_loop3A_459 : i32 to index
        %parallel_loop3A_465 = arith.index_cast %parallel_loop3A_463 : i32 to index
        %parallel_loop3A_466 = tpu.vector_load %arg17[%parallel_loop3A_464, %parallel_loop3A_465] {strides = array<i32>} : memref<8x512xi32, #tpu.memory_space<vmem>>, vector<16xi32>,
        %parallel_loop3A_467 = arith.constant 4 : i32
        %parallel_loop3A_468 = vector.broadcast %parallel_loop3A_467 : i32 to vector<16xi32>
        %parallel_loop3A_469 = arith.shli %parallel_loop3A_466, %parallel_loop3A_468 : vector<16xi32>
        %parallel_loop3A_470 = arith.addi %parallel_loop3A_469, %iota3A : vector<16xi32>
        %parallel_loop3A_471 = tpu.vector_load_idx %arg9[%parallel_loop3A_470] : memref<1024xf32, #tpu.memory_space<vmem>>[vector<16xi32>], vector<16xf32>,
        %parallel_loop3A_472 = arith.index_cast %parallel_loop3A_459 : i32 to index
        %parallel_loop3A_473 = arith.index_cast %parallel_loop3A_463 : i32 to index
        %parallel_loop3A_474 = tpu.vector_load %arg25[%parallel_loop3A_472, %parallel_loop3A_473] {strides = array<i32>} : memref<8x512xf32, #tpu.memory_space<vmem>>, vector<16xf32>,
        tpu.vector_store %arg25[%parallel_loop3A_472, %parallel_loop3A_473], %parallel_loop3A_471 {strides = array<i32>} : memref<8x512xf32, #tpu.memory_space<vmem>>, vector<16xf32>,
      } {sc.loop_unroll_factor = 8 : i64, sc.parallel_access}
      %mul3A_442 = arith.constant 8 : i32
      %mul3A_443 = arith.muli %add3A_426, %mul3A_442 : i32
      %add3A_444 = arith.addi %mul3A_2, %mul3A_443 : i32
      %dma_start3A_445 = arith.constant 0 : i32
      %dma_start3A_446 = tpu.memref_slice %arg5[%add3A_444, %dma_start3A_445] : memref<8192x512xf32, #tpu.memory_space<hbm>> -> memref<8x512xf32, #tpu.memory_space<hbm>>
      %dma_start3A_447 = arith.constant 0 : i32
      %dma_start3A_448 = tpu.memref_slice %arg5[%add3A_444, %dma_start3A_447] : memref<8192x512xf32, #tpu.memory_space<hbm>> -> memref<8x512xf32, #tpu.memory_space<hbm>>
      tpu.enqueue_dma source(%arg25 : memref<8x512xf32, #tpu.memory_space<vmem>>) target(%dma_start3A_448 : memref<8x512xf32, #tpu.memory_space<hbm>>) target_semaphore(%arg42 : memref<!tpu.dma_semaphore, #tpu.memory_space<semaphore_mem>>)
      %add3A_449 = arith.constant 8 : i32
      %add3A_450 = arith.addi %add3A_426, %add3A_449 : i32
      %lt3A_451 = arith.constant 32 : i32
      %lt3A_452 = arith.cmpi slt, %add3A_450, %lt3A_451 : i32
      %convert_element_type3A_453 = arith.extui %lt3A_452 : i1 to i32
      %cond3A_454 = arith.constant 0 : i32
      %cond3A_455 = arith.cmpi ne, %convert_element_type3A_453, %cond3A_454 : i32
      scf.if %cond3A_455 {
        %add3A_457 = arith.constant 8 : i32
        %add3A_458 = arith.addi %add3A_426, %add3A_457 : i32
        %mul3A_459 = arith.constant 8 : i32
        %mul3A_460 = arith.muli %add3A_458, %mul3A_459 : i32
        %add3A_461 = arith.addi %mul3A_2, %mul3A_460 : i32
        %dma_start3A_462 = arith.constant 0 : i32
        %dma_start3A_463 = tpu.memref_slice %arg4[%add3A_461, %dma_start3A_462] : memref<8192x512xi32, #tpu.memory_space<hbm>> -> memref<8x512xi32, #tpu.memory_space<hbm>>
        %dma_start3A_464 = arith.constant 0 : i32
        %dma_start3A_465 = tpu.memref_slice %arg4[%add3A_461, %dma_start3A_464] : memref<8192x512xi32, #tpu.memory_space<hbm>> -> memref<8x512xi32, #tpu.memory_space<hbm>>
        tpu.enqueue_dma source(%dma_start3A_465 : memref<8x512xi32, #tpu.memory_space<hbm>>) target(%arg17 : memref<8x512xi32, #tpu.memory_space<vmem>>) target_semaphore(%arg34 : memref<!tpu.dma_semaphore, #tpu.memory_space<semaphore_mem>>)
      } else {
      }
      %scan3A_456 = arith.constant 0 : i32
      scf.yield %scan3A_456 : i32
    }
    %scan3A_147 = arith.constant 4 : i32
    %add3A_148 = arith.constant 192 : i32
    %add3A_149 = arith.addi %mul3A_2, %add3A_148 : i32
    %dma_wait3A = arith.constant 0 : i32
    %dma_wait3A_150 = tpu.memref_slice %arg5[%add3A_149, %dma_wait3A] : memref<8192x512xf32, #tpu.memory_space<hbm>> -> memref<8x512xf32, #tpu.memory_space<hbm>>
    %dma_wait3A_151 = arith.constant 0 : i32
    %dma_wait3A_152 = tpu.memref_slice %arg5[%add3A_149, %dma_wait3A_151] : memref<8192x512xf32, #tpu.memory_space<hbm>> -> memref<8x512xf32, #tpu.memory_space<hbm>>
    tpu.wait_dma2 semaphore(%arg35 : memref<!tpu.dma_semaphore, #tpu.memory_space<semaphore_mem>>) src(%arg18 : memref<8x512xf32, #tpu.memory_space<vmem>>) dst(%dma_wait3A_152 : memref<8x512xf32, #tpu.memory_space<hbm>>)
    %add3A_153 = arith.constant 200 : i32
    %add3A_154 = arith.addi %mul3A_2, %add3A_153 : i32
    %dma_wait3A_155 = arith.constant 0 : i32
    %dma_wait3A_156 = tpu.memref_slice %arg5[%add3A_154, %dma_wait3A_155] : memref<8192x512xf32, #tpu.memory_space<hbm>> -> memref<8x512xf32, #tpu.memory_space<hbm>>
    %dma_wait3A_157 = arith.constant 0 : i32
    %dma_wait3A_158 = tpu.memref_slice %arg5[%add3A_154, %dma_wait3A_157] : memref<8192x512xf32, #tpu.memory_space<hbm>> -> memref<8x512xf32, #tpu.memory_space<hbm>>
    tpu.wait_dma2 semaphore(%arg36 : memref<!tpu.dma_semaphore, #tpu.memory_space<semaphore_mem>>) src(%arg19 : memref<8x512xf32, #tpu.memory_space<vmem>>) dst(%dma_wait3A_158 : memref<8x512xf32, #tpu.memory_space<hbm>>)
    %add3A_159 = arith.constant 208 : i32
    %add3A_160 = arith.addi %mul3A_2, %add3A_159 : i32
    %dma_wait3A_161 = arith.constant 0 : i32
    %dma_wait3A_162 = tpu.memref_slice %arg5[%add3A_160, %dma_wait3A_161] : memref<8192x512xf32, #tpu.memory_space<hbm>> -> memref<8x512xf32, #tpu.memory_space<hbm>>
    %dma_wait3A_163 = arith.constant 0 : i32
    %dma_wait3A_164 = tpu.memref_slice %arg5[%add3A_160, %dma_wait3A_163] : memref<8192x512xf32, #tpu.memory_space<hbm>> -> memref<8x512xf32, #tpu.memory_space<hbm>>
    tpu.wait_dma2 semaphore(%arg37 : memref<!tpu.dma_semaphore, #tpu.memory_space<semaphore_mem>>) src(%arg20 : memref<8x512xf32, #tpu.memory_space<vmem>>) dst(%dma_wait3A_164 : memref<8x512xf32, #tpu.memory_space<hbm>>)
    %add3A_165 = arith.constant 216 : i32
    %add3A_166 = arith.addi %mul3A_2, %add3A_165 : i32
    %dma_wait3A_167 = arith.constant 0 : i32
    %dma_wait3A_168 = tpu.memref_slice %arg5[%add3A_166, %dma_wait3A_167] : memref<8192x512xf32, #tpu.memory_space<hbm>> -> memref<8x512xf32, #tpu.memory_space<hbm>>
    %dma_wait3A_169 = arith.constant 0 : i32
    %dma_wait3A_170 = tpu.memref_slice %arg5[%add3A_166, %dma_wait3A_169] : memref<8192x512xf32, #tpu.memory_space<hbm>> -> memref<8x512xf32, #tpu.memory_space<hbm>>
    tpu.wait_dma2 semaphore(%arg38 : memref<!tpu.dma_semaphore, #tpu.memory_space<semaphore_mem>>) src(%arg21 : memref<8x512xf32, #tpu.memory_space<vmem>>) dst(%dma_wait3A_170 : memref<8x512xf32, #tpu.memory_space<hbm>>)
    %add3A_171 = arith.constant 224 : i32
    %add3A_172 = arith.addi %mul3A_2, %add3A_171 : i32
    %dma_wait3A_173 = arith.constant 0 : i32
    %dma_wait3A_174 = tpu.memref_slice %arg5[%add3A_172, %dma_wait3A_173] : memref<8192x512xf32, #tpu.memory_space<hbm>> -> memref<8x512xf32, #tpu.memory_space<hbm>>
    %dma_wait3A_175 = arith.constant 0 : i32
    %dma_wait3A_176 = tpu.memref_slice %arg5[%add3A_172, %dma_wait3A_175] : memref<8192x512xf32, #tpu.memory_space<hbm>> -> memref<8x512xf32, #tpu.memory_space<hbm>>
    tpu.wait_dma2 semaphore(%arg39 : memref<!tpu.dma_semaphore, #tpu.memory_space<semaphore_mem>>) src(%arg22 : memref<8x512xf32, #tpu.memory_space<vmem>>) dst(%dma_wait3A_176 : memref<8x512xf32, #tpu.memory_space<hbm>>)
    %add3A_177 = arith.constant 232 : i32
    %add3A_178 = arith.addi %mul3A_2, %add3A_177 : i32
    %dma_wait3A_179 = arith.constant 0 : i32
    %dma_wait3A_180 = tpu.memref_slice %arg5[%add3A_178, %dma_wait3A_179] : memref<8192x512xf32, #tpu.memory_space<hbm>> -> memref<8x512xf32, #tpu.memory_space<hbm>>
    %dma_wait3A_181 = arith.constant 0 : i32
    %dma_wait3A_182 = tpu.memref_slice %arg5[%add3A_178, %dma_wait3A_181] : memref<8192x512xf32, #tpu.memory_space<hbm>> -> memref<8x512xf32, #tpu.memory_space<hbm>>
    tpu.wait_dma2 semaphore(%arg40 : memref<!tpu.dma_semaphore, #tpu.memory_space<semaphore_mem>>) src(%arg23 : memref<8x512xf32, #tpu.memory_space<vmem>>) dst(%dma_wait3A_182 : memref<8x512xf32, #tpu.memory_space<hbm>>)
    %add3A_183 = arith.constant 240 : i32
    %add3A_184 = arith.addi %mul3A_2, %add3A_183 : i32
    %dma_wait3A_185 = arith.constant 0 : i32
    %dma_wait3A_186 = tpu.memref_slice %arg5[%add3A_184, %dma_wait3A_185] : memref<8192x512xf32, #tpu.memory_space<hbm>> -> memref<8x512xf32, #tpu.memory_space<hbm>>
    %dma_wait3A_187 = arith.constant 0 : i32
    %dma_wait3A_188 = tpu.memref_slice %arg5[%add3A_184, %dma_wait3A_187] : memref<8192x512xf32, #tpu.memory_space<hbm>> -> memref<8x512xf32, #tpu.memory_space<hbm>>
    tpu.wait_dma2 semaphore(%arg41 : memref<!tpu.dma_semaphore, #tpu.memory_space<semaphore_mem>>) src(%arg24 : memref<8x512xf32, #tpu.memory_space<vmem>>) dst(%dma_wait3A_188 : memref<8x512xf32, #tpu.memory_space<hbm>>)
    %add3A_189 = arith.constant 248 : i32
    %add3A_190 = arith.addi %mul3A_2, %add3A_189 : i32
    %dma_wait3A_191 = arith.constant 0 : i32
    %dma_wait3A_192 = tpu.memref_slice %arg5[%add3A_190, %dma_wait3A_191] : memref<8192x512xf32, #tpu.memory_space<hbm>> -> memref<8x512xf32, #tpu.memory_space<hbm>>
    %dma_wait3A_193 = arith.constant 0 : i32
    %dma_wait3A_194 = tpu.memref_slice %arg5[%add3A_190, %dma_wait3A_193] : memref<8192x512xf32, #tpu.memory_space<hbm>> -> memref<8x512xf32, #tpu.memory_space<hbm>>
    tpu.wait_dma2 semaphore(%arg42 : memref<!tpu.dma_semaphore, #tpu.memory_space<semaphore_mem>>) src(%arg25 : memref<8x512xf32, #tpu.memory_space<vmem>>) dst(%dma_wait3A_194 : memref<8x512xf32, #tpu.memory_space<hbm>>)
    return
  }
}

</mosaic_0001>

<sc_bundles>
// kernel: _dep_type_sc.3.cloned.1.call-start
scs
__scs_entry_jumppad:
0x0: {  	(pc) =	sbr.rel $0x88, $3  }
0x1: {  	(tag) =	ssettag $0x0;
	lr =	simm.s32 $0x1  }
0x2: {  	[smem:$0x3F9E] =	sst lr;
	_ =	strace $0xD0000000  }
0x3: {  	_ = 	snop  }
0x4: {  	_ = 	snop  }
0x5: {  	_ = 	snop  }
0x6: {  	_ = 	snop  }
0x7: {  	_ = 	snop  }
__scs_overlays_trampoline_lowered:
0x8: {  	[smem:$0x3FAD] =	sst s0  }
0x9: {  	[smem:$0x3FAE] =	sst s1  }
0xa: {  	[smem:$0x3FAF] =	sst s2  }
0xb: {  	[smem:$0x3FB0] =	sst s3  }
0xc: {  	[smem:$0x3FB1] =	sst s4  }
0xd: {  	[smem:$0x3FB2] =	sst s5  }
0xe: {  	[smem:$0x3FB3] =	sst s6  }
0xf: {  	[smem:$0x3FB4] =	sst s7  }
0x10: {  	[smem:$0x3FB5] =	sst s8  }
0x11: {  	[smem:$0x3FB6] =	sst s9;
	s0 =	simm.s32 @!p0 $0x0  }
0x12: {  	s1 =	sld [smem:$0x3F9C];
	s0 =	simm.s32 @p0 $0x1  }
0x13: {  	[smem:$0x3FB7] =	sst s0;
	s0 =	simm.s32 @!p1 $0x0  }
0x14: {  	s2 =	sld [smem:$0x3F9B];
	s0 =	simm.s32 @p1 $0x1  }
0x15: {  	[smem:$0x3FB8] =	sst s0;
	s0 =	simm.s32 @!p2 $0x0  }
0x16: {  	s3 =	sld [smem:$0x3FDB];
	s0 =	simm.s32 @p2 $0x1  }
0x17: {  	s4 =	simm.s32 $0x1BF5;
	[smem:$0x3FBA] =	sst s0  }
0x18: {  	s0 =	sld [smem:$0x3F9D];
	_ =	swait.ge [sflag:s4], $0x0  }
0x19: {  	s7 =	sld [smem:$0x3F9E]  }
0x1a: {  	s8 =	sadd.s32 $0xFFFFE003, lr  }
0x1b: {  	s9 =	sadd.s32 $0xFFFFFEF7, lr;
	s5 =	simm.s32 $0xFFFFFFFF;
	p2 =	slt.u32 s8, $0xFFFFF086  }
0x1c: {  	p1 =	slt.u32 s9, $0xF7A;
	s5 =	simm.s32 @!p2 $0x0  }
0x1d: {  	s5 =	simm.s32 @p1 $0x1;
	p0 =	seq.s32 s7, s2  }
0x1e: {  	s7 =	smul.u32 @!p0 $0xF7A, s2;
	p2 =	seq.s32 @!p0 s5, $0x0  }
0x1f: {  	s9 =	smul.u32 $0xF7A, s1;
	s8 =	simm.s32 @!p0 $0x1BF5;
	p2 =	por !p2, p0  }
0x20: {  	[sflag:s8] =	ssyncset.s32 @!p0 $0xFFFFF086;
	s6 =	sadd.s32 @!p0 s3, s7;
	s7 =	simm.s32 @!p0 $0x108  }
0x21: {  	s3 =	sadd.s32 s3, s9;
	s6 =	sadd.s32 @!p0 $0x88, s6;
	s7 =	simm.s32 @p2 $0x1082  }
0x22: {  	[simem:s7], [sflag:s8] =	dma.local @!p0 [hbm:s6], $0xF7A  }
0x23: {  	s9 =	sor.u32 $0xD0000000, s2;
	s6 =	simm.s32 $0x108;
	_ =	swait.ge @!p0 [sflag:s8], $0x0  }
0x24: {  	s3 =	sadd.s32 $0x88, s3;
	s6 =	simm.s32 @!p1 $0x1082;
	[sflag:s4] =	ssyncset.s32 $0xFFFFF086  }
0x25: {  	[simem:s6], [sflag:s4] =	dma.local [hbm:s3], $0xF7A  }
0x26: {  	[smem:$0x3F9E] =	sst s1;
	(tag) =	ssettag s2;
	_ =	strace s9  }
0x27: {  	s1 =	sld [smem:$0x3FAE]  }
0x28: {  	s2 =	sld [smem:$0x3FAF]  }
0x29: {  	s4 =	sld [smem:$0x3FB1]  }
0x2a: {  	p0 =	seq.s32 s5, $0x0;
	s5 =	sld [smem:$0x3FB2]  }
0x2b: {  	s6 =	sld [smem:$0x3FB3]  }
0x2c: {  	s7 =	sld [smem:$0x3FB4]  }
0x2d: {  	s3 =	simm.s32 $0x108;
	s8 =	sld [smem:$0x3FB5]  }
0x2e: {  	s3 =	simm.s32 @!p0 $0x1082;
	s9 =	sld [smem:$0x3FB6]  }
0x2f: {  	lr =	sadd.s32 s0, s3;
	s0 =	sld [smem:$0x3FAD]  }
0x30: {  	s3 =	sld [smem:$0x3FB0]  }
0x31: {  	[smem:$0x3FB9] =	sst s10  }
0x32: {  	s10 =	sld [smem:$0x3FB7];
	_ =	sdelay $0x3  }
0x33: {  	p0 =	seq.s32 s10, $0x1;
	s10 =	sld [smem:$0x3FB9];
	_ =	sdelay $0x3  }
0x34: {  	[smem:$0x3FB9] =	sst s10  }
0x35: {  	s10 =	sld [smem:$0x3FB8];
	_ =	sdelay $0x3  }
0x36: {  	p1 =	seq.s32 s10, $0x1;
	s10 =	sld [smem:$0x3FB9];
	_ =	sdelay $0x3  }
0x37: {  	[smem:$0x3FB9] =	sst s10  }
0x38: {  	s10 =	sld [smem:$0x3FBA]  }
0x39: {  	_ = 	snop;
	(pc) =	sbr.ind lr, $3  }
0x3a: {  	_ = 	snop  }
0x3b: {  	_ = 	snop  }
0x3c: {  	p2 =	seq.s32 s10, $0x1;
	s10 =	sld [smem:$0x3FB9]  }
0x3d: {  	_ =	shalt  }
0x3e: {  	_ =	shalt  }
0x3f: {  	_ =	shalt  }
0x40: {  	_ =	shalt  }
0x41: {  	_ =	shalt  }
0x42: {  	_ =	shalt  }
0x43: {  	_ =	shalt  }
0x44: {  	_ =	shalt  }
0x45: {  	_ =	shalt  }
0x46: {  	_ =	shalt  }
0x47: {  	_ =	shalt  }
0x48: {  	_ =	shalt  }
0x49: {  	_ =	shalt  }
0x4a: {  	_ =	shalt  }
0x4b: {  	_ =	shalt  }
0x4c: {  	_ =	shalt  }
0x4d: {  	_ =	shalt  }
0x4e: {  	_ =	shalt  }
0x4f: {  	_ =	shalt  }
0x50: {  	_ =	shalt  }
0x51: {  	_ =	shalt  }
0x52: {  	_ =	shalt  }
0x53: {  	_ =	shalt  }
0x54: {  	_ =	shalt  }
0x55: {  	_ =	shalt  }
0x56: {  	_ =	shalt  }
0x57: {  	_ =	shalt  }
0x58: {  	_ =	shalt  }
0x59: {  	_ =	shalt  }
0x5a: {  	_ =	shalt  }
0x5b: {  	_ =	shalt  }
0x5c: {  	_ =	shalt  }
0x5d: {  	_ =	shalt  }
0x5e: {  	_ =	shalt  }
0x5f: {  	_ =	shalt  }
0x60: {  	_ =	shalt  }
0x61: {  	_ =	shalt  }
0x62: {  	_ =	shalt  }
0x63: {  	_ =	shalt  }
0x64: {  	_ =	shalt  }
0x65: {  	_ =	shalt  }
0x66: {  	_ =	shalt  }
0x67: {  	_ =	shalt  }
0x68: {  	_ =	shalt  }
0x69: {  	_ =	shalt  }
0x6a: {  	_ =	shalt  }
0x6b: {  	_ =	shalt  }
0x6c: {  	_ =	shalt  }
0x6d: {  	_ =	shalt  }
0x6e: {  	_ =	shalt  }
0x6f: {  	_ =	shalt  }
0x70: {  	_ =	shalt  }
0x71: {  	_ =	shalt  }
0x72: {  	_ =	shalt  }
0x73: {  	_ =	shalt  }
0x74: {  	_ =	shalt  }
0x75: {  	_ =	shalt  }
0x76: {  	_ =	shalt  }
0x77: {  	_ =	shalt  }
0x78: {  	_ =	shalt  }
0x79: {  	_ =	shalt  }
0x7a: {  	_ =	shalt  }
0x7b: {  	_ =	shalt  }
0x7c: {  	_ =	shalt  }
0x7d: {  	_ =	shalt  }
0x7e: {  	_ =	shalt  }
0x7f: {  	_ =	shalt  }
0x80: {  	_ =	shalt  }
0x81: {  	_ =	shalt  }
0x82: {  	_ =	shalt  }
0x83: {  	_ =	shalt  }
0x84: {  	_ =	shalt  }
0x85: {  	_ =	shalt  }
0x86: {  	_ =	shalt  }
0x87: {  	_ =	shalt  }
.Lfunc_end0:
.L_simem_size_0:
called_computation_lowered:
.L_overlay_start_0:
0x88: {  	s2 =	sld [smem:$0x3FD9]  }
0x89: {  	s3 =	sld [smem:$0x3FFE];
	_ =	sdelay $0x1  }
0x8a: {  	s1 =	srdreg.scid  }
0x8b: {  	s0 =	sand.u32 $0x1, s1  }
0x8c: {  	s18 =	sshll.u32 s0, $0xA;
	s2 =	sadd.s32 s3, s2  }
0x8d: {  	s2 =	sadd.s32 s2, s18  }
0x8e: {  	[smem:$0x3FC5] =	sst s2  }
0x8f: {  	_ = 	snop  }
0x90: {  	s2 =	sld [smem:$0x3FC9]  }
0x91: {  	s19 =	sld [smem:$0x3FC8]  }
0x92: {  	s4 =	sld [smem:$0x3FC7]  }
0x93: {  	s5 =	sld [smem:$0x3FD0];
	(tm) =	ssettm $0x1  }
0x94: {  	s6 =	sld [smem:$0x3FFB];
	_ =	sdelay $0x3  }
0x95: {  	_ =	strace s6  }
0x96: {  	s6 =	sld [smem:$0x3FFC];
	_ =	sdelay $0x3  }
0x97: {  	_ =	strace s6  }
0x98: {  	s6 =	sld [smem:$0x3FFD];
	_ =	sdelay $0x3  }
0x99: {  	_ =	strace s6  }
0x9a: {  	_ =	strace $0x8FFFFFFF  }
0x9b: {  	s20 =	sld [smem:$0x3FDB];
	_ =	sdelay $0x1  }
0x9c: {  	s7 =	simm.s32 $_scs_section_size  }
0x9d: {  	s8 =	simm.s32 $_size__tile_overlayer_lowered;
	s9 =	simm.s32 $_tile_overlayer_lowered  }
0x9e: {  	s23 =	simm.s32 $0x1BFF;
	s22 =	sshll.u32 s9, $0x1;
	s6 =	sadd.s32 s7, s20  }
0x9f: {  	s10 =	simm.s32 $0x0;
	s21 =	sshll.u32 s8, $0x1;
	s8 =	sadd.s32 s22, s6  }
0xa0: {  	[timem:s10], [sflag:s23] =	dma.local [hbm:s8], s21  }
0xa1: {  	_ =	swait.ge [sflag:s23], s21  }
0xa2: {  	s7 =	ssub.s32 $0x0, s21;
	[sflag:s23] =	ssyncset.done $0x0  }
0xa3: {  	[sflag:s23] =	ssyncadd.s32 s7;
	_ =	sdelay $0x1  }
0xa4: {  	s24 =	simm.s32 $0x1B8B  }
0xa5: {  	_ =	swait.ge [sflag:s24], $0x1  }
0xa6: {  	[sflag:s24] =	ssyncset.done $0x0  }
0xa7: {  	s25 =	simm.s32 $0x1B8E;
	[sflag:s24] =	ssyncadd.s32 $0xFFFFFFFF  }
0xa8: {  	s26 =	simm.s32 $execute0_lowered;
	[smem:$0x3FD2] =	sst s25  }
0xa9: {  	s7 =	sshll.u32 s26, $0x1;
	_ =	strace $0x80000046;
	[dreg:$0x1] =	wrdreg $0xFFFFFFFF  }
0xaa: {  	s28 =	simm.s32 $_size_execute0_lowered;
	s6 =	sadd.s32 s6, s7;
	[dreg:$0x0] =	wrdreg $0x0  }
0xab: {  	s7 =	sshll.u32 s28, $0x1;
	[dreg:$0x2] =	wrdreg s6  }
0xac: {  	[dreg:$0x3] =	wrdreg s7  }
0xad: {  	[dreg:$0x4] =	wrdreg $0xC0  }
0xae: {  	_ =	task [dreg:s10], $0x5FFFF  }
0xaf: {  	[dreg:$0x1] =	wrdreg $0xFFFFFFFF  }
0xb0: {  	[dreg:$0x0] =	wrdreg $0x60  }
0xb1: {  	[dreg:$0x2] =	wrdreg s2  }
0xb2: {  	[dreg:$0x3] =	wrdreg s19  }
0xb3: {  	[dreg:$0x4] =	wrdreg s4  }
0xb4: {  	[dreg:$0x5] =	wrdreg s5  }
0xb5: {  	[dreg:$0x6] =	wrdreg $0x9  }
0xb6: {  	_ =	task.clear_ibuf [dreg:s10], $0x7FFFF;
	_ =	strace $0x90000046  }
0xb7: {  	s29 =	simm.s32 $0x9;
	_ =	strace $0x80000048  }
0xb8: {  	_ =	swait.ge [sflag:s29], $0x1  }
0xb9: {  	[sflag:s29] =	ssyncadd.s32 $0xFFFFFFFF  }
0xba: {  	_ =	strace $0x90000048  }
0xbb: {  	_ =	sfence  }
0xbc: {  	s30 =	sld [smem:$0x0];
	_ =	sdelay $0x2  }
0xbd: {  	s31 =	sshll.u32 s1, $0xD;
	s1 =	sshrl.u32 s1, $0x2  }
0xbe: {  	s3 =	sand.u32 $0x4000, s31;
	s1 =	sadd.s32 s1, s30  }
0xbf: {  	s0 =	sor.u32 s3, s0;
	s1 =	sshll.u32 s1, $0x11  }
0xc0: {  	s0 =	sor.u32 s1, s0  }
0xc1: {  	s0 =	sadd.s32 $0x8F2B, s0  }
0xc2: {  	[sflag:s0] =	ssyncadd.remote.s32 $0x1  }
0xc3: {  	_ =	sfence.sel $0xFFFF  }
0xc4: {  	[dreg:$0x0] =	wrdreg $0xFFFFFFFF;
	(pc) =	sbr.abs _section_cstart, $3  }
0xc5: {  	[dreg:$0x1] =	wrdreg $0xFFFFFFFF  }
0xc6: {  	_ =	task.clear_ibuf [dreg:s10], $0x2FFFF;
	_ =	strace $0x9FFFFFFF  }
0xc7: {  	(tm) =	ssettm $0x7FFFFFFF  }
tec
execute0_lowered:
.L_overlay_start_1:
0x0: {  	(tag) =	ssettag $0x1  }
0x1: {  	s0 =	srdreg.scid  }
0x2: {  	s1 =	stileid.u32;
	s0 =	sand.u32 $0x1, s0  }
0x3: {  	s4 =	rddreg [dreg:$0x2];
	s1 =	sshll.u32 s1, $0x9;
	s2 =	sshll.u32 s0, $0x8  }
0x4: {  	s5 =	rddreg [dreg:$0x3];
	s6 =	simm.s32 $0x0;
	s3 =	sor.u32 s2, s1  }
0x5: {  	[smem:$0x7FF] =	sst s6;
	s0 =	ssub.s32 $0x2, s0;
	s1 =	sshll.u32 s3, $0x6  }
0x6: {  	_ =	strace $0x80000047;
	s12 =	sshrl.u32 s0, $0x1;
	s7 =	sadd.s32 s4, s1  }
0x7: {  	s0 =	ssub.s32 s0, s12;
	s1 =	sadd.s32 s5, s1;
	[dreg:$0x5] =	wrdreg s7  }
0x8: {  	s0 =	smax.u32 s0, $0x1;
	[dreg:$0xd] =	wrdreg s1  }
0x9: {  	s13 =	sadd.s32 $0x200, s7;
	[dreg:$0x14] =	wrdreg s0  }
0xa: {  	s31 =	simm.s32 $0x4100;
	s14 =	sadd.s32 $0x400, s7;
	[dreg:$0x6] =	wrdreg s13  }
0xb: {  	v0 =	vimm.s32 $0xFEDCBA98;
	v1 =	vimm.s32 $0x76543210;
	s29 =	simm.s32 $0x2;
	s15 =	sadd.s32 $0x600, s7;
	[dreg:$0x7] =	wrdreg s14  }
0xc: {  	v2 =	vimm.s32 $0xBA98FEDC;
	v3 =	vimm.s32 $0x32107654;
	s10 =	simm.s32 $0x3;
	s16 =	sadd.s32 $0x800, s7;
	[dreg:$0x8] =	wrdreg s15  }
0xd: {  	v4 =	vimm.s32 $0xDCFE98BA;
	v5 =	vimm.s32 $0x54761032;
	s28 =	simm.s32 $0x7;
	s17 =	sadd.s32 $0xA00, s7;
	[dreg:$0x9] =	wrdreg s16  }
0xe: {  	v6 =	vimm.s32 $0xEFCDAB89;
	v7 =	vimm.s32 $0x67452301;
	s8 =	simm.s32 $0x0;
	s18 =	sadd.s32 $0xC00, s7;
	[dreg:$0xa] =	wrdreg s17  }
0xf: {  	v0 =	vunpack.c.l.s4.s8 v0;
	v1 =	vunpack.c.l.s4.s8 v1;
	v2 =	vunpack.c.l.s4.s8 v2;
	s19 =	sadd.s32 $0xE00, s7;
	[dreg:$0xb] =	wrdreg s18;
	s16 =	sshrl.u32 s3, $0x3  }
0x10: {  	v3 =	vunpack.c.l.s4.s8 v3;
	v4 =	vunpack.c.l.s4.s8 v4;
	v5 =	vunpack.c.l.s4.s8 v5;
	s2 =	simm.s32 $0x8;
	[dreg:$0xc] =	wrdreg s19;
	s20 =	sor.u32 $0x8, s16  }
0x11: {  	v6 =	vunpack.c.l.s4.s8 v6;
	v7 =	vunpack.c.l.s4.s8 v7;
	v0 =	vunpack.c.0.s8.s32 v0;
	s23 =	smov.u32 s3;
	s21 =	sor.u32 $0x9, s16;
	[dreg:$0xe] =	wrdreg s20  }
0x12: {  	v2 =	vunpack.c.0.s8.s32 v2;
	v3 =	vunpack.c.0.s8.s32 v3;
	v4 =	vunpack.c.0.s8.s32 v4;
	s12 =	simm.s32 $0x4;
	s22 =	sor.u32 $0xA, s16;
	[dreg:$0xf] =	wrdreg s21  }
.Ltmp0:
0x13: {  	v5 =	vunpack.c.0.s8.s32 v5;
	v6 =	vunpack.c.0.s8.s32 v6;
	v7 =	vunpack.c.0.s8.s32 v7;
	s24 =	sor.u32 $0xB, s16;
	[dreg:$0x10] =	wrdreg s22;
	(pc) =	sbr.rel .LBB2_1-.Ltmp0, $4  }
0x14: {  	v1 =	vunpack.c.0.s8.s32 v1;
	v2 =	vcombine.low v3, v2;
	s0 =	simm.s32 $0x4180;
	s25 =	sor.u32 $0xC, s16;
	[dreg:$0x11] =	wrdreg s24  }
0x15: {  	v3 =	vcombine.low v5, v4;
	v4 =	vcombine.low v7, v6;
	v0 =	vand.u32 $0xF, v0;
	s3 =	simm.s32 $0x1;
	s26 =	sor.u32 $0xD, s16;
	[dreg:$0x12] =	wrdreg s25  }
0x16: {  	v0 =	vcombine.low v0, v1;
	s14 =	simm.s32 $0x5;
	v1 =	vand.u32 $0xF, v2;
	s30 =	sor.u32 $0xF, s16;
	[dreg:$0x13] =	wrdreg s26  }
0x17: {  	v2 =	vand.u32 $0xF, v3;
	v3 =	vand.u32 $0xF, v4;
	v4 =	vlaneseq.u32;
	s24 =	sor.u32 $0xE, s16;
	[dreg:$0x15] =	wrdreg s30;
	s25 =	simm.s32 $0x6  }
.LBB2_24:
0x18: {  	s1 =	simm.s32 $0x9  }
0x19: {  	_ =	swait.ge [sflag:s1], $0x1000  }
0x1a: {  	[sflag:s1] =	ssyncset.done $0x0  }
0x1b: {  	s18 =	simm.s32 $0xA;
	[sflag:s1] =	ssyncadd.s32 $0xFFFFF000  }
0x1c: {  	_ =	swait.ge [sflag:s18], $0x1000  }
0x1d: {  	[sflag:s18] =	ssyncset.done $0x0  }
0x1e: {  	s19 =	simm.s32 $0xB;
	[sflag:s18] =	ssyncadd.s32 $0xFFFFF000  }
0x1f: {  	_ =	swait.ge [sflag:s19], $0x1000  }
0x20: {  	[sflag:s19] =	ssyncset.done $0x0  }
0x21: {  	s20 =	simm.s32 $0xC;
	[sflag:s19] =	ssyncadd.s32 $0xFFFFF000  }
0x22: {  	_ =	swait.ge [sflag:s20], $0x1000  }
0x23: {  	[sflag:s20] =	ssyncset.done $0x0  }
0x24: {  	s21 =	simm.s32 $0xD;
	[sflag:s20] =	ssyncadd.s32 $0xFFFFF000  }
0x25: {  	_ =	swait.ge [sflag:s21], $0x1000  }
0x26: {  	[sflag:s21] =	ssyncset.done $0x0  }
0x27: {  	s22 =	simm.s32 $0xE;
	[sflag:s21] =	ssyncadd.s32 $0xFFFFF000  }
0x28: {  	_ =	swait.ge [sflag:s22], $0x1000  }
0x29: {  	[sflag:s22] =	ssyncset.done $0x0  }
0x2a: {  	s26 =	simm.s32 $0xF;
	[sflag:s22] =	ssyncadd.s32 $0xFFFFF000  }
0x2b: {  	_ =	swait.ge [sflag:s26], $0x1000  }
0x2c: {  	[sflag:s26] =	ssyncset.done $0x0  }
0x2d: {  	s7 =	simm.s32 $0x10;
	[sflag:s26] =	ssyncadd.s32 $0xFFFFF000  }
0x2e: {  	_ =	swait.ge [sflag:s7], $0x1000  }
0x2f: {  	s8 =	rddreg [dreg:$0x16]  }
0x30: {  	s30 =	rddreg [dreg:$0x14];
	s8 =	sadd.s32 $0x1, s8  }
0x31: {  	p0 =	sne.s32 s8, s30  }
.Ltmp1:
0x32: {  	_ = 	snop;
	(pc) =	sbr.rel @!p0 .LBB2_25-.Ltmp1, $3  }
0x33: {  	_ =	sdelay $0x1  }
0x34: {  	[sflag:s7] =	ssyncset.done $0x0  }
0x35: {  	[sflag:s7] =	ssyncadd.s32 $0xFFFFF000  }
.LBB2_1:
0x36: {  	[dreg:$0x16] =	wrdreg s8  }
0x37: {  	s1 =	rddreg [dreg:$0x5];
	s7 =	simm.s32 $0x4580  }
0x38: {  	[tilespmem:s7], [sflag:$0x1] =	stream.linear.gather [hbm4b:s1+s6], $0x1000, $0x38;
	[tilespmem:$0x14600] =	vst v63  }
0x39: {  	s19 =	rddreg [dreg:$0x6];
	s20 =	simm.s32 $0x5580  }
0x3a: {  	[tilespmem:s20], [sflag:$0x2] =	stream.linear.gather [hbm4b:s19+s6], $0x1000, $0x38;
	[tilespmem:$0x14600] =	vst v63  }
0x3b: {  	s21 =	rddreg [dreg:$0x7];
	s22 =	simm.s32 $0x6580  }
0x3c: {  	[tilespmem:s22], [sflag:$0x3] =	stream.linear.gather [hbm4b:s21+s6], $0x1000, $0x38;
	[tilespmem:$0x14600] =	vst v63  }
0x3d: {  	s26 =	rddreg [dreg:$0x8];
	s30 =	simm.s32 $0x7580  }
0x3e: {  	[tilespmem:s30], [sflag:$0x4] =	stream.linear.gather [hbm4b:s26+s6], $0x1000, $0x38;
	[tilespmem:$0x14600] =	vst v63  }
0x3f: {  	s8 =	rddreg [dreg:$0x9];
	s9 =	simm.s32 $0x8580  }
0x40: {  	[tilespmem:s9], [sflag:$0x5] =	stream.linear.gather [hbm4b:s8+s6], $0x1000, $0x38;
	[tilespmem:$0x14600] =	vst v63  }
0x41: {  	s11 =	rddreg [dreg:$0xa];
	s13 =	simm.s32 $0x9580  }
0x42: {  	[tilespmem:s13], [sflag:$0x6] =	stream.linear.gather [hbm4b:s11+s6], $0x1000, $0x38;
	[tilespmem:$0x14600] =	vst v63  }
0x43: {  	s15 =	rddreg [dreg:$0xb];
	s17 =	simm.s32 $0xA580  }
0x44: {  	[tilespmem:s17], [sflag:$0x7] =	stream.linear.gather [hbm4b:s15+s6], $0x1000, $0x38;
	[tilespmem:$0x14600] =	vst v63  }
0x45: {  	s18 =	rddreg [dreg:$0xc];
	s19 =	simm.s32 $0xB580  }
0x46: {  	[tilespmem:s19], [sflag:$0x8] =	stream.linear.gather [hbm4b:s18+s6], $0x1000, $0x38;
	[tilespmem:$0x14600] =	vst v63  }
0x47: {  	s20 =	rddreg [dreg:$0x0];
	s21 =	simm.s32 $0x11  }
0x48: {  	[tilespmem:s6], [sflag:$0x11] =	stream.linear.gather [hbm4b:s20+s6], $0x4000, $0x38;
	[tilespmem:$0x14600] =	vst v63  }
0x49: {  	_ =	swait.ge [sflag:s21], $0x4000  }
0x4a: {  	[sflag:s21] =	ssyncset.done $0x0  }
0x4b: {  	[sflag:s21] =	ssyncadd.s32 $0xFFFFC000  }
0x4c: {  	s26 =	simm.s32 $0x4000;
	s22 =	rddreg [dreg:$0x1]  }
0x4d: {  	[tilespmem:s26], [sflag:$0x11] =	stream.linear.gather [hbm4b:s22+s6], $0x100, $0x38;
	[tilespmem:$0x14600] =	vst v63  }
0x4e: {  	_ =	swait.ge [sflag:s21], $0x100  }
0x4f: {  	[sflag:s21] =	ssyncset.done $0x0  }
0x50: {  	s9 =	simm.s32 $0x200;
	[sflag:s21] =	ssyncadd.s32 $0xFFFFFF00  }
0x51: {  	v8 =	vld [tilespmem:s9+$0x1C0]  }
0x52: {  	v9 =	vld [tilespmem:s9+$0x1D0]  }
0x53: {  	v11 =	vld [tilespmem:s9+$0x180]  }
0x54: {  	v12 =	vld [tilespmem:s9+$0x190]  }
0x55: {  	v14 =	vld [tilespmem:s9+$0x140]  }
0x56: {  	v15 =	vld [tilespmem:s9+$0x150]  }
0x57: {  	v17 =	vld [tilespmem:s9+$0x100]  }
0x58: {  	v18 =	vld [tilespmem:s9+$0x110]  }
0x59: {  	s30 =	simm.s32 $0x0;
	v21 =	vld [tilespmem:s9+$0xC0]  }
0x5a: {  	v22 =	vld [tilespmem:s30+$0x4000]  }
0x5b: {  	v24 =	vld [tilespmem:s9+$0xD0]  }
0x5c: {  	v25 =	vld [tilespmem:s9+$0x80]  }
0x5d: {  	v27 =	vld [tilespmem:s9+$0x90]  }
0x5e: {  	v28 =	vld [tilespmem:s9+$0x40]  }
0x5f: {  	v30 =	vld [tilespmem:s9+$0x50]  }
0x60: {  	v31 =	vld [tilespmem:s9+$0x0];
	v6 =	vbroadcast v22, $0xE;
	v5 =	vbroadcast v22, $0xF  }
0x61: {  	v33 =	vld [tilespmem:s9+$0x10];
	v10 =	vbroadcast v22, $0xC;
	v7 =	vbroadcast v22, $0xD  }
0x62: {  	v34 =	vld [tilespmem:s9+$0xFFFFFFC0];
	v16 =	vbroadcast v22, $0xA;
	v13 =	vbroadcast v22, $0xB  }
0x63: {  	v38 =	vld [tilespmem:s9+$0xFFFFFFD0];
	v20 =	vbroadcast v22, $0x8;
	v19 =	vbroadcast v22, $0x9  }
0x64: {  	v43 =	vld [tilespmem:s9+$0xFFFFFF80];
	v26 =	vbroadcast v22, $0x6;
	v23 =	vbroadcast v22, $0x7  }
0x65: {  	v44 =	vld [tilespmem:s9+$0xFFFFFF90];
	v32 =	vbroadcast v22, $0x4;
	v29 =	vbroadcast v22, $0x5  }
0x66: {  	v45 =	vld [tilespmem:s9+$0xFFFFFF40];
	v36 =	vbroadcast v22, $0x2;
	v35 =	vbroadcast v22, $0x3  }
0x67: {  	v46 =	vld [tilespmem:s9+$0xFFFFFF50];
	v42 =	vbroadcast v22, $0x0;
	v41 =	vbroadcast v22, $0x1  }
0x68: {  	v47 =	vld [tilespmem:s9+$0xFFFFFF00];
	v8 =	vmul.f32 v8, v5;
	v9 =	vmul.f32 v9, v5  }
0x69: {  	v48 =	vld [tilespmem:s9+$0xFFFFFF10];
	v11 =	vmul.f32 v11, v6;
	v12 =	vmul.f32 v12, v6  }
0x6a: {  	v49 =	vld [tilespmem:s9+$0xFFFFFEC0];
	v14 =	vmul.f32 v14, v7;
	v15 =	vmul.f32 v15, v7  }
0x6b: {  	v50 =	vld [tilespmem:s9+$0xFFFFFED0];
	v17 =	vmul.f32 v17, v10;
	v18 =	vmul.f32 v18, v10  }
0x6c: {  	v51 =	vld [tilespmem:s9+$0xFFFFFE80];
	v21 =	vmul.f32 v21, v13;
	v22 =	vmul.f32 v24, v13  }
0x6d: {  	v37 =	vimm.f32 $0.0e+00;
	v52 =	vld [tilespmem:s9+$0xFFFFFE90];
	v24 =	vmul.f32 v25, v16;
	v25 =	vmul.f32 v27, v16  }
0x6e: {  	v40 =	vimm.f32 $0.0e+00;
	v53 =	vld [tilespmem:s9+$0xFFFFFE40];
	v27 =	vmul.f32 v28, v19;
	v28 =	vmul.f32 v30, v19  }
0x6f: {  	v39 =	vimm.f32 $0.0e+00;
	v54 =	vld [tilespmem:s9+$0xFFFFFE50];
	v30 =	vmul.f32 v31, v20;
	v31 =	vmul.f32 v33, v20  }
0x70: {  	s11 =	simm.s32 $0x40;
	v55 =	vld [tilespmem:s9+$0xFFFFFE00];
	v33 =	vmul.f32 v34, v23;
	v34 =	vmul.f32 v38, v23;
	v38 =	vimm.f32 $0.0e+00  }
.LBB2_2:
0x71: {  	p0 =	sne.s32 s11, $0x3C0;
	v56 =	vld [tilespmem:s9+$0xFFFFFE10];
	v43 =	vmul.f32 v43, v26;
	v44 =	vmul.f32 v44, v26  }
0x72: {  	v45 =	vmul.f32 v45, v29;
	v46 =	vmul.f32 v46, v29;
	v57 =	vld [tilespmem:s9+$0xFFFFFE20]  }
0x73: {  	v47 =	vmul.f32 v47, v32;
	v48 =	vmul.f32 v48, v32;
	v58 =	vld [tilespmem:s9+$0xFFFFFE30]  }
0x74: {  	v49 =	vmul.f32 v49, v35;
	v50 =	vmul.f32 v50, v35;
	v59 =	vld [tilespmem:s9+$0xFFFFFE60]  }
0x75: {  	v51 =	vmul.f32 v51, v36;
	v52 =	vmul.f32 v52, v36;
	v60 =	vld [tilespmem:s9+$0xFFFFFE70]  }
0x76: {  	v53 =	vmul.f32 v53, v41;
	v54 =	vmul.f32 v54, v41;
	v61 =	vld [tilespmem:s9+$0xFFFFFEA0]  }
0x77: {  	v55 =	vmul.f32 v42, v55;
	v56 =	vmul.f32 v56, v42;
	v62 =	vld [tilespmem:s9+$0xFFFFFEB0]  }
0x78: {  	v57 =	vmul.f32 v57, v42;
	v42 =	vmul.f32 v58, v42;
	v58 =	vld [tilespmem:s9+$0xFFFFFEE0]  }
0x79: {  	v37 =	vadd.f32 v55, v37;
	v40 =	vadd.f32 v56, v40;
	v55 =	vmul.f32 v59, v41;
	v56 =	vld [tilespmem:s9+$0xFFFFFEF0]  }
0x7a: {  	v38 =	vadd.f32 v57, v38;
	v39 =	vadd.f32 v42, v39;
	v41 =	vmul.f32 v60, v41;
	v42 =	vld [tilespmem:s9+$0xFFFFFF20]  }
0x7b: {  	v37 =	vadd.f32 v53, v37;
	v40 =	vadd.f32 v54, v40;
	v53 =	vmul.f32 v61, v36;
	v54 =	vld [tilespmem:s9+$0xFFFFFF30]  }
0x7c: {  	v38 =	vadd.f32 v55, v38;
	v39 =	vadd.f32 v41, v39;
	v36 =	vmul.f32 v62, v36;
	v41 =	vld [tilespmem:s9+$0xFFFFFF60]  }
0x7d: {  	v37 =	vadd.f32 v51, v37;
	v40 =	vadd.f32 v52, v40;
	v51 =	vmul.f32 v58, v35;
	v52 =	vld [tilespmem:s9+$0xFFFFFF70]  }
0x7e: {  	v38 =	vadd.f32 v53, v38;
	v36 =	vadd.f32 v36, v39;
	v35 =	vmul.f32 v56, v35;
	v39 =	vld [tilespmem:s9+$0xFFFFFFA0]  }
0x7f: {  	v37 =	vadd.f32 v49, v37;
	v40 =	vadd.f32 v50, v40;
	v42 =	vmul.f32 v42, v32;
	v49 =	vld [tilespmem:s9+$0xFFFFFFB0]  }
0x80: {  	v38 =	vadd.f32 v51, v38;
	v35 =	vadd.f32 v35, v36;
	v32 =	vmul.f32 v54, v32;
	v36 =	vld [tilespmem:s9+$0xFFFFFFE0]  }
0x81: {  	v37 =	vadd.f32 v47, v37;
	v40 =	vadd.f32 v48, v40;
	v41 =	vmul.f32 v41, v29;
	v47 =	vld [tilespmem:s9+$0xFFFFFFF0]  }
0x82: {  	v38 =	vadd.f32 v42, v38;
	v32 =	vadd.f32 v32, v35;
	v29 =	vmul.f32 v52, v29;
	v35 =	vld [tilespmem:s9+$0x20]  }
0x83: {  	v37 =	vadd.f32 v45, v37;
	v40 =	vadd.f32 v46, v40;
	v39 =	vmul.f32 v39, v26;
	v42 =	vld [tilespmem:s9+$0x30]  }
0x84: {  	v38 =	vadd.f32 v41, v38;
	v29 =	vadd.f32 v29, v32;
	v26 =	vmul.f32 v49, v26;
	v32 =	vld [tilespmem:s9+$0x60]  }
0x85: {  	v37 =	vadd.f32 v43, v37;
	v40 =	vadd.f32 v44, v40;
	v36 =	vmul.f32 v36, v23;
	v41 =	vld [tilespmem:s9+$0x70]  }
0x86: {  	v38 =	vadd.f32 v39, v38;
	v26 =	vadd.f32 v26, v29;
	v23 =	vmul.f32 v47, v23;
	v29 =	vld [tilespmem:s9+$0xA0]  }
0x87: {  	v33 =	vadd.f32 v33, v37;
	v34 =	vadd.f32 v34, v40;
	v35 =	vmul.f32 v35, v20;
	v37 =	vld [tilespmem:s9+$0xB0]  }
0x88: {  	v36 =	vadd.f32 v36, v38;
	v23 =	vadd.f32 v23, v26;
	v20 =	vmul.f32 v42, v20;
	v26 =	vld [tilespmem:s9+$0xE0]  }
0x89: {  	v30 =	vadd.f32 v30, v33;
	v31 =	vadd.f32 v31, v34;
	v32 =	vmul.f32 v32, v19;
	v33 =	vld [tilespmem:s9+$0xF0]  }
0x8a: {  	v34 =	vadd.f32 v35, v36;
	v20 =	vadd.f32 v20, v23;
	v19 =	vmul.f32 v41, v19;
	v23 =	vld [tilespmem:s9+$0x120]  }
0x8b: {  	v27 =	vadd.f32 v27, v30;
	v28 =	vadd.f32 v28, v31;
	v29 =	vmul.f32 v29, v16;
	v30 =	vld [tilespmem:s9+$0x130]  }
0x8c: {  	v31 =	vadd.f32 v32, v34;
	v19 =	vadd.f32 v19, v20;
	v16 =	vmul.f32 v37, v16;
	v20 =	vld [tilespmem:s9+$0x160]  }
0x8d: {  	v24 =	vadd.f32 v24, v27;
	v25 =	vadd.f32 v25, v28;
	v26 =	vmul.f32 v26, v13;
	v27 =	vld [tilespmem:s9+$0x170]  }
0x8e: {  	v28 =	vadd.f32 v29, v31;
	v16 =	vadd.f32 v16, v19;
	v13 =	vmul.f32 v33, v13;
	v19 =	vld [tilespmem:s9+$0x1A0]  }
0x8f: {  	v21 =	vadd.f32 v21, v24;
	v22 =	vadd.f32 v22, v25;
	v23 =	vmul.f32 v23, v10;
	v24 =	vld [tilespmem:s9+$0x1B0]  }
0x90: {  	v25 =	vadd.f32 v26, v28;
	v13 =	vadd.f32 v13, v16;
	v10 =	vmul.f32 v30, v10;
	v16 =	vld [tilespmem:s9+$0x1E0]  }
0x91: {  	v17 =	vadd.f32 v17, v21;
	v18 =	vadd.f32 v18, v22;
	v20 =	vmul.f32 v20, v7;
	v21 =	vld [tilespmem:s9+$0x1F0];
	s9 =	sadd.s32 $0x400, s9  }
0x92: {  	v23 =	vadd.f32 v23, v25;
	v22 =	vld [tilespmem:s9+$0x1C0];
	v10 =	vadd.f32 v10, v13;
	v7 =	vmul.f32 v27, v7  }
0x93: {  	v13 =	vadd.f32 v14, v17;
	v14 =	vadd.f32 v15, v18;
	v25 =	vld [tilespmem:s9+$0x1D0];
	v15 =	vmul.f32 v19, v6  }
0x94: {  	v18 =	vadd.f32 v20, v23;
	v17 =	vld [tilespmem:s9+$0x180];
	v7 =	vadd.f32 v7, v10;
	v6 =	vmul.f32 v24, v6  }
0x95: {  	v10 =	vadd.f32 v11, v13;
	v11 =	vadd.f32 v12, v14;
	v24 =	vld [tilespmem:s9+$0x190];
	v12 =	vmul.f32 v16, v5  }
0x96: {  	v13 =	vadd.f32 v15, v18;
	v14 =	vld [tilespmem:s9+$0x140];
	v6 =	vadd.f32 v6, v7;
	v5 =	vmul.f32 v21, v5  }
0x97: {  	v37 =	vadd.f32 v8, v10;
	v40 =	vadd.f32 v9, v11;
	v15 =	vld [tilespmem:s9+$0x150]  }
0x98: {  	v38 =	vadd.f32 v12, v13;
	v18 =	vld [tilespmem:s9+$0x100];
	v39 =	vadd.f32 v5, v6  }
0x99: {  	v21 =	vld [tilespmem:s9+$0x110]  }
0x9a: {  	v27 =	vld [tilespmem:s9+$0xC0]  }
0x9b: {  	s1 =	sshra.s32 s11, $0x2;
	v28 =	vld [tilespmem:s9+$0xD0]  }
0x9c: {  	v8 =	vld [tilespmem:s1+$0x4000]  }
0x9d: {  	v30 =	vld [tilespmem:s9+$0x80]  }
0x9e: {  	v31 =	vld [tilespmem:s9+$0x90]  }
0x9f: {  	v33 =	vld [tilespmem:s9+$0x40]  }
0xa0: {  	v34 =	vld [tilespmem:s9+$0x50]  }
0xa1: {  	v55 =	vld [tilespmem:s9+$0x0];
	v6 =	vbroadcast v8, $0xE;
	v5 =	vbroadcast v8, $0xF  }
0xa2: {  	v10 =	vbroadcast v8, $0xC;
	v7 =	vbroadcast v8, $0xD;
	v56 =	vld [tilespmem:s9+$0x10]  }
0xa3: {  	v16 =	vbroadcast v8, $0xA;
	v13 =	vbroadcast v8, $0xB;
	v57 =	vld [tilespmem:s9+$0xFFFFFFC0]  }
0xa4: {  	v20 =	vbroadcast v8, $0x8;
	v19 =	vbroadcast v8, $0x9;
	v58 =	vld [tilespmem:s9+$0xFFFFFFD0]  }
0xa5: {  	v26 =	vbroadcast v8, $0x6;
	v23 =	vbroadcast v8, $0x7;
	v43 =	vld [tilespmem:s9+$0xFFFFFF80]  }
0xa6: {  	v32 =	vbroadcast v8, $0x4;
	v29 =	vbroadcast v8, $0x5;
	v44 =	vld [tilespmem:s9+$0xFFFFFF90]  }
0xa7: {  	v36 =	vbroadcast v8, $0x2;
	v35 =	vbroadcast v8, $0x3;
	v45 =	vld [tilespmem:s9+$0xFFFFFF40]  }
0xa8: {  	v42 =	vbroadcast v8, $0x0;
	v41 =	vbroadcast v8, $0x1;
	v46 =	vld [tilespmem:s9+$0xFFFFFF50]  }
0xa9: {  	v8 =	vmul.f32 v22, v5;
	v9 =	vmul.f32 v25, v5;
	v47 =	vld [tilespmem:s9+$0xFFFFFF00]  }
0xaa: {  	v11 =	vmul.f32 v17, v6;
	v12 =	vmul.f32 v24, v6;
	v48 =	vld [tilespmem:s9+$0xFFFFFF10]  }
0xab: {  	v14 =	vmul.f32 v14, v7;
	v15 =	vmul.f32 v15, v7;
	v49 =	vld [tilespmem:s9+$0xFFFFFEC0]  }
0xac: {  	v17 =	vmul.f32 v18, v10;
	v18 =	vmul.f32 v21, v10;
	v50 =	vld [tilespmem:s9+$0xFFFFFED0]  }
.Ltmp2:
0xad: {  	v21 =	vmul.f32 v27, v13;
	v22 =	vmul.f32 v28, v13;
	v51 =	vld [tilespmem:s9+$0xFFFFFE80];
	(pc) =	sbr.rel @p0 .LBB2_2-.Ltmp2, $4  }
0xae: {  	v24 =	vmul.f32 v30, v16;
	v25 =	vmul.f32 v31, v16;
	v52 =	vld [tilespmem:s9+$0xFFFFFE90]  }
0xaf: {  	v27 =	vmul.f32 v33, v19;
	v28 =	vmul.f32 v34, v19;
	v53 =	vld [tilespmem:s9+$0xFFFFFE40]  }
0xb0: {  	v30 =	vmul.f32 v55, v20;
	v31 =	vmul.f32 v56, v20;
	v54 =	vld [tilespmem:s9+$0xFFFFFE50]  }
0xb1: {  	s11 =	sadd.s32 $0x40, s11;
	v33 =	vmul.f32 v57, v23;
	v34 =	vmul.f32 v58, v23;
	v55 =	vld [tilespmem:s9+$0xFFFFFE00]  }
0xb2: {  	v56 =	vld [tilespmem:s9+$0xFFFFFE10];
	v43 =	vmul.f32 v43, v26;
	v44 =	vmul.f32 v44, v26  }
0xb3: {  	v57 =	vld [tilespmem:s9+$0xFFFFFE20];
	v45 =	vmul.f32 v45, v29;
	v46 =	vmul.f32 v46, v29  }
0xb4: {  	v58 =	vld [tilespmem:s9+$0xFFFFFE30];
	v47 =	vmul.f32 v47, v32;
	v48 =	vmul.f32 v48, v32  }
0xb5: {  	v59 =	vld [tilespmem:s9+$0xFFFFFE60];
	v49 =	vmul.f32 v49, v35;
	v50 =	vmul.f32 v50, v35  }
0xb6: {  	v60 =	vld [tilespmem:s9+$0xFFFFFE70];
	v51 =	vmul.f32 v51, v36;
	v52 =	vmul.f32 v52, v36  }
0xb7: {  	v61 =	vld [tilespmem:s9+$0xFFFFFEA0];
	v53 =	vmul.f32 v53, v41;
	v54 =	vmul.f32 v54, v41  }
0xb8: {  	v62 =	vld [tilespmem:s9+$0xFFFFFEB0];
	v55 =	vmul.f32 v42, v55;
	v56 =	vmul.f32 v56, v42  }
0xb9: {  	v57 =	vmul.f32 v57, v42;
	v63 =	vmul.f32 v58, v42;
	v58 =	vld [tilespmem:s9+$0xFFFFFEE0]  }
0xba: {  	v37 =	vadd.f32 v55, v37;
	v55 =	vmul.f32 v59, v41;
	v40 =	vadd.f32 v56, v40;
	v56 =	vld [tilespmem:s9+$0xFFFFFEF0]  }
0xbb: {  	v42 =	vld [tilespmem:s9+$0xFFFFFF20];
	v38 =	vadd.f32 v57, v38;
	v39 =	vadd.f32 v63, v39;
	v63 =	vmul.f32 v60, v41  }
0xbc: {  	v59 =	vld [tilespmem:s9+$0xFFFFFF30];
	v57 =	vmul.f32 v61, v36;
	v37 =	vadd.f32 v53, v37;
	v40 =	vadd.f32 v54, v40  }
0xbd: {  	v60 =	vmul.f32 v62, v36;
	v61 =	vld [tilespmem:s9+$0xFFFFFF60];
	v38 =	vadd.f32 v55, v38;
	v39 =	vadd.f32 v63, v39  }
0xbe: {  	v63 =	vld [tilespmem:s9+$0xFFFFFF70];
	v37 =	vadd.f32 v51, v37;
	v62 =	vmul.f32 v58, v35;
	v40 =	vadd.f32 v52, v40  }
0xbf: {  	v58 =	vld [tilespmem:s9+$0xFFFFFFB0];
	v38 =	vadd.f32 v57, v38;
	v36 =	vadd.f32 v60, v39;
	v56 =	vmul.f32 v56, v35  }
0xc0: {  	v42 =	vmul.f32 v42, v32;
	v57 =	vld [tilespmem:s9+$0xFFFFFFA0];
	v37 =	vadd.f32 v49, v37;
	v40 =	vadd.f32 v50, v40  }
0xc1: {  	v59 =	vmul.f32 v59, v32;
	v60 =	vld [tilespmem:s9+$0xFFFFFFE0];
	v38 =	vadd.f32 v62, v38;
	v35 =	vadd.f32 v56, v36  }
0xc2: {  	v41 =	vmul.f32 v61, v29;
	v61 =	vld [tilespmem:s9+$0xFFFFFFF0];
	v37 =	vadd.f32 v47, v37;
	v40 =	vadd.f32 v48, v40  }
0xc3: {  	v62 =	vmul.f32 v63, v29;
	v63 =	vld [tilespmem:s9+$0x20];
	v38 =	vadd.f32 v42, v38;
	v32 =	vadd.f32 v59, v35  }
0xc4: {  	v48 =	vld [tilespmem:s9+$0x30];
	v49 =	vmul.f32 v58, v26;
	v37 =	vadd.f32 v45, v37;
	v40 =	vadd.f32 v46, v40  }
0xc5: {  	v51 =	vld [tilespmem:s9+$0x70];
	v39 =	vmul.f32 v57, v26;
	v38 =	vadd.f32 v41, v38;
	v29 =	vadd.f32 v62, v32  }
0xc6: {  	v50 =	vld [tilespmem:s9+$0x60];
	v36 =	vmul.f32 v60, v23;
	v37 =	vadd.f32 v43, v37;
	v40 =	vadd.f32 v44, v40  }
0xc7: {  	v54 =	vld [tilespmem:s9+$0xB0];
	v52 =	vmul.f32 v61, v23;
	v38 =	vadd.f32 v39, v38;
	v26 =	vadd.f32 v49, v29  }
0xc8: {  	v53 =	vld [tilespmem:s9+$0xA0];
	v35 =	vmul.f32 v63, v20;
	v33 =	vadd.f32 v33, v37;
	v34 =	vadd.f32 v34, v40  }
0xc9: {  	v56 =	vld [tilespmem:s9+$0xE0];
	v55 =	vmul.f32 v48, v20;
	v36 =	vadd.f32 v36, v38;
	v23 =	vadd.f32 v52, v26  }
0xca: {  	v57 =	vld [tilespmem:s9+$0xF0];
	v59 =	vmul.f32 v51, v19;
	v30 =	vadd.f32 v30, v33;
	v31 =	vadd.f32 v31, v34  }
0xcb: {  	v61 =	vld [tilespmem:s9+$0x130];
	v32 =	vmul.f32 v50, v19;
	v58 =	vadd.f32 v35, v36;
	v20 =	vadd.f32 v55, v23  }
0xcc: {  	v60 =	vld [tilespmem:s9+$0x120];
	v63 =	vmul.f32 v54, v16;
	v27 =	vadd.f32 v27, v30;
	v28 =	vadd.f32 v28, v31  }
0xcd: {  	v29 =	vmul.f32 v53, v16;
	v62 =	vadd.f32 v32, v58;
	v32 =	vld [tilespmem:s9+$0x160];
	v19 =	vadd.f32 v59, v20  }
0xce: {  	v26 =	vmul.f32 v56, v13;
	v34 =	vld [tilespmem:s9+$0x170];
	v24 =	vadd.f32 v24, v27;
	v25 =	vadd.f32 v25, v28  }
0xcf: {  	v37 =	vld [tilespmem:s9+$0x1A0];
	v36 =	vmul.f32 v57, v13;
	v35 =	vadd.f32 v29, v62;
	v16 =	vadd.f32 v63, v19  }
0xd0: {  	v38 =	vld [tilespmem:s9+$0x1B0];
	v40 =	vmul.f32 v61, v10;
	v21 =	vadd.f32 v21, v24;
	v22 =	vadd.f32 v22, v25  }
0xd1: {  	v41 =	vld [tilespmem:s9+$0x1E0];
	v23 =	vmul.f32 v60, v10;
	v39 =	vadd.f32 v26, v35;
	v13 =	vadd.f32 v36, v16  }
0xd2: {  	v42 =	vld [tilespmem:s9+$0x1F0];
	v17 =	vadd.f32 v17, v21;
	v20 =	vmul.f32 v32, v7;
	v18 =	vadd.f32 v18, v22  }
0xd3: {  	v7 =	vmul.f32 v34, v7;
	v43 =	vadd.f32 v23, v39;
	v10 =	vadd.f32 v40, v13  }
0xd4: {  	v46 =	vmul.f32 v37, v6;
	v44 =	vadd.f32 v14, v17;
	v45 =	vadd.f32 v15, v18  }
0xd5: {  	v6 =	vmul.f32 v38, v6;
	v47 =	vadd.f32 v20, v43;
	v7 =	vadd.f32 v7, v10  }
0xd6: {  	v50 =	vmul.f32 v41, v5;
	v48 =	vadd.f32 v11, v44;
	v49 =	vadd.f32 v12, v45  }
0xd7: {  	v5 =	vmul.f32 v42, v5;
	v51 =	vadd.f32 v46, v47;
	v6 =	vadd.f32 v6, v7  }
0xd8: {  	v7 =	vadd.f32 v8, v48;
	v8 =	vadd.f32 v9, v49  }
0xd9: {  	v52 =	vadd.f32 v50, v51;
	v5 =	vadd.f32 v5, v6;
	_ =	sdelay $0x1  }
0xda: {  	v6 =	vmax.f32 v7, v8;
	v53 =	vmax.f32 v52, v5  }
0xdb: {  	v6 =	vmax.f32 v6, v53  }
0xdc: {  	s1 =	simm.s32 $0x14580;
	[tilespmem:$0x14580] =	vst v6  }
0xdd: {  	v54 =	vld.idx.msk [tilespmem:v0+s1+$0x0], $0xffff;
	_ =	sdelay $0x4  }
0xde: {  	v6 =	vmax.f32 v6, v54  }
0xdf: {  	[tilespmem:$0x14580] =	vst v6  }
0xe0: {  	v55 =	vld.idx.msk [tilespmem:v1+s1+$0x0], $0xffff;
	_ =	sdelay $0x4  }
0xe1: {  	v6 =	vmax.f32 v6, v55  }
0xe2: {  	[tilespmem:$0x14580] =	vst v6  }
0xe3: {  	v56 =	vld.idx.msk [tilespmem:v2+s1+$0x0], $0xffff;
	_ =	sdelay $0x4  }
0xe4: {  	v6 =	vmax.f32 v6, v56  }
0xe5: {  	[tilespmem:$0x14580] =	vst v6  }
0xe6: {  	v57 =	vld.idx.msk [tilespmem:v3+s1+$0x0], $0xffff;
	_ =	sdelay $0x4  }
0xe7: {  	v6 =	vmax.f32 v6, v57  }
0xe8: {  	v7 =	vsub.f32 v7, v6  }
0xe9: {  	v8 =	vsub.f32 v8, v6  }
0xea: {  	v7 =	vmul.f32 $1.442695020e+00, v7  }
0xeb: {  	v9 =	vsub.f32 v52, v6;
	v8 =	vmul.f32 $1.442695020e+00, v8  }
0xec: {  	(erf) = vpow2.f32 v7  }
0xed: {  	v5 =	vsub.f32 v5, v6;
	v7 =	vmul.f32 $1.442695020e+00, v9;
	(erf) = vpow2.f32 v8;
	_ =	sdelay $0x1  }
0xee: {  	v5 =	vmul.f32 $1.442695020e+00, v5;
	(erf) = vpow2.f32 v7;
	_ =	sdelay $0x1  }
0xef: {  	(erf) = vpow2.f32 v5;
	_ =	sdelay $0x3  }
0xf0: {  	v5 =	vpop (erf)  }
0xf1: {  	v6 =	vpop (erf)  }
0xf2: {  	v7 =	vadd.f32 v6, v5  }
0xf3: {  	v8 =	vpop (erf)  }
0xf4: {  	v7 =	vadd.f32 v7, v8  }
0xf5: {  	v58 =	vpop (erf)  }
0xf6: {  	v7 =	vadd.f32 v7, v58;
	_ =	sdelay $0x1  }
0xf7: {  	[tilespmem:$0x14580] =	vst v7  }
0xf8: {  	v59 =	vld.idx.msk [tilespmem:v0+s1+$0x0], $0xffff;
	_ =	sdelay $0x4  }
0xf9: {  	v7 =	vadd.f32 v7, v59;
	_ =	sdelay $0x1  }
0xfa: {  	[tilespmem:$0x14580] =	vst v7  }
0xfb: {  	v60 =	vld.idx.msk [tilespmem:v1+s1+$0x0], $0xffff;
	_ =	sdelay $0x4  }
0xfc: {  	v7 =	vadd.f32 v7, v60;
	_ =	sdelay $0x1  }
0xfd: {  	[tilespmem:$0x14580] =	vst v7  }
0xfe: {  	v61 =	vld.idx.msk [tilespmem:v2+s1+$0x0], $0xffff;
	_ =	sdelay $0x4  }
0xff: {  	v7 =	vadd.f32 v7, v61;
	_ =	sdelay $0x1  }
0x100: {  	[tilespmem:$0x14580] =	vst v7  }
0x101: {  	v62 =	vld.idx.msk [tilespmem:v3+s1+$0x0], $0xffff;
	_ =	sdelay $0x4  }
0x102: {  	v7 =	vadd.f32 v7, v62;
	_ =	sdelay $0x1  }
0x103: {  	(erf) = vrcp.f32 v7;
	_ =	sdelay $0x8  }
0x104: {  	v7 =	vpop (erf)  }
0x105: {  	s9 =	simm.s32 $0x0;
	v5 =	vmul.f32 v7, v5;
	v6 =	vmul.f32 v7, v6  }
0x106: {  	vm0 =	veq.s32 v4, $0x0;
	v63 =	vmov s9  }
0x107: {  	v5 =	vsel vm0, $0x0, v5;
	[tilespmem:$0x4110] =	vst v6;
	v6 =	vmul.f32 v7, v58  }
0x108: {  	[tilespmem:$0x4100] =	vst v5;
	v5 =	vmul.f32 v7, v8  }
0x109: {  	[tilespmem:$0x4130] =	vst v6  }
0x10a: {  	[tilespmem:$0x4120] =	vst v5  }
0x10b: {  	s30 =	simm.s32 $0x1;
	v5 =	vld.idx.msk [tilespmem:v63+s31+$0x0], $0xffff  }
0x10c: {  	v6 =	vmov s30;
	_ =	sdelay $0x2  }
0x10d: {  	s1 =	simm.s32 $0x4180  }
0x10e: {  	[tilespmem:s1+$0x0] =	vst v5  }
0x10f: {  	s7 =	simm.s32 $0x2;
	v5 =	vld.idx.msk [tilespmem:v6+s31+$0x0], $0xffff  }
0x110: {  	v6 =	vmov s7;
	s7 =	simm.s32 $0x3  }
.LBB2_4:
0x111: {  	p0 =	sne.s32 s7, $0x3F;
	_ =	sdelay $0x1  }
.Ltmp3:
0x112: {  	s1 =	sadd.s32 $0x10, s1;
	(pc) =	sbr.rel @p0 .LBB2_4-.Ltmp3, $3  }
0x113: {  	[tilespmem:s1+$0x0] =	vst v5  }
0x114: {  	v5 =	vld.idx.msk [tilespmem:v6+s31+$0x0], $0xffff;
	_ =	sdelay $0x1  }
0x115: {  	v6 =	vmov s7;
	s7 =	sadd.s32 $0x1, s7  }
0x116: {  	_ =	sdelay $0x1  }
0x117: {  	s1 =	sadd.s32 $0x10, s1  }
0x118: {  	[tilespmem:s1+$0x0] =	vst v5  }
0x119: {  	v5 =	vld.idx.msk [tilespmem:v6+s31+$0x0], $0xffff;
	_ =	sdelay $0x3  }
0x11a: {  	s1 =	sadd.s32 $0x10, s1  }
0x11b: {  	[tilespmem:s1+$0x0] =	vst v5  }
.LBB2_6:
0x11c: {  	_ =	swait.ge [sflag:s3], $0x1000  }
0x11d: {  	p0 =	seq.s32 s9, $0x0;
	s1 =	simm.s32 $0x0;
	[sflag:s3] =	ssyncset.done $0x0  }
0x11e: {  	s7 =	simm.s32 @!p0 $0x9;
	s8 =	sand.u32 $0x3, s1;
	[sflag:s3] =	ssyncadd.s32 $0xFFFFF000  }
0x11f: {  	s8 =	sshll.u32 s8, $0xA;
	_ =	swait.ge @!p0 [sflag:s7], $0x1000  }
0x120: {  	s22 =	sand.u32 $0xC00, s1;
	s8 =	sadd.s32 $0x0, s8;
	[sflag:s7] =	ssyncset.done @!p0 $0x0  }
0x121: {  	s1 =	sand.u32 $0x380, s1;
	s11 =	sor.u32 $0x70, s8;
	[sflag:s7] =	ssyncadd.s32 @!p0 $0xFFFFF000  }
0x122: {  	s13 =	sor.u32 s1, s22;
	v5 =	vld [tilespmem:s11+$0x4580]  }
0x123: {  	s17 =	sor.u32 $0x60, s8;
	v9 =	vld [tilespmem:s13+$0x45A0]  }
0x124: {  	v6 =	vld [tilespmem:s17+$0x4580]  }
0x125: {  	s26 =	simm.s32 $0x1;
	v7 =	vld [tilespmem:s13+$0x4580]  }
0x126: {  	s1 =	sand.u32 $0x3, s26;
	v8 =	vld [tilespmem:s13+$0x4590]  }
0x127: {  	s26 =	simm.s32 $0x20;
	s1 =	sshll.u32 s1, $0xA;
	v10 =	vld [tilespmem:s13+$0x45B0]  }
0x128: {  	s18 =	sand.u32 $0x380, s26;
	s1 =	sadd.s32 $0x20, s1;
	s7 =	simm.s32 $0x400;
	v11 =	vld [tilespmem:s13+$0x45C0];
	v9 =	vshll.u32 v9, $0x4  }
0x129: {  	s15 =	sor.u32 $0x70, s1;
	s1 =	sor.u32 $0x60, s1;
	v12 =	vld [tilespmem:s13+$0x45D0];
	s30 =	sand.u32 $0xC00, s7;
	v9 =	vor.u32 v4, v9  }
0x12a: {  	v14 =	vld [tilespmem:s1+$0x4580];
	s8 =	sor.u32 s18, s30;
	v5 =	vshll.u32 v5, $0x4  }
0x12b: {  	v15 =	vld [tilespmem:s8+$0x4580];
	v6 =	vshll.u32 v6, $0x4;
	v5 =	vor.u32 v4, v5  }
0x12c: {  	v16 =	vld [tilespmem:s8+$0x4590];
	v7 =	vshll.u32 v7, $0x4;
	v6 =	vor.u32 v4, v6  }
0x12d: {  	v17 =	vld [tilespmem:s8+$0x45A0];
	v8 =	vshll.u32 v8, $0x4;
	v7 =	vor.u32 v4, v7  }
0x12e: {  	v8 =	vor.u32 v4, v8;
	v13 =	vld.idx.msk [tilespmem:v9+s0+$0x0], $0xffff  }
0x12f: {  	v9 =	vld [tilespmem:s15+$0x4580]  }
0x130: {  	v5 =	vld.idx.msk [tilespmem:v5+s0+$0x0], $0xffff  }
0x131: {  	v10 =	vshll.u32 v10, $0x4;
	v6 =	vld.idx.msk [tilespmem:v6+s0+$0x0], $0xffff  }
0x132: {  	v11 =	vshll.u32 v11, $0x4;
	v10 =	vor.u32 v4, v10;
	v7 =	vld.idx.msk [tilespmem:v7+s0+$0x0], $0xffff  }
0x133: {  	v12 =	vshll.u32 v12, $0x4;
	v11 =	vor.u32 v4, v11;
	v8 =	vld.idx.msk [tilespmem:v8+s0+$0x0], $0xffff  }
0x134: {  	v19 =	vld [tilespmem:s8+$0x45B0];
	v18 =	vor.u32 v4, v12;
	v9 =	vshll.u32 v9, $0x4  }
0x135: {  	v20 =	vld [tilespmem:s8+$0x45C0];
	[tilespmem:s11+$0xC580] =	vst v5;
	v5 =	vshll.u32 v14, $0x4;
	v21 =	vor.u32 v4, v9  }
0x136: {  	v12 =	vshll.u32 v15, $0x4;
	[tilespmem:s17+$0xC580] =	vst v6;
	v9 =	vld [tilespmem:s8+$0x45D0];
	v14 =	vor.u32 v4, v5  }
0x137: {  	v12 =	vor.u32 v4, v12;
	v6 =	vld.idx.msk [tilespmem:v10+s0+$0x0], $0xffff;
	[tilespmem:s13+$0xC580] =	vst v7;
	v5 =	vshll.u32 v16, $0x4  }
0x138: {  	v7 =	vld.idx.msk [tilespmem:v11+s0+$0x0], $0xffff;
	[tilespmem:s13+$0xC590] =	vst v8;
	v10 =	vor.u32 v4, v5;
	v5 =	vshll.u32 v17, $0x4  }
0x139: {  	v11 =	vshll.u32 v19, $0x4;
	v8 =	vld.idx.msk [tilespmem:v18+s0+$0x0], $0xffff;
	[tilespmem:s13+$0xC5A0] =	vst v13;
	v13 =	vor.u32 v4, v5  }
0x13a: {  	s18 =	simm.s32 $0x2;
	v15 =	vshll.u32 v20, $0x4;
	s11 =	sshll.u32 s9, $0x3;
	s17 =	simm.s32 $0x8;
	v5 =	vor.u32 v4, v11;
	v11 =	vld.idx.msk [tilespmem:v21+s0+$0x0], $0xffff  }
.LBB2_7:
0x13b: {  	s19 =	sand.u32 $0x3, s18;
	s17 =	sadd.s32 $0x8, s17;
	v15 =	vor.u32 v4, v15;
	v9 =	vshll.u32 v9, $0x4;
	v14 =	vld.idx.msk [tilespmem:v14+s0+$0x0], $0xffff;
	s7 =	sadd.s32 $0x400, s7  }
0x13c: {  	s26 =	sadd.s32 $0x20, s26;
	s19 =	sshll.u32 s19, $0xA;
	p1 =	slt.u32 s17, $0xF8;
	v12 =	vld.idx.msk [tilespmem:v12+s0+$0x0], $0xffff;
	v16 =	vor.u32 v4, v9  }
0x13d: {  	s30 =	sand.u32 $0xC00, s7;
	s20 =	sand.u32 $0x380, s26;
	s19 =	sadd.s32 s19, s26;
	v9 =	vld.idx.msk [tilespmem:v10+s0+$0x0], $0xffff;
	[tilespmem:s13+$0xC5B0] =	vst v6  }
0x13e: {  	s20 =	sor.u32 s20, s30;
	s30 =	sor.u32 $0x60, s19;
	s19 =	sor.u32 $0x70, s19;
	v6 =	vld.idx.msk [tilespmem:v13+s0+$0x0], $0xffff;
	[tilespmem:s13+$0xC5C0] =	vst v7  }
0x13f: {  	v7 =	vld [tilespmem:s19+$0x4580];
	[tilespmem:s13+$0xC5D0] =	vst v8;
	s13 =	smov.u32 s8;
	s8 =	smov.u32 s20  }
0x140: {  	v8 =	vld [tilespmem:s30+$0x4580];
	[tilespmem:s15+$0xC580] =	vst v11;
	s15 =	smov.u32 s19  }
0x141: {  	v10 =	vld [tilespmem:s8+$0x4580];
	[tilespmem:s1+$0xC580] =	vst v14;
	s1 =	smov.u32 s30  }
0x142: {  	v11 =	vld [tilespmem:s8+$0x4590];
	[tilespmem:s13+$0xC580] =	vst v12  }
0x143: {  	v13 =	vld [tilespmem:s8+$0x45A0];
	[tilespmem:s13+$0xC590] =	vst v9  }
0x144: {  	v17 =	vld [tilespmem:s8+$0x45B0];
	v7 =	vshll.u32 v7, $0x4;
	[tilespmem:s13+$0xC5A0] =	vst v6  }
0x145: {  	v18 =	vld [tilespmem:s8+$0x45C0];
	v6 =	vshll.u32 v8, $0x4;
	v19 =	vor.u32 v4, v7  }
.Ltmp4:
0x146: {  	v7 =	vshll.u32 v10, $0x4;
	v9 =	vld [tilespmem:s8+$0x45D0];
	v14 =	vor.u32 v4, v6;
	(pc) =	sbr.rel @p1 .LBB2_7-.Ltmp4, $4  }
0x147: {  	v12 =	vor.u32 v4, v7;
	v7 =	vshll.u32 v11, $0x4;
	v6 =	vld.idx.msk [tilespmem:v5+s0+$0x0], $0xffff  }
0x148: {  	v10 =	vor.u32 v4, v7;
	v5 =	vshll.u32 v13, $0x4;
	v7 =	vld.idx.msk [tilespmem:v15+s0+$0x0], $0xffff  }
0x149: {  	v13 =	vor.u32 v4, v5;
	v5 =	vshll.u32 v17, $0x4;
	v8 =	vld.idx.msk [tilespmem:v16+s0+$0x0], $0xffff  }
0x14a: {  	s18 =	sadd.s32 $0x1, s18;
	v5 =	vor.u32 v4, v5;
	v15 =	vshll.u32 v18, $0x4;
	v11 =	vld.idx.msk [tilespmem:v19+s0+$0x0], $0xffff  }
0x14b: {  	_ =	sdelay $0x3  }
0x14c: {  	v15 =	vor.u32 v4, v15;
	v9 =	vshll.u32 v9, $0x4;
	v14 =	vld.idx.msk [tilespmem:v14+s0+$0x0], $0xffff  }
0x14d: {  	v12 =	vld.idx.msk [tilespmem:v12+s0+$0x0], $0xffff;
	v9 =	vor.u32 v4, v9;
	[tilespmem:s13+$0xC5B0] =	vst v6  }
0x14e: {  	v5 =	vld.idx.msk [tilespmem:v5+s0+$0x0], $0xffff;
	[tilespmem:s13+$0xC5C0] =	vst v7  }
0x14f: {  	v6 =	vld.idx.msk [tilespmem:v10+s0+$0x0], $0xffff;
	[tilespmem:s13+$0xC5D0] =	vst v8  }
0x150: {  	v7 =	vld.idx.msk [tilespmem:v13+s0+$0x0], $0xffff;
	[tilespmem:s15+$0xC580] =	vst v11  }
0x151: {  	[tilespmem:s1+$0xC580] =	vst v14;
	v8 =	vld.idx.msk [tilespmem:v15+s0+$0x0], $0xffff  }
0x152: {  	[tilespmem:s8+$0xC580] =	vst v12;
	v9 =	vld.idx.msk [tilespmem:v9+s0+$0x0], $0xffff  }
0x153: {  	[tilespmem:s8+$0xC5B0] =	vst v5  }
0x154: {  	[tilespmem:s8+$0xC590] =	vst v6  }
0x155: {  	[tilespmem:s8+$0xC5A0] =	vst v7  }
0x156: {  	[tilespmem:s8+$0xC5C0] =	vst v8  }
0x157: {  	[tilespmem:s8+$0xC5D0] =	vst v9  }
0x158: {  	s18 =	sshll.u32 s9, $0xC;
	s7 =	rddreg [dreg:$0xd]  }
0x159: {  	s19 =	simm.s32 $0xC580;
	s1 =	sadd.s32 s18, s7  }
0x15a: {  	[hbm4b:s1+s6] =	stream.linear.scatter [tilespmem:s19], [sflag:$0x9], $0x1000, $0x38;
	[tilespmem:$0x14600] =	vst v63  }
0x15b: {  	p1 =	seq.s32 s9, $0x3;
	s1 =	rddreg [dreg:$0xe]  }
0x15c: {  	s1 =	sadd.s32 @!p1 s11, s1  }
0x15d: {  	s1 =	sshll.u32 @!p1 s1, $0x9  }
0x15e: {  	s1 =	sand.u32 @!p1 $0x1FFFF000, s1  }
0x15f: {  	s8 =	simm.s32 @!p1 $0x4580;
	s7 =	simm.s32 @!p1 $0x0;
	s1 =	sadd.s32 @!p1 s4, s1  }
0x160: {  	[tilespmem:s8], [sflag:$0x1] =	stream.linear.gather @!p1 [hbm4b:s1+s7], $0x1000, $0x38;
	[tilespmem:$0x14600] =	vst v63  }
0x161: {  	_ =	swait.ge [sflag:s29], $0x1000  }
0x162: {  	s20 =	simm.s32 $0x0;
	[sflag:s29] =	ssyncset.done $0x0  }
0x163: {  	s21 =	sand.u32 $0x3, s20;
	s7 =	simm.s32 @!p0 $0xA;
	[sflag:s29] =	ssyncadd.s32 $0xFFFFF000  }
0x164: {  	s8 =	sshll.u32 s21, $0xA;
	_ =	swait.ge @!p0 [sflag:s7], $0x1000  }
0x165: {  	s19 =	sand.u32 $0xC00, s20;
	s8 =	sadd.s32 $0x0, s8;
	[sflag:s7] =	ssyncset.done @!p0 $0x0  }
0x166: {  	s1 =	sand.u32 $0x380, s20;
	s22 =	sor.u32 $0x70, s8;
	[sflag:s7] =	ssyncadd.s32 @!p0 $0xFFFFF000  }
0x167: {  	s15 =	sor.u32 s1, s19;
	v5 =	vld [tilespmem:s22+$0x5580]  }
0x168: {  	s17 =	sor.u32 $0x60, s8;
	v9 =	vld [tilespmem:s15+$0x55A0]  }
0x169: {  	v6 =	vld [tilespmem:s17+$0x5580]  }
0x16a: {  	s20 =	simm.s32 $0x1;
	v7 =	vld [tilespmem:s15+$0x5580]  }
0x16b: {  	s1 =	sand.u32 $0x3, s20;
	v8 =	vld [tilespmem:s15+$0x5590]  }
0x16c: {  	s26 =	simm.s32 $0x400;
	s1 =	sshll.u32 s1, $0xA;
	v11 =	vld [tilespmem:s15+$0x55C0]  }
0x16d: {  	s21 =	sand.u32 $0xC00, s26;
	s1 =	sadd.s32 $0x20, s1;
	s7 =	simm.s32 $0x20;
	v12 =	vld [tilespmem:s15+$0x55D0];
	v9 =	vshll.u32 v9, $0x4  }
0x16e: {  	s30 =	sor.u32 $0x70, s1;
	s1 =	sor.u32 $0x60, s1;
	v10 =	vld [tilespmem:s15+$0x55B0];
	s18 =	sand.u32 $0x380, s7;
	v9 =	vor.u32 v4, v9  }
0x16f: {  	v14 =	vld [tilespmem:s1+$0x5580];
	s8 =	sor.u32 s18, s21;
	v5 =	vshll.u32 v5, $0x4  }
0x170: {  	v15 =	vld [tilespmem:s8+$0x5580];
	v6 =	vshll.u32 v6, $0x4;
	v7 =	vshll.u32 v7, $0x4;
	v5 =	vor.u32 v4, v5  }
0x171: {  	v16 =	vld [tilespmem:s8+$0x5590];
	v8 =	vshll.u32 v8, $0x4;
	v11 =	vshll.u32 v11, $0x4;
	v6 =	vor.u32 v4, v6  }
0x172: {  	v7 =	vor.u32 v4, v7;
	v17 =	vor.u32 v4, v11;
	v11 =	vshll.u32 v12, $0x4;
	v12 =	vld [tilespmem:s8+$0x55A0]  }
0x173: {  	v8 =	vor.u32 v4, v8;
	v13 =	vld.idx.msk [tilespmem:v9+s0+$0x0], $0xffff  }
0x174: {  	v9 =	vld [tilespmem:s30+$0x5580]  }
0x175: {  	v5 =	vld.idx.msk [tilespmem:v5+s0+$0x0], $0xffff  }
0x176: {  	v10 =	vshll.u32 v10, $0x4;
	v6 =	vld.idx.msk [tilespmem:v6+s0+$0x0], $0xffff  }
0x177: {  	v10 =	vor.u32 v4, v10;
	v7 =	vld.idx.msk [tilespmem:v7+s0+$0x0], $0xffff  }
0x178: {  	v8 =	vld.idx.msk [tilespmem:v8+s0+$0x0], $0xffff  }
0x179: {  	v19 =	vld [tilespmem:s8+$0x55B0];
	v18 =	vor.u32 v4, v11;
	v9 =	vshll.u32 v9, $0x4  }
0x17a: {  	v20 =	vld [tilespmem:s8+$0x55C0];
	[tilespmem:s22+$0xD580] =	vst v5;
	v5 =	vshll.u32 v14, $0x4;
	v21 =	vor.u32 v4, v9  }
0x17b: {  	v11 =	vshll.u32 v15, $0x4;
	[tilespmem:s17+$0xD580] =	vst v6;
	v9 =	vld [tilespmem:s8+$0x55D0];
	v14 =	vor.u32 v4, v5  }
0x17c: {  	v11 =	vor.u32 v4, v11;
	v6 =	vld.idx.msk [tilespmem:v10+s0+$0x0], $0xffff;
	[tilespmem:s15+$0xD580] =	vst v7;
	v5 =	vshll.u32 v16, $0x4  }
0x17d: {  	s22 =	sshll.u32 s9, $0x6;
	v7 =	vld.idx.msk [tilespmem:v17+s0+$0x0], $0xffff;
	[tilespmem:s15+$0xD590] =	vst v8;
	v10 =	vor.u32 v4, v5;
	v5 =	vshll.u32 v12, $0x4  }
0x17e: {  	v8 =	vld.idx.msk [tilespmem:v18+s0+$0x0], $0xffff;
	[tilespmem:s15+$0xD5A0] =	vst v13;
	s13 =	sadd.s32 s22, s23;
	v12 =	vshll.u32 v19, $0x4;
	v13 =	vor.u32 v4, v5  }
0x17f: {  	s19 =	simm.s32 $0x2;
	s18 =	simm.s32 $0x8;
	v15 =	vshll.u32 v20, $0x4;
	s17 =	sadd.s32 $0x8, s13;
	v5 =	vor.u32 v4, v12;
	v12 =	vld.idx.msk [tilespmem:v21+s0+$0x0], $0xffff  }
.LBB2_9:
0x180: {  	s20 =	sand.u32 $0x3, s19;
	s18 =	sadd.s32 $0x8, s18;
	v15 =	vor.u32 v4, v15;
	v9 =	vshll.u32 v9, $0x4;
	v14 =	vld.idx.msk [tilespmem:v14+s0+$0x0], $0xffff;
	s26 =	sadd.s32 $0x400, s26  }
0x181: {  	s7 =	sadd.s32 $0x20, s7;
	s20 =	sshll.u32 s20, $0xA;
	p2 =	slt.u32 s18, $0xF8;
	v11 =	vld.idx.msk [tilespmem:v11+s0+$0x0], $0xffff;
	v16 =	vor.u32 v4, v9  }
0x182: {  	s21 =	sand.u32 $0xC00, s26;
	s22 =	sand.u32 $0x380, s7;
	s20 =	sadd.s32 s20, s7;
	v9 =	vld.idx.msk [tilespmem:v10+s0+$0x0], $0xffff;
	[tilespmem:s15+$0xD5B0] =	vst v6  }
0x183: {  	s21 =	sor.u32 s22, s21;
	s22 =	sor.u32 $0x60, s20;
	s20 =	sor.u32 $0x70, s20;
	v6 =	vld.idx.msk [tilespmem:v13+s0+$0x0], $0xffff;
	[tilespmem:s15+$0xD5C0] =	vst v7  }
0x184: {  	v7 =	vld [tilespmem:s20+$0x5580];
	[tilespmem:s15+$0xD5D0] =	vst v8;
	s15 =	smov.u32 s8;
	s8 =	smov.u32 s21  }
0x185: {  	v8 =	vld [tilespmem:s22+$0x5580];
	[tilespmem:s30+$0xD580] =	vst v12;
	s30 =	smov.u32 s20  }
0x186: {  	v10 =	vld [tilespmem:s8+$0x5580];
	[tilespmem:s1+$0xD580] =	vst v14;
	s1 =	smov.u32 s22  }
0x187: {  	v12 =	vld [tilespmem:s8+$0x5590];
	[tilespmem:s15+$0xD580] =	vst v11  }
0x188: {  	v13 =	vld [tilespmem:s8+$0x55A0];
	[tilespmem:s15+$0xD590] =	vst v9  }
0x189: {  	v17 =	vld [tilespmem:s8+$0x55B0];
	v7 =	vshll.u32 v7, $0x4;
	[tilespmem:s15+$0xD5A0] =	vst v6  }
0x18a: {  	v18 =	vld [tilespmem:s8+$0x55C0];
	v6 =	vshll.u32 v8, $0x4;
	v19 =	vor.u32 v4, v7  }
.Ltmp5:
0x18b: {  	v7 =	vshll.u32 v10, $0x4;
	v9 =	vld [tilespmem:s8+$0x55D0];
	v14 =	vor.u32 v4, v6;
	(pc) =	sbr.rel @p2 .LBB2_9-.Ltmp5, $4  }
0x18c: {  	v11 =	vor.u32 v4, v7;
	v7 =	vshll.u32 v12, $0x4;
	v6 =	vld.idx.msk [tilespmem:v5+s0+$0x0], $0xffff  }
0x18d: {  	v10 =	vor.u32 v4, v7;
	v5 =	vshll.u32 v13, $0x4;
	v7 =	vld.idx.msk [tilespmem:v15+s0+$0x0], $0xffff  }
0x18e: {  	v13 =	vor.u32 v4, v5;
	v5 =	vshll.u32 v17, $0x4;
	v8 =	vld.idx.msk [tilespmem:v16+s0+$0x0], $0xffff  }
0x18f: {  	s19 =	sadd.s32 $0x1, s19;
	v5 =	vor.u32 v4, v5;
	v15 =	vshll.u32 v18, $0x4;
	v12 =	vld.idx.msk [tilespmem:v19+s0+$0x0], $0xffff  }
0x190: {  	_ =	sdelay $0x3  }
0x191: {  	v15 =	vor.u32 v4, v15;
	v9 =	vshll.u32 v9, $0x4;
	v14 =	vld.idx.msk [tilespmem:v14+s0+$0x0], $0xffff  }
0x192: {  	v11 =	vld.idx.msk [tilespmem:v11+s0+$0x0], $0xffff;
	v9 =	vor.u32 v4, v9;
	[tilespmem:s15+$0xD5B0] =	vst v6  }
0x193: {  	v5 =	vld.idx.msk [tilespmem:v5+s0+$0x0], $0xffff;
	[tilespmem:s15+$0xD5C0] =	vst v7  }
0x194: {  	v6 =	vld.idx.msk [tilespmem:v10+s0+$0x0], $0xffff;
	[tilespmem:s15+$0xD5D0] =	vst v8  }
0x195: {  	v7 =	vld.idx.msk [tilespmem:v13+s0+$0x0], $0xffff;
	[tilespmem:s30+$0xD580] =	vst v12  }
0x196: {  	[tilespmem:s1+$0xD580] =	vst v14;
	v8 =	vld.idx.msk [tilespmem:v15+s0+$0x0], $0xffff  }
0x197: {  	[tilespmem:s8+$0xD580] =	vst v11;
	v9 =	vld.idx.msk [tilespmem:v9+s0+$0x0], $0xffff  }
0x198: {  	[tilespmem:s8+$0xD5B0] =	vst v5  }
0x199: {  	[tilespmem:s8+$0xD590] =	vst v6  }
0x19a: {  	[tilespmem:s8+$0xD5A0] =	vst v7  }
0x19b: {  	s17 =	sshll.u32 s17, $0x6;
	[tilespmem:s8+$0xD5C0] =	vst v8  }
0x19c: {  	s7 =	simm.s32 $0xD580;
	s1 =	sadd.s32 s5, s17;
	[tilespmem:s8+$0xD5D0] =	vst v9  }
0x19d: {  	[hbm4b:s1+s6] =	stream.linear.scatter [tilespmem:s7], [sflag:$0xA], $0x1000, $0x38;
	[tilespmem:$0x14600] =	vst v63  }
0x19e: {  	s1 =	rddreg [dreg:$0xf]  }
0x19f: {  	s1 =	sadd.s32 @!p1 s11, s1  }
0x1a0: {  	s1 =	sshll.u32 @!p1 s1, $0x9  }
0x1a1: {  	s8 =	simm.s32 @!p1 $0x5580;
	s7 =	simm.s32 @!p1 $0x0;
	s1 =	sadd.s32 @!p1 s4, s1  }
0x1a2: {  	[tilespmem:s8], [sflag:$0x2] =	stream.linear.gather @!p1 [hbm4b:s1+s7], $0x1000, $0x38;
	[tilespmem:$0x14600] =	vst v63  }
0x1a3: {  	_ =	swait.ge [sflag:s10], $0x1000  }
0x1a4: {  	s18 =	simm.s32 $0x0;
	[sflag:s10] =	ssyncset.done $0x0  }
0x1a5: {  	s19 =	sand.u32 $0x3, s18;
	s7 =	simm.s32 @!p0 $0xB;
	[sflag:s10] =	ssyncadd.s32 $0xFFFFF000  }
0x1a6: {  	s8 =	sshll.u32 s19, $0xA;
	_ =	swait.ge @!p0 [sflag:s7], $0x1000  }
0x1a7: {  	s20 =	sand.u32 $0xC00, s18;
	s8 =	sadd.s32 $0x0, s8;
	[sflag:s7] =	ssyncset.done @!p0 $0x0  }
0x1a8: {  	s1 =	sand.u32 $0x380, s18;
	s17 =	sor.u32 $0x70, s8;
	[sflag:s7] =	ssyncadd.s32 @!p0 $0xFFFFF000  }
0x1a9: {  	s15 =	sor.u32 s1, s20;
	v5 =	vld [tilespmem:s17+$0x6580]  }
0x1aa: {  	s18 =	sor.u32 $0x60, s8;
	v9 =	vld [tilespmem:s15+$0x65A0]  }
0x1ab: {  	v6 =	vld [tilespmem:s18+$0x6580]  }
0x1ac: {  	s21 =	simm.s32 $0x1;
	v7 =	vld [tilespmem:s15+$0x6580]  }
0x1ad: {  	s1 =	sand.u32 $0x3, s21;
	v8 =	vld [tilespmem:s15+$0x6590]  }
0x1ae: {  	s1 =	sshll.u32 s1, $0xA;
	v10 =	vld [tilespmem:s15+$0x65B0]  }
0x1af: {  	s26 =	simm.s32 $0x20;
	s22 =	sadd.s32 $0x20, s1;
	s7 =	simm.s32 $0x400;
	v11 =	vld [tilespmem:s15+$0x65C0];
	v9 =	vshll.u32 v9, $0x4  }
0x1b0: {  	s20 =	sand.u32 $0x380, s26;
	s30 =	sor.u32 $0x60, s22;
	v12 =	vld [tilespmem:s15+$0x65D0];
	s19 =	sand.u32 $0xC00, s7;
	v9 =	vor.u32 v4, v9  }
0x1b1: {  	v14 =	vld [tilespmem:s30+$0x6580];
	s8 =	sor.u32 s20, s19;
	v5 =	vshll.u32 v5, $0x4  }
0x1b2: {  	v15 =	vld [tilespmem:s8+$0x6580];
	v6 =	vshll.u32 v6, $0x4;
	v5 =	vor.u32 v4, v5  }
0x1b3: {  	v16 =	vld [tilespmem:s8+$0x6590];
	v7 =	vshll.u32 v7, $0x4;
	v6 =	vor.u32 v4, v6  }
0x1b4: {  	v17 =	vld [tilespmem:s8+$0x65A0];
	v8 =	vshll.u32 v8, $0x4;
	v7 =	vor.u32 v4, v7  }
0x1b5: {  	s1 =	sor.u32 $0x70, s22;
	v8 =	vor.u32 v4, v8;
	v13 =	vld.idx.msk [tilespmem:v9+s0+$0x0], $0xffff  }
0x1b6: {  	v9 =	vld [tilespmem:s1+$0x6580]  }
0x1b7: {  	v5 =	vld.idx.msk [tilespmem:v5+s0+$0x0], $0xffff  }
0x1b8: {  	v10 =	vshll.u32 v10, $0x4;
	v6 =	vld.idx.msk [tilespmem:v6+s0+$0x0], $0xffff  }
0x1b9: {  	v11 =	vshll.u32 v11, $0x4;
	v10 =	vor.u32 v4, v10;
	v7 =	vld.idx.msk [tilespmem:v7+s0+$0x0], $0xffff  }
0x1ba: {  	v12 =	vshll.u32 v12, $0x4;
	v11 =	vor.u32 v4, v11;
	v8 =	vld.idx.msk [tilespmem:v8+s0+$0x0], $0xffff  }
0x1bb: {  	v19 =	vld [tilespmem:s8+$0x65B0];
	v18 =	vor.u32 v4, v12;
	v9 =	vshll.u32 v9, $0x4  }
0x1bc: {  	v20 =	vld [tilespmem:s8+$0x65C0];
	[tilespmem:s17+$0xE580] =	vst v5;
	v5 =	vshll.u32 v14, $0x4;
	v21 =	vor.u32 v4, v9  }
0x1bd: {  	v12 =	vshll.u32 v15, $0x4;
	[tilespmem:s18+$0xE580] =	vst v6;
	v9 =	vld [tilespmem:s8+$0x65D0];
	v14 =	vor.u32 v4, v5  }
0x1be: {  	v12 =	vor.u32 v4, v12;
	v6 =	vld.idx.msk [tilespmem:v10+s0+$0x0], $0xffff;
	[tilespmem:s15+$0xE580] =	vst v7;
	v5 =	vshll.u32 v16, $0x4  }
0x1bf: {  	v7 =	vld.idx.msk [tilespmem:v11+s0+$0x0], $0xffff;
	[tilespmem:s15+$0xE590] =	vst v8;
	v10 =	vor.u32 v4, v5;
	v5 =	vshll.u32 v17, $0x4  }
0x1c0: {  	v11 =	vshll.u32 v19, $0x4;
	v8 =	vld.idx.msk [tilespmem:v18+s0+$0x0], $0xffff;
	[tilespmem:s15+$0xE5A0] =	vst v13;
	v13 =	vor.u32 v4, v5  }
0x1c1: {  	s19 =	simm.s32 $0x2;
	v15 =	vshll.u32 v20, $0x4;
	s17 =	sor.u32 $0x2, s11;
	s18 =	simm.s32 $0x8;
	v5 =	vor.u32 v4, v11;
	v11 =	vld.idx.msk [tilespmem:v21+s0+$0x0], $0xffff  }
.LBB2_11:
0x1c2: {  	s20 =	sand.u32 $0x3, s19;
	s18 =	sadd.s32 $0x8, s18;
	v15 =	vor.u32 v4, v15;
	v9 =	vshll.u32 v9, $0x4;
	v14 =	vld.idx.msk [tilespmem:v14+s0+$0x0], $0xffff;
	s7 =	sadd.s32 $0x400, s7  }
0x1c3: {  	s26 =	sadd.s32 $0x20, s26;
	s20 =	sshll.u32 s20, $0xA;
	p2 =	slt.u32 s18, $0xF8;
	v12 =	vld.idx.msk [tilespmem:v12+s0+$0x0], $0xffff;
	v16 =	vor.u32 v4, v9  }
0x1c4: {  	s21 =	sand.u32 $0xC00, s7;
	s22 =	sand.u32 $0x380, s26;
	s20 =	sadd.s32 s20, s26;
	v9 =	vld.idx.msk [tilespmem:v10+s0+$0x0], $0xffff;
	[tilespmem:s15+$0xE5B0] =	vst v6  }
0x1c5: {  	s21 =	sor.u32 s22, s21;
	s22 =	sor.u32 $0x60, s20;
	s20 =	sor.u32 $0x70, s20;
	v6 =	vld.idx.msk [tilespmem:v13+s0+$0x0], $0xffff;
	[tilespmem:s15+$0xE5C0] =	vst v7  }
0x1c6: {  	v7 =	vld [tilespmem:s20+$0x6580];
	[tilespmem:s15+$0xE5D0] =	vst v8;
	s15 =	smov.u32 s8;
	s8 =	smov.u32 s21  }
0x1c7: {  	v8 =	vld [tilespmem:s22+$0x6580];
	[tilespmem:s1+$0xE580] =	vst v11;
	s1 =	smov.u32 s20  }
0x1c8: {  	v10 =	vld [tilespmem:s8+$0x6580];
	[tilespmem:s30+$0xE580] =	vst v14;
	s30 =	smov.u32 s22  }
0x1c9: {  	v11 =	vld [tilespmem:s8+$0x6590];
	[tilespmem:s15+$0xE580] =	vst v12  }
0x1ca: {  	v13 =	vld [tilespmem:s8+$0x65A0];
	[tilespmem:s15+$0xE590] =	vst v9  }
0x1cb: {  	v17 =	vld [tilespmem:s8+$0x65B0];
	v7 =	vshll.u32 v7, $0x4;
	[tilespmem:s15+$0xE5A0] =	vst v6  }
0x1cc: {  	v18 =	vld [tilespmem:s8+$0x65C0];
	v6 =	vshll.u32 v8, $0x4;
	v19 =	vor.u32 v4, v7  }
.Ltmp6:
0x1cd: {  	v7 =	vshll.u32 v10, $0x4;
	v9 =	vld [tilespmem:s8+$0x65D0];
	v14 =	vor.u32 v4, v6;
	(pc) =	sbr.rel @p2 .LBB2_11-.Ltmp6, $4  }
0x1ce: {  	v12 =	vor.u32 v4, v7;
	v7 =	vshll.u32 v11, $0x4;
	v6 =	vld.idx.msk [tilespmem:v5+s0+$0x0], $0xffff  }
0x1cf: {  	v10 =	vor.u32 v4, v7;
	v5 =	vshll.u32 v13, $0x4;
	v7 =	vld.idx.msk [tilespmem:v15+s0+$0x0], $0xffff  }
0x1d0: {  	v13 =	vor.u32 v4, v5;
	v5 =	vshll.u32 v17, $0x4;
	v8 =	vld.idx.msk [tilespmem:v16+s0+$0x0], $0xffff  }
0x1d1: {  	s19 =	sadd.s32 $0x1, s19;
	v5 =	vor.u32 v4, v5;
	v15 =	vshll.u32 v18, $0x4;
	v11 =	vld.idx.msk [tilespmem:v19+s0+$0x0], $0xffff  }
0x1d2: {  	_ =	sdelay $0x3  }
0x1d3: {  	v15 =	vor.u32 v4, v15;
	v9 =	vshll.u32 v9, $0x4;
	v14 =	vld.idx.msk [tilespmem:v14+s0+$0x0], $0xffff  }
0x1d4: {  	v12 =	vld.idx.msk [tilespmem:v12+s0+$0x0], $0xffff;
	v9 =	vor.u32 v4, v9;
	[tilespmem:s15+$0xE5B0] =	vst v6  }
0x1d5: {  	v5 =	vld.idx.msk [tilespmem:v5+s0+$0x0], $0xffff;
	[tilespmem:s15+$0xE5C0] =	vst v7  }
0x1d6: {  	v6 =	vld.idx.msk [tilespmem:v10+s0+$0x0], $0xffff;
	[tilespmem:s15+$0xE5D0] =	vst v8  }
0x1d7: {  	v7 =	vld.idx.msk [tilespmem:v13+s0+$0x0], $0xffff;
	[tilespmem:s1+$0xE580] =	vst v11  }
0x1d8: {  	[tilespmem:s30+$0xE580] =	vst v14;
	v8 =	vld.idx.msk [tilespmem:v15+s0+$0x0], $0xffff  }
0x1d9: {  	[tilespmem:s8+$0xE580] =	vst v12;
	v9 =	vld.idx.msk [tilespmem:v9+s0+$0x0], $0xffff  }
0x1da: {  	[tilespmem:s8+$0xE5B0] =	vst v5  }
0x1db: {  	s17 =	sadd.s32 s16, s17;
	[tilespmem:s8+$0xE590] =	vst v6  }
0x1dc: {  	s1 =	sshll.u32 s17, $0x9;
	[tilespmem:s8+$0xE5A0] =	vst v7  }
0x1dd: {  	s1 =	sand.u32 $0x1FFFF400, s1;
	[tilespmem:s8+$0xE5C0] =	vst v8  }
0x1de: {  	s7 =	simm.s32 $0xE580;
	s1 =	sadd.s32 s5, s1;
	[tilespmem:s8+$0xE5D0] =	vst v9  }
0x1df: {  	[hbm4b:s1+s6] =	stream.linear.scatter [tilespmem:s7], [sflag:$0xB], $0x1000, $0x38;
	[tilespmem:$0x14600] =	vst v63  }
0x1e0: {  	s1 =	rddreg [dreg:$0x10]  }
0x1e1: {  	s1 =	sadd.s32 @!p1 s11, s1  }
0x1e2: {  	s1 =	sshll.u32 @!p1 s1, $0x9  }
0x1e3: {  	s1 =	sand.u32 @!p1 $0x1FFFF400, s1  }
0x1e4: {  	s8 =	simm.s32 @!p1 $0x6580;
	s7 =	simm.s32 @!p1 $0x0;
	s1 =	sadd.s32 @!p1 s4, s1  }
0x1e5: {  	[tilespmem:s8], [sflag:$0x3] =	stream.linear.gather @!p1 [hbm4b:s1+s7], $0x1000, $0x38;
	[tilespmem:$0x14600] =	vst v63  }
0x1e6: {  	_ =	swait.ge [sflag:s12], $0x1000  }
0x1e7: {  	s18 =	simm.s32 $0x0;
	[sflag:s12] =	ssyncset.done $0x0  }
0x1e8: {  	s19 =	sand.u32 $0x3, s18;
	s7 =	simm.s32 @!p0 $0xC;
	[sflag:s12] =	ssyncadd.s32 $0xFFFFF000  }
0x1e9: {  	s8 =	sshll.u32 s19, $0xA;
	_ =	swait.ge @!p0 [sflag:s7], $0x1000  }
0x1ea: {  	s20 =	sand.u32 $0xC00, s18;
	s8 =	sadd.s32 $0x0, s8;
	[sflag:s7] =	ssyncset.done @!p0 $0x0  }
0x1eb: {  	s1 =	sand.u32 $0x380, s18;
	s17 =	sor.u32 $0x70, s8;
	[sflag:s7] =	ssyncadd.s32 @!p0 $0xFFFFF000  }
0x1ec: {  	s15 =	sor.u32 s1, s20;
	v5 =	vld [tilespmem:s17+$0x7580]  }
0x1ed: {  	s18 =	sor.u32 $0x60, s8;
	v9 =	vld [tilespmem:s15+$0x75A0]  }
0x1ee: {  	v6 =	vld [tilespmem:s18+$0x7580]  }
0x1ef: {  	s21 =	simm.s32 $0x1;
	v7 =	vld [tilespmem:s15+$0x7580]  }
0x1f0: {  	s1 =	sand.u32 $0x3, s21;
	v8 =	vld [tilespmem:s15+$0x7590]  }
0x1f1: {  	s1 =	sshll.u32 s1, $0xA;
	v10 =	vld [tilespmem:s15+$0x75B0]  }
0x1f2: {  	s26 =	simm.s32 $0x20;
	s22 =	sadd.s32 $0x20, s1;
	s7 =	simm.s32 $0x400;
	v11 =	vld [tilespmem:s15+$0x75C0];
	v9 =	vshll.u32 v9, $0x4  }
0x1f3: {  	s20 =	sand.u32 $0x380, s26;
	s30 =	sor.u32 $0x60, s22;
	v12 =	vld [tilespmem:s15+$0x75D0];
	s19 =	sand.u32 $0xC00, s7;
	v9 =	vor.u32 v4, v9  }
0x1f4: {  	v14 =	vld [tilespmem:s30+$0x7580];
	s8 =	sor.u32 s20, s19;
	v5 =	vshll.u32 v5, $0x4  }
0x1f5: {  	v15 =	vld [tilespmem:s8+$0x7580];
	v6 =	vshll.u32 v6, $0x4;
	v5 =	vor.u32 v4, v5  }
0x1f6: {  	v16 =	vld [tilespmem:s8+$0x7590];
	v7 =	vshll.u32 v7, $0x4;
	v6 =	vor.u32 v4, v6  }
0x1f7: {  	v17 =	vld [tilespmem:s8+$0x75A0];
	v8 =	vshll.u32 v8, $0x4;
	v7 =	vor.u32 v4, v7  }
0x1f8: {  	s1 =	sor.u32 $0x70, s22;
	v8 =	vor.u32 v4, v8;
	v13 =	vld.idx.msk [tilespmem:v9+s0+$0x0], $0xffff  }
0x1f9: {  	v9 =	vld [tilespmem:s1+$0x7580]  }
0x1fa: {  	v5 =	vld.idx.msk [tilespmem:v5+s0+$0x0], $0xffff  }
0x1fb: {  	v10 =	vshll.u32 v10, $0x4;
	v6 =	vld.idx.msk [tilespmem:v6+s0+$0x0], $0xffff  }
0x1fc: {  	v11 =	vshll.u32 v11, $0x4;
	v10 =	vor.u32 v4, v10;
	v7 =	vld.idx.msk [tilespmem:v7+s0+$0x0], $0xffff  }
0x1fd: {  	v12 =	vshll.u32 v12, $0x4;
	v11 =	vor.u32 v4, v11;
	v8 =	vld.idx.msk [tilespmem:v8+s0+$0x0], $0xffff  }
0x1fe: {  	v19 =	vld [tilespmem:s8+$0x75B0];
	v18 =	vor.u32 v4, v12;
	v9 =	vshll.u32 v9, $0x4  }
0x1ff: {  	v20 =	vld [tilespmem:s8+$0x75C0];
	[tilespmem:s17+$0xF580] =	vst v5;
	v5 =	vshll.u32 v14, $0x4;
	v21 =	vor.u32 v4, v9  }
0x200: {  	v12 =	vshll.u32 v15, $0x4;
	[tilespmem:s18+$0xF580] =	vst v6;
	v9 =	vld [tilespmem:s8+$0x75D0];
	v14 =	vor.u32 v4, v5  }
0x201: {  	v12 =	vor.u32 v4, v12;
	v6 =	vld.idx.msk [tilespmem:v10+s0+$0x0], $0xffff;
	[tilespmem:s15+$0xF580] =	vst v7;
	v5 =	vshll.u32 v16, $0x4  }
0x202: {  	v7 =	vld.idx.msk [tilespmem:v11+s0+$0x0], $0xffff;
	[tilespmem:s15+$0xF590] =	vst v8;
	v10 =	vor.u32 v4, v5;
	v5 =	vshll.u32 v17, $0x4  }
0x203: {  	v11 =	vshll.u32 v19, $0x4;
	v8 =	vld.idx.msk [tilespmem:v18+s0+$0x0], $0xffff;
	[tilespmem:s15+$0xF5A0] =	vst v13;
	v13 =	vor.u32 v4, v5  }
0x204: {  	s19 =	simm.s32 $0x2;
	v15 =	vshll.u32 v20, $0x4;
	s17 =	sor.u32 $0x3, s11;
	s18 =	simm.s32 $0x8;
	v5 =	vor.u32 v4, v11;
	v11 =	vld.idx.msk [tilespmem:v21+s0+$0x0], $0xffff  }
.LBB2_13:
0x205: {  	s20 =	sand.u32 $0x3, s19;
	s18 =	sadd.s32 $0x8, s18;
	v15 =	vor.u32 v4, v15;
	v9 =	vshll.u32 v9, $0x4;
	v14 =	vld.idx.msk [tilespmem:v14+s0+$0x0], $0xffff;
	s7 =	sadd.s32 $0x400, s7  }
0x206: {  	s26 =	sadd.s32 $0x20, s26;
	s20 =	sshll.u32 s20, $0xA;
	p2 =	slt.u32 s18, $0xF8;
	v12 =	vld.idx.msk [tilespmem:v12+s0+$0x0], $0xffff;
	v16 =	vor.u32 v4, v9  }
0x207: {  	s21 =	sand.u32 $0xC00, s7;
	s22 =	sand.u32 $0x380, s26;
	s20 =	sadd.s32 s20, s26;
	v9 =	vld.idx.msk [tilespmem:v10+s0+$0x0], $0xffff;
	[tilespmem:s15+$0xF5B0] =	vst v6  }
0x208: {  	s21 =	sor.u32 s22, s21;
	s22 =	sor.u32 $0x60, s20;
	s20 =	sor.u32 $0x70, s20;
	v6 =	vld.idx.msk [tilespmem:v13+s0+$0x0], $0xffff;
	[tilespmem:s15+$0xF5C0] =	vst v7  }
0x209: {  	v7 =	vld [tilespmem:s20+$0x7580];
	[tilespmem:s15+$0xF5D0] =	vst v8;
	s15 =	smov.u32 s8;
	s8 =	smov.u32 s21  }
0x20a: {  	v8 =	vld [tilespmem:s22+$0x7580];
	[tilespmem:s1+$0xF580] =	vst v11;
	s1 =	smov.u32 s20  }
0x20b: {  	v10 =	vld [tilespmem:s8+$0x7580];
	[tilespmem:s30+$0xF580] =	vst v14;
	s30 =	smov.u32 s22  }
0x20c: {  	v11 =	vld [tilespmem:s8+$0x7590];
	[tilespmem:s15+$0xF580] =	vst v12  }
0x20d: {  	v13 =	vld [tilespmem:s8+$0x75A0];
	[tilespmem:s15+$0xF590] =	vst v9  }
0x20e: {  	v17 =	vld [tilespmem:s8+$0x75B0];
	v7 =	vshll.u32 v7, $0x4;
	[tilespmem:s15+$0xF5A0] =	vst v6  }
0x20f: {  	v18 =	vld [tilespmem:s8+$0x75C0];
	v6 =	vshll.u32 v8, $0x4;
	v19 =	vor.u32 v4, v7  }
.Ltmp7:
0x210: {  	v7 =	vshll.u32 v10, $0x4;
	v9 =	vld [tilespmem:s8+$0x75D0];
	v14 =	vor.u32 v4, v6;
	(pc) =	sbr.rel @p2 .LBB2_13-.Ltmp7, $4  }
0x211: {  	v12 =	vor.u32 v4, v7;
	v7 =	vshll.u32 v11, $0x4;
	v6 =	vld.idx.msk [tilespmem:v5+s0+$0x0], $0xffff  }
0x212: {  	v10 =	vor.u32 v4, v7;
	v5 =	vshll.u32 v13, $0x4;
	v7 =	vld.idx.msk [tilespmem:v15+s0+$0x0], $0xffff  }
0x213: {  	v13 =	vor.u32 v4, v5;
	v5 =	vshll.u32 v17, $0x4;
	v8 =	vld.idx.msk [tilespmem:v16+s0+$0x0], $0xffff  }
0x214: {  	s19 =	sadd.s32 $0x1, s19;
	v5 =	vor.u32 v4, v5;
	v15 =	vshll.u32 v18, $0x4;
	v11 =	vld.idx.msk [tilespmem:v19+s0+$0x0], $0xffff  }
0x215: {  	_ =	sdelay $0x3  }
0x216: {  	v15 =	vor.u32 v4, v15;
	v9 =	vshll.u32 v9, $0x4;
	v14 =	vld.idx.msk [tilespmem:v14+s0+$0x0], $0xffff  }
0x217: {  	v12 =	vld.idx.msk [tilespmem:v12+s0+$0x0], $0xffff;
	v9 =	vor.u32 v4, v9;
	[tilespmem:s15+$0xF5B0] =	vst v6  }
0x218: {  	v5 =	vld.idx.msk [tilespmem:v5+s0+$0x0], $0xffff;
	[tilespmem:s15+$0xF5C0] =	vst v7  }
0x219: {  	v6 =	vld.idx.msk [tilespmem:v10+s0+$0x0], $0xffff;
	[tilespmem:s15+$0xF5D0] =	vst v8  }
0x21a: {  	v7 =	vld.idx.msk [tilespmem:v13+s0+$0x0], $0xffff;
	[tilespmem:s1+$0xF580] =	vst v11  }
0x21b: {  	[tilespmem:s30+$0xF580] =	vst v14;
	v8 =	vld.idx.msk [tilespmem:v15+s0+$0x0], $0xffff  }
0x21c: {  	[tilespmem:s8+$0xF580] =	vst v12;
	v9 =	vld.idx.msk [tilespmem:v9+s0+$0x0], $0xffff  }
0x21d: {  	[tilespmem:s8+$0xF5B0] =	vst v5  }
0x21e: {  	[tilespmem:s8+$0xF590] =	vst v6  }
0x21f: {  	s17 =	sadd.s32 s16, s17;
	[tilespmem:s8+$0xF5A0] =	vst v7  }
0x220: {  	s1 =	sshll.u32 s17, $0x9;
	[tilespmem:s8+$0xF5C0] =	vst v8  }
0x221: {  	s7 =	simm.s32 $0xF580;
	s1 =	sadd.s32 s5, s1;
	[tilespmem:s8+$0xF5D0] =	vst v9  }
0x222: {  	[hbm4b:s1+s6] =	stream.linear.scatter [tilespmem:s7], [sflag:$0xC], $0x1000, $0x38;
	[tilespmem:$0x14600] =	vst v63  }
0x223: {  	s1 =	rddreg [dreg:$0x11]  }
0x224: {  	s1 =	sadd.s32 @!p1 s11, s1  }
0x225: {  	s1 =	sshll.u32 @!p1 s1, $0x9  }
0x226: {  	s8 =	simm.s32 @!p1 $0x7580;
	s7 =	simm.s32 @!p1 $0x0;
	s1 =	sadd.s32 @!p1 s4, s1  }
0x227: {  	[tilespmem:s8], [sflag:$0x4] =	stream.linear.gather @!p1 [hbm4b:s1+s7], $0x1000, $0x38;
	[tilespmem:$0x14600] =	vst v63  }
0x228: {  	_ =	swait.ge [sflag:s14], $0x1000  }
0x229: {  	s18 =	simm.s32 $0x0;
	[sflag:s14] =	ssyncset.done $0x0  }
0x22a: {  	s19 =	sand.u32 $0x3, s18;
	s7 =	simm.s32 @!p0 $0xD;
	[sflag:s14] =	ssyncadd.s32 $0xFFFFF000  }
0x22b: {  	s8 =	sshll.u32 s19, $0xA;
	_ =	swait.ge @!p0 [sflag:s7], $0x1000  }
0x22c: {  	s20 =	sand.u32 $0xC00, s18;
	s8 =	sadd.s32 $0x0, s8;
	[sflag:s7] =	ssyncset.done @!p0 $0x0  }
0x22d: {  	s1 =	sand.u32 $0x380, s18;
	s17 =	sor.u32 $0x70, s8;
	[sflag:s7] =	ssyncadd.s32 @!p0 $0xFFFFF000  }
0x22e: {  	s15 =	sor.u32 s1, s20;
	v5 =	vld [tilespmem:s17+$0x8580]  }
0x22f: {  	s18 =	sor.u32 $0x60, s8;
	v9 =	vld [tilespmem:s15+$0x85A0]  }
0x230: {  	v6 =	vld [tilespmem:s18+$0x8580]  }
0x231: {  	s21 =	simm.s32 $0x1;
	v7 =	vld [tilespmem:s15+$0x8580]  }
0x232: {  	s1 =	sand.u32 $0x3, s21;
	v8 =	vld [tilespmem:s15+$0x8590]  }
0x233: {  	s1 =	sshll.u32 s1, $0xA;
	v10 =	vld [tilespmem:s15+$0x85B0]  }
0x234: {  	s26 =	simm.s32 $0x20;
	s22 =	sadd.s32 $0x20, s1;
	s7 =	simm.s32 $0x400;
	v11 =	vld [tilespmem:s15+$0x85C0];
	v9 =	vshll.u32 v9, $0x4  }
0x235: {  	s20 =	sand.u32 $0x380, s26;
	s30 =	sor.u32 $0x60, s22;
	v12 =	vld [tilespmem:s15+$0x85D0];
	s19 =	sand.u32 $0xC00, s7;
	v9 =	vor.u32 v4, v9  }
0x236: {  	v14 =	vld [tilespmem:s30+$0x8580];
	s8 =	sor.u32 s20, s19;
	v5 =	vshll.u32 v5, $0x4  }
0x237: {  	v15 =	vld [tilespmem:s8+$0x8580];
	v6 =	vshll.u32 v6, $0x4;
	v5 =	vor.u32 v4, v5  }
0x238: {  	v16 =	vld [tilespmem:s8+$0x8590];
	v7 =	vshll.u32 v7, $0x4;
	v6 =	vor.u32 v4, v6  }
0x239: {  	v17 =	vld [tilespmem:s8+$0x85A0];
	v8 =	vshll.u32 v8, $0x4;
	v7 =	vor.u32 v4, v7  }
0x23a: {  	s1 =	sor.u32 $0x70, s22;
	v8 =	vor.u32 v4, v8;
	v13 =	vld.idx.msk [tilespmem:v9+s0+$0x0], $0xffff  }
0x23b: {  	v9 =	vld [tilespmem:s1+$0x8580]  }
0x23c: {  	v5 =	vld.idx.msk [tilespmem:v5+s0+$0x0], $0xffff  }
0x23d: {  	v10 =	vshll.u32 v10, $0x4;
	v6 =	vld.idx.msk [tilespmem:v6+s0+$0x0], $0xffff  }
0x23e: {  	v11 =	vshll.u32 v11, $0x4;
	v10 =	vor.u32 v4, v10;
	v7 =	vld.idx.msk [tilespmem:v7+s0+$0x0], $0xffff  }
0x23f: {  	v12 =	vshll.u32 v12, $0x4;
	v11 =	vor.u32 v4, v11;
	v8 =	vld.idx.msk [tilespmem:v8+s0+$0x0], $0xffff  }
0x240: {  	v19 =	vld [tilespmem:s8+$0x85B0];
	v18 =	vor.u32 v4, v12;
	v9 =	vshll.u32 v9, $0x4  }
0x241: {  	v20 =	vld [tilespmem:s8+$0x85C0];
	[tilespmem:s17+$0x10580] =	vst v5;
	v5 =	vshll.u32 v14, $0x4;
	v21 =	vor.u32 v4, v9  }
0x242: {  	v12 =	vshll.u32 v15, $0x4;
	[tilespmem:s18+$0x10580] =	vst v6;
	v9 =	vld [tilespmem:s8+$0x85D0];
	v14 =	vor.u32 v4, v5  }
0x243: {  	v12 =	vor.u32 v4, v12;
	v6 =	vld.idx.msk [tilespmem:v10+s0+$0x0], $0xffff;
	[tilespmem:s15+$0x10580] =	vst v7;
	v5 =	vshll.u32 v16, $0x4  }
0x244: {  	v7 =	vld.idx.msk [tilespmem:v11+s0+$0x0], $0xffff;
	[tilespmem:s15+$0x10590] =	vst v8;
	v10 =	vor.u32 v4, v5;
	v5 =	vshll.u32 v17, $0x4  }
0x245: {  	v11 =	vshll.u32 v19, $0x4;
	v8 =	vld.idx.msk [tilespmem:v18+s0+$0x0], $0xffff;
	[tilespmem:s15+$0x105A0] =	vst v13;
	v13 =	vor.u32 v4, v5  }
0x246: {  	s19 =	simm.s32 $0x2;
	v15 =	vshll.u32 v20, $0x4;
	s17 =	sor.u32 $0x4, s11;
	s18 =	simm.s32 $0x8;
	v5 =	vor.u32 v4, v11;
	v11 =	vld.idx.msk [tilespmem:v21+s0+$0x0], $0xffff  }
.LBB2_15:
0x247: {  	s20 =	sand.u32 $0x3, s19;
	s18 =	sadd.s32 $0x8, s18;
	v15 =	vor.u32 v4, v15;
	v9 =	vshll.u32 v9, $0x4;
	v14 =	vld.idx.msk [tilespmem:v14+s0+$0x0], $0xffff;
	s7 =	sadd.s32 $0x400, s7  }
0x248: {  	s26 =	sadd.s32 $0x20, s26;
	s20 =	sshll.u32 s20, $0xA;
	p2 =	slt.u32 s18, $0xF8;
	v12 =	vld.idx.msk [tilespmem:v12+s0+$0x0], $0xffff;
	v16 =	vor.u32 v4, v9  }
0x249: {  	s21 =	sand.u32 $0xC00, s7;
	s22 =	sand.u32 $0x380, s26;
	s20 =	sadd.s32 s20, s26;
	v9 =	vld.idx.msk [tilespmem:v10+s0+$0x0], $0xffff;
	[tilespmem:s15+$0x105B0] =	vst v6  }
0x24a: {  	s21 =	sor.u32 s22, s21;
	s22 =	sor.u32 $0x60, s20;
	s20 =	sor.u32 $0x70, s20;
	v6 =	vld.idx.msk [tilespmem:v13+s0+$0x0], $0xffff;
	[tilespmem:s15+$0x105C0] =	vst v7  }
0x24b: {  	v7 =	vld [tilespmem:s20+$0x8580];
	[tilespmem:s15+$0x105D0] =	vst v8;
	s15 =	smov.u32 s8;
	s8 =	smov.u32 s21  }
0x24c: {  	v8 =	vld [tilespmem:s22+$0x8580];
	[tilespmem:s1+$0x10580] =	vst v11;
	s1 =	smov.u32 s20  }
0x24d: {  	v10 =	vld [tilespmem:s8+$0x8580];
	[tilespmem:s30+$0x10580] =	vst v14;
	s30 =	smov.u32 s22  }
0x24e: {  	v11 =	vld [tilespmem:s8+$0x8590];
	[tilespmem:s15+$0x10580] =	vst v12  }
0x24f: {  	v13 =	vld [tilespmem:s8+$0x85A0];
	[tilespmem:s15+$0x10590] =	vst v9  }
0x250: {  	v17 =	vld [tilespmem:s8+$0x85B0];
	v7 =	vshll.u32 v7, $0x4;
	[tilespmem:s15+$0x105A0] =	vst v6  }
0x251: {  	v18 =	vld [tilespmem:s8+$0x85C0];
	v6 =	vshll.u32 v8, $0x4;
	v19 =	vor.u32 v4, v7  }
.Ltmp8:
0x252: {  	v7 =	vshll.u32 v10, $0x4;
	v9 =	vld [tilespmem:s8+$0x85D0];
	v14 =	vor.u32 v4, v6;
	(pc) =	sbr.rel @p2 .LBB2_15-.Ltmp8, $4  }
0x253: {  	v12 =	vor.u32 v4, v7;
	v7 =	vshll.u32 v11, $0x4;
	v6 =	vld.idx.msk [tilespmem:v5+s0+$0x0], $0xffff  }
0x254: {  	v10 =	vor.u32 v4, v7;
	v5 =	vshll.u32 v13, $0x4;
	v7 =	vld.idx.msk [tilespmem:v15+s0+$0x0], $0xffff  }
0x255: {  	v13 =	vor.u32 v4, v5;
	v5 =	vshll.u32 v17, $0x4;
	v8 =	vld.idx.msk [tilespmem:v16+s0+$0x0], $0xffff  }
0x256: {  	s19 =	sadd.s32 $0x1, s19;
	v5 =	vor.u32 v4, v5;
	v15 =	vshll.u32 v18, $0x4;
	v11 =	vld.idx.msk [tilespmem:v19+s0+$0x0], $0xffff  }
0x257: {  	_ =	sdelay $0x3  }
0x258: {  	v15 =	vor.u32 v4, v15;
	v9 =	vshll.u32 v9, $0x4;
	v14 =	vld.idx.msk [tilespmem:v14+s0+$0x0], $0xffff  }
0x259: {  	v12 =	vld.idx.msk [tilespmem:v12+s0+$0x0], $0xffff;
	v9 =	vor.u32 v4, v9;
	[tilespmem:s15+$0x105B0] =	vst v6  }
0x25a: {  	v5 =	vld.idx.msk [tilespmem:v5+s0+$0x0], $0xffff;
	[tilespmem:s15+$0x105C0] =	vst v7  }
0x25b: {  	v6 =	vld.idx.msk [tilespmem:v10+s0+$0x0], $0xffff;
	[tilespmem:s15+$0x105D0] =	vst v8  }
0x25c: {  	v7 =	vld.idx.msk [tilespmem:v13+s0+$0x0], $0xffff;
	[tilespmem:s1+$0x10580] =	vst v11  }
0x25d: {  	[tilespmem:s30+$0x10580] =	vst v14;
	v8 =	vld.idx.msk [tilespmem:v15+s0+$0x0], $0xffff  }
0x25e: {  	[tilespmem:s8+$0x10580] =	vst v12;
	v9 =	vld.idx.msk [tilespmem:v9+s0+$0x0], $0xffff  }
0x25f: {  	[tilespmem:s8+$0x105B0] =	vst v5  }
0x260: {  	s17 =	sadd.s32 s16, s17;
	[tilespmem:s8+$0x10590] =	vst v6  }
0x261: {  	s1 =	sshll.u32 s17, $0x9;
	[tilespmem:s8+$0x105A0] =	vst v7  }
0x262: {  	s1 =	sand.u32 $0x1FFFF800, s1;
	[tilespmem:s8+$0x105C0] =	vst v8  }
0x263: {  	s7 =	simm.s32 $0x10580;
	s1 =	sadd.s32 s5, s1;
	[tilespmem:s8+$0x105D0] =	vst v9  }
0x264: {  	[hbm4b:s1+s6] =	stream.linear.scatter [tilespmem:s7], [sflag:$0xD], $0x1000, $0x38;
	[tilespmem:$0x14600] =	vst v63  }
0x265: {  	s1 =	rddreg [dreg:$0x12]  }
0x266: {  	s1 =	sadd.s32 @!p1 s11, s1  }
0x267: {  	s1 =	sshll.u32 @!p1 s1, $0x9  }
0x268: {  	s1 =	sand.u32 @!p1 $0x1FFFF800, s1  }
0x269: {  	s8 =	simm.s32 @!p1 $0x8580;
	s7 =	simm.s32 @!p1 $0x0;
	s1 =	sadd.s32 @!p1 s4, s1  }
0x26a: {  	[tilespmem:s8], [sflag:$0x5] =	stream.linear.gather @!p1 [hbm4b:s1+s7], $0x1000, $0x38;
	[tilespmem:$0x14600] =	vst v63  }
0x26b: {  	_ =	swait.ge [sflag:s25], $0x1000  }
0x26c: {  	s18 =	simm.s32 $0x0;
	[sflag:s25] =	ssyncset.done $0x0  }
0x26d: {  	s19 =	sand.u32 $0x3, s18;
	s7 =	simm.s32 @!p0 $0xE;
	[sflag:s25] =	ssyncadd.s32 $0xFFFFF000  }
0x26e: {  	s8 =	sshll.u32 s19, $0xA;
	_ =	swait.ge @!p0 [sflag:s7], $0x1000  }
0x26f: {  	s20 =	sand.u32 $0xC00, s18;
	s8 =	sadd.s32 $0x0, s8;
	[sflag:s7] =	ssyncset.done @!p0 $0x0  }
0x270: {  	s1 =	sand.u32 $0x380, s18;
	s17 =	sor.u32 $0x70, s8;
	[sflag:s7] =	ssyncadd.s32 @!p0 $0xFFFFF000  }
0x271: {  	s15 =	sor.u32 s1, s20;
	v5 =	vld [tilespmem:s17+$0x9580]  }
0x272: {  	s18 =	sor.u32 $0x60, s8;
	v9 =	vld [tilespmem:s15+$0x95A0]  }
0x273: {  	v6 =	vld [tilespmem:s18+$0x9580]  }
0x274: {  	s21 =	simm.s32 $0x1;
	v7 =	vld [tilespmem:s15+$0x9580]  }
0x275: {  	s1 =	sand.u32 $0x3, s21;
	v8 =	vld [tilespmem:s15+$0x9590]  }
0x276: {  	s1 =	sshll.u32 s1, $0xA;
	v10 =	vld [tilespmem:s15+$0x95B0]  }
0x277: {  	s26 =	simm.s32 $0x20;
	s22 =	sadd.s32 $0x20, s1;
	s7 =	simm.s32 $0x400;
	v11 =	vld [tilespmem:s15+$0x95C0];
	v9 =	vshll.u32 v9, $0x4  }
0x278: {  	s20 =	sand.u32 $0x380, s26;
	s30 =	sor.u32 $0x60, s22;
	v12 =	vld [tilespmem:s15+$0x95D0];
	s19 =	sand.u32 $0xC00, s7;
	v9 =	vor.u32 v4, v9  }
0x279: {  	v14 =	vld [tilespmem:s30+$0x9580];
	s8 =	sor.u32 s20, s19;
	v5 =	vshll.u32 v5, $0x4  }
0x27a: {  	v15 =	vld [tilespmem:s8+$0x9580];
	v6 =	vshll.u32 v6, $0x4;
	v5 =	vor.u32 v4, v5  }
0x27b: {  	v16 =	vld [tilespmem:s8+$0x9590];
	v7 =	vshll.u32 v7, $0x4;
	v6 =	vor.u32 v4, v6  }
0x27c: {  	v17 =	vld [tilespmem:s8+$0x95A0];
	v8 =	vshll.u32 v8, $0x4;
	v7 =	vor.u32 v4, v7  }
0x27d: {  	s1 =	sor.u32 $0x70, s22;
	v8 =	vor.u32 v4, v8;
	v13 =	vld.idx.msk [tilespmem:v9+s0+$0x0], $0xffff  }
0x27e: {  	v9 =	vld [tilespmem:s1+$0x9580]  }
0x27f: {  	v5 =	vld.idx.msk [tilespmem:v5+s0+$0x0], $0xffff  }
0x280: {  	v10 =	vshll.u32 v10, $0x4;
	v6 =	vld.idx.msk [tilespmem:v6+s0+$0x0], $0xffff  }
0x281: {  	v11 =	vshll.u32 v11, $0x4;
	v10 =	vor.u32 v4, v10;
	v7 =	vld.idx.msk [tilespmem:v7+s0+$0x0], $0xffff  }
0x282: {  	v12 =	vshll.u32 v12, $0x4;
	v11 =	vor.u32 v4, v11;
	v8 =	vld.idx.msk [tilespmem:v8+s0+$0x0], $0xffff  }
0x283: {  	v19 =	vld [tilespmem:s8+$0x95B0];
	v18 =	vor.u32 v4, v12;
	v9 =	vshll.u32 v9, $0x4  }
0x284: {  	v20 =	vld [tilespmem:s8+$0x95C0];
	[tilespmem:s17+$0x11580] =	vst v5;
	v5 =	vshll.u32 v14, $0x4;
	v21 =	vor.u32 v4, v9  }
0x285: {  	v12 =	vshll.u32 v15, $0x4;
	[tilespmem:s18+$0x11580] =	vst v6;
	v9 =	vld [tilespmem:s8+$0x95D0];
	v14 =	vor.u32 v4, v5  }
0x286: {  	v12 =	vor.u32 v4, v12;
	v6 =	vld.idx.msk [tilespmem:v10+s0+$0x0], $0xffff;
	[tilespmem:s15+$0x11580] =	vst v7;
	v5 =	vshll.u32 v16, $0x4  }
0x287: {  	v7 =	vld.idx.msk [tilespmem:v11+s0+$0x0], $0xffff;
	[tilespmem:s15+$0x11590] =	vst v8;
	v10 =	vor.u32 v4, v5;
	v5 =	vshll.u32 v17, $0x4  }
0x288: {  	v11 =	vshll.u32 v19, $0x4;
	v8 =	vld.idx.msk [tilespmem:v18+s0+$0x0], $0xffff;
	[tilespmem:s15+$0x115A0] =	vst v13;
	v13 =	vor.u32 v4, v5  }
0x289: {  	s19 =	simm.s32 $0x2;
	v15 =	vshll.u32 v20, $0x4;
	s17 =	sor.u32 $0x5, s11;
	s18 =	simm.s32 $0x8;
	v5 =	vor.u32 v4, v11;
	v11 =	vld.idx.msk [tilespmem:v21+s0+$0x0], $0xffff  }
.LBB2_17:
0x28a: {  	s20 =	sand.u32 $0x3, s19;
	s18 =	sadd.s32 $0x8, s18;
	v15 =	vor.u32 v4, v15;
	v9 =	vshll.u32 v9, $0x4;
	v14 =	vld.idx.msk [tilespmem:v14+s0+$0x0], $0xffff;
	s7 =	sadd.s32 $0x400, s7  }
0x28b: {  	s26 =	sadd.s32 $0x20, s26;
	s20 =	sshll.u32 s20, $0xA;
	p2 =	slt.u32 s18, $0xF8;
	v12 =	vld.idx.msk [tilespmem:v12+s0+$0x0], $0xffff;
	v16 =	vor.u32 v4, v9  }
0x28c: {  	s21 =	sand.u32 $0xC00, s7;
	s22 =	sand.u32 $0x380, s26;
	s20 =	sadd.s32 s20, s26;
	v9 =	vld.idx.msk [tilespmem:v10+s0+$0x0], $0xffff;
	[tilespmem:s15+$0x115B0] =	vst v6  }
0x28d: {  	s21 =	sor.u32 s22, s21;
	s22 =	sor.u32 $0x60, s20;
	s20 =	sor.u32 $0x70, s20;
	v6 =	vld.idx.msk [tilespmem:v13+s0+$0x0], $0xffff;
	[tilespmem:s15+$0x115C0] =	vst v7  }
0x28e: {  	v7 =	vld [tilespmem:s20+$0x9580];
	[tilespmem:s15+$0x115D0] =	vst v8;
	s15 =	smov.u32 s8;
	s8 =	smov.u32 s21  }
0x28f: {  	v8 =	vld [tilespmem:s22+$0x9580];
	[tilespmem:s1+$0x11580] =	vst v11;
	s1 =	smov.u32 s20  }
0x290: {  	v10 =	vld [tilespmem:s8+$0x9580];
	[tilespmem:s30+$0x11580] =	vst v14;
	s30 =	smov.u32 s22  }
0x291: {  	v11 =	vld [tilespmem:s8+$0x9590];
	[tilespmem:s15+$0x11580] =	vst v12  }
0x292: {  	v13 =	vld [tilespmem:s8+$0x95A0];
	[tilespmem:s15+$0x11590] =	vst v9  }
0x293: {  	v17 =	vld [tilespmem:s8+$0x95B0];
	v7 =	vshll.u32 v7, $0x4;
	[tilespmem:s15+$0x115A0] =	vst v6  }
0x294: {  	v18 =	vld [tilespmem:s8+$0x95C0];
	v6 =	vshll.u32 v8, $0x4;
	v19 =	vor.u32 v4, v7  }
.Ltmp9:
0x295: {  	v7 =	vshll.u32 v10, $0x4;
	v9 =	vld [tilespmem:s8+$0x95D0];
	v14 =	vor.u32 v4, v6;
	(pc) =	sbr.rel @p2 .LBB2_17-.Ltmp9, $4  }
0x296: {  	v12 =	vor.u32 v4, v7;
	v7 =	vshll.u32 v11, $0x4;
	v6 =	vld.idx.msk [tilespmem:v5+s0+$0x0], $0xffff  }
0x297: {  	v10 =	vor.u32 v4, v7;
	v5 =	vshll.u32 v13, $0x4;
	v7 =	vld.idx.msk [tilespmem:v15+s0+$0x0], $0xffff  }
0x298: {  	v13 =	vor.u32 v4, v5;
	v5 =	vshll.u32 v17, $0x4;
	v8 =	vld.idx.msk [tilespmem:v16+s0+$0x0], $0xffff  }
0x299: {  	s19 =	sadd.s32 $0x1, s19;
	v5 =	vor.u32 v4, v5;
	v15 =	vshll.u32 v18, $0x4;
	v11 =	vld.idx.msk [tilespmem:v19+s0+$0x0], $0xffff  }
0x29a: {  	_ =	sdelay $0x3  }
0x29b: {  	v15 =	vor.u32 v4, v15;
	v9 =	vshll.u32 v9, $0x4;
	v14 =	vld.idx.msk [tilespmem:v14+s0+$0x0], $0xffff  }
0x29c: {  	v12 =	vld.idx.msk [tilespmem:v12+s0+$0x0], $0xffff;
	v9 =	vor.u32 v4, v9;
	[tilespmem:s15+$0x115B0] =	vst v6  }
0x29d: {  	v5 =	vld.idx.msk [tilespmem:v5+s0+$0x0], $0xffff;
	[tilespmem:s15+$0x115C0] =	vst v7  }
0x29e: {  	v6 =	vld.idx.msk [tilespmem:v10+s0+$0x0], $0xffff;
	[tilespmem:s15+$0x115D0] =	vst v8  }
0x29f: {  	v7 =	vld.idx.msk [tilespmem:v13+s0+$0x0], $0xffff;
	[tilespmem:s1+$0x11580] =	vst v11  }
0x2a0: {  	[tilespmem:s30+$0x11580] =	vst v14;
	v8 =	vld.idx.msk [tilespmem:v15+s0+$0x0], $0xffff  }
0x2a1: {  	[tilespmem:s8+$0x11580] =	vst v12;
	v9 =	vld.idx.msk [tilespmem:v9+s0+$0x0], $0xffff  }
0x2a2: {  	[tilespmem:s8+$0x115B0] =	vst v5  }
0x2a3: {  	[tilespmem:s8+$0x11590] =	vst v6  }
0x2a4: {  	s17 =	sadd.s32 s16, s17;
	[tilespmem:s8+$0x115A0] =	vst v7  }
0x2a5: {  	s1 =	sshll.u32 s17, $0x9;
	[tilespmem:s8+$0x115C0] =	vst v8  }
0x2a6: {  	s7 =	simm.s32 $0x11580;
	s1 =	sadd.s32 s5, s1;
	[tilespmem:s8+$0x115D0] =	vst v9  }
0x2a7: {  	[hbm4b:s1+s6] =	stream.linear.scatter [tilespmem:s7], [sflag:$0xE], $0x1000, $0x38;
	[tilespmem:$0x14600] =	vst v63  }
0x2a8: {  	s1 =	rddreg [dreg:$0x13]  }
0x2a9: {  	s1 =	sadd.s32 @!p1 s11, s1  }
0x2aa: {  	s1 =	sshll.u32 @!p1 s1, $0x9  }
0x2ab: {  	s8 =	simm.s32 @!p1 $0x9580;
	s7 =	simm.s32 @!p1 $0x0;
	s1 =	sadd.s32 @!p1 s4, s1  }
0x2ac: {  	[tilespmem:s8], [sflag:$0x6] =	stream.linear.gather @!p1 [hbm4b:s1+s7], $0x1000, $0x38;
	[tilespmem:$0x14600] =	vst v63  }
0x2ad: {  	_ =	swait.ge [sflag:s28], $0x1000  }
0x2ae: {  	s18 =	simm.s32 $0x0;
	[sflag:s28] =	ssyncset.done $0x0  }
0x2af: {  	s19 =	sand.u32 $0x3, s18;
	s7 =	simm.s32 @!p0 $0xF;
	[sflag:s28] =	ssyncadd.s32 $0xFFFFF000  }
0x2b0: {  	s8 =	sshll.u32 s19, $0xA;
	_ =	swait.ge @!p0 [sflag:s7], $0x1000  }
0x2b1: {  	s20 =	sand.u32 $0xC00, s18;
	s8 =	sadd.s32 $0x0, s8;
	[sflag:s7] =	ssyncset.done @!p0 $0x0  }
0x2b2: {  	s1 =	sand.u32 $0x380, s18;
	s17 =	sor.u32 $0x70, s8;
	[sflag:s7] =	ssyncadd.s32 @!p0 $0xFFFFF000  }
0x2b3: {  	s15 =	sor.u32 s1, s20;
	v5 =	vld [tilespmem:s17+$0xA580]  }
0x2b4: {  	s18 =	sor.u32 $0x60, s8;
	v9 =	vld [tilespmem:s15+$0xA5A0]  }
0x2b5: {  	v6 =	vld [tilespmem:s18+$0xA580]  }
0x2b6: {  	s21 =	simm.s32 $0x1;
	v7 =	vld [tilespmem:s15+$0xA580]  }
0x2b7: {  	s1 =	sand.u32 $0x3, s21;
	v8 =	vld [tilespmem:s15+$0xA590]  }
0x2b8: {  	s1 =	sshll.u32 s1, $0xA;
	v10 =	vld [tilespmem:s15+$0xA5B0]  }
0x2b9: {  	s26 =	simm.s32 $0x20;
	s22 =	sadd.s32 $0x20, s1;
	s7 =	simm.s32 $0x400;
	v11 =	vld [tilespmem:s15+$0xA5C0];
	v9 =	vshll.u32 v9, $0x4  }
0x2ba: {  	s20 =	sand.u32 $0x380, s26;
	s30 =	sor.u32 $0x60, s22;
	v12 =	vld [tilespmem:s15+$0xA5D0];
	s19 =	sand.u32 $0xC00, s7;
	v9 =	vor.u32 v4, v9  }
0x2bb: {  	v14 =	vld [tilespmem:s30+$0xA580];
	s8 =	sor.u32 s20, s19;
	v5 =	vshll.u32 v5, $0x4  }
0x2bc: {  	v15 =	vld [tilespmem:s8+$0xA580];
	v6 =	vshll.u32 v6, $0x4;
	v5 =	vor.u32 v4, v5  }
0x2bd: {  	v16 =	vld [tilespmem:s8+$0xA590];
	v7 =	vshll.u32 v7, $0x4;
	v6 =	vor.u32 v4, v6  }
0x2be: {  	v17 =	vld [tilespmem:s8+$0xA5A0];
	v8 =	vshll.u32 v8, $0x4;
	v7 =	vor.u32 v4, v7  }
0x2bf: {  	s1 =	sor.u32 $0x70, s22;
	v8 =	vor.u32 v4, v8;
	v13 =	vld.idx.msk [tilespmem:v9+s0+$0x0], $0xffff  }
0x2c0: {  	v9 =	vld [tilespmem:s1+$0xA580]  }
0x2c1: {  	v5 =	vld.idx.msk [tilespmem:v5+s0+$0x0], $0xffff  }
0x2c2: {  	v10 =	vshll.u32 v10, $0x4;
	v6 =	vld.idx.msk [tilespmem:v6+s0+$0x0], $0xffff  }
0x2c3: {  	v11 =	vshll.u32 v11, $0x4;
	v10 =	vor.u32 v4, v10;
	v7 =	vld.idx.msk [tilespmem:v7+s0+$0x0], $0xffff  }
0x2c4: {  	v12 =	vshll.u32 v12, $0x4;
	v11 =	vor.u32 v4, v11;
	v8 =	vld.idx.msk [tilespmem:v8+s0+$0x0], $0xffff  }
0x2c5: {  	v19 =	vld [tilespmem:s8+$0xA5B0];
	v18 =	vor.u32 v4, v12;
	v9 =	vshll.u32 v9, $0x4  }
0x2c6: {  	v20 =	vld [tilespmem:s8+$0xA5C0];
	[tilespmem:s17+$0x12580] =	vst v5;
	v5 =	vshll.u32 v14, $0x4;
	v21 =	vor.u32 v4, v9  }
0x2c7: {  	v12 =	vshll.u32 v15, $0x4;
	[tilespmem:s18+$0x12580] =	vst v6;
	v9 =	vld [tilespmem:s8+$0xA5D0];
	v14 =	vor.u32 v4, v5  }
0x2c8: {  	v12 =	vor.u32 v4, v12;
	v6 =	vld.idx.msk [tilespmem:v10+s0+$0x0], $0xffff;
	[tilespmem:s15+$0x12580] =	vst v7;
	v5 =	vshll.u32 v16, $0x4  }
0x2c9: {  	v7 =	vld.idx.msk [tilespmem:v11+s0+$0x0], $0xffff;
	[tilespmem:s15+$0x12590] =	vst v8;
	v10 =	vor.u32 v4, v5;
	v5 =	vshll.u32 v17, $0x4  }
0x2ca: {  	v11 =	vshll.u32 v19, $0x4;
	v8 =	vld.idx.msk [tilespmem:v18+s0+$0x0], $0xffff;
	[tilespmem:s15+$0x125A0] =	vst v13;
	v13 =	vor.u32 v4, v5  }
0x2cb: {  	s19 =	simm.s32 $0x2;
	v15 =	vshll.u32 v20, $0x4;
	s17 =	sor.u32 $0x6, s11;
	s18 =	simm.s32 $0x8;
	v5 =	vor.u32 v4, v11;
	v11 =	vld.idx.msk [tilespmem:v21+s0+$0x0], $0xffff  }
.LBB2_19:
0x2cc: {  	s20 =	sand.u32 $0x3, s19;
	s18 =	sadd.s32 $0x8, s18;
	v15 =	vor.u32 v4, v15;
	v9 =	vshll.u32 v9, $0x4;
	v14 =	vld.idx.msk [tilespmem:v14+s0+$0x0], $0xffff;
	s7 =	sadd.s32 $0x400, s7  }
0x2cd: {  	s26 =	sadd.s32 $0x20, s26;
	s20 =	sshll.u32 s20, $0xA;
	p2 =	slt.u32 s18, $0xF8;
	v12 =	vld.idx.msk [tilespmem:v12+s0+$0x0], $0xffff;
	v16 =	vor.u32 v4, v9  }
0x2ce: {  	s21 =	sand.u32 $0xC00, s7;
	s22 =	sand.u32 $0x380, s26;
	s20 =	sadd.s32 s20, s26;
	v9 =	vld.idx.msk [tilespmem:v10+s0+$0x0], $0xffff;
	[tilespmem:s15+$0x125B0] =	vst v6  }
0x2cf: {  	s21 =	sor.u32 s22, s21;
	s22 =	sor.u32 $0x60, s20;
	s20 =	sor.u32 $0x70, s20;
	v6 =	vld.idx.msk [tilespmem:v13+s0+$0x0], $0xffff;
	[tilespmem:s15+$0x125C0] =	vst v7  }
0x2d0: {  	v7 =	vld [tilespmem:s20+$0xA580];
	[tilespmem:s15+$0x125D0] =	vst v8;
	s15 =	smov.u32 s8;
	s8 =	smov.u32 s21  }
0x2d1: {  	v8 =	vld [tilespmem:s22+$0xA580];
	[tilespmem:s1+$0x12580] =	vst v11;
	s1 =	smov.u32 s20  }
0x2d2: {  	v10 =	vld [tilespmem:s8+$0xA580];
	[tilespmem:s30+$0x12580] =	vst v14;
	s30 =	smov.u32 s22  }
0x2d3: {  	v11 =	vld [tilespmem:s8+$0xA590];
	[tilespmem:s15+$0x12580] =	vst v12  }
0x2d4: {  	v13 =	vld [tilespmem:s8+$0xA5A0];
	[tilespmem:s15+$0x12590] =	vst v9  }
0x2d5: {  	v17 =	vld [tilespmem:s8+$0xA5B0];
	v7 =	vshll.u32 v7, $0x4;
	[tilespmem:s15+$0x125A0] =	vst v6  }
0x2d6: {  	v18 =	vld [tilespmem:s8+$0xA5C0];
	v6 =	vshll.u32 v8, $0x4;
	v19 =	vor.u32 v4, v7  }
.Ltmp10:
0x2d7: {  	v7 =	vshll.u32 v10, $0x4;
	v9 =	vld [tilespmem:s8+$0xA5D0];
	v14 =	vor.u32 v4, v6;
	(pc) =	sbr.rel @p2 .LBB2_19-.Ltmp10, $4  }
0x2d8: {  	v12 =	vor.u32 v4, v7;
	v7 =	vshll.u32 v11, $0x4;
	v6 =	vld.idx.msk [tilespmem:v5+s0+$0x0], $0xffff  }
0x2d9: {  	v10 =	vor.u32 v4, v7;
	v5 =	vshll.u32 v13, $0x4;
	v7 =	vld.idx.msk [tilespmem:v15+s0+$0x0], $0xffff  }
0x2da: {  	v13 =	vor.u32 v4, v5;
	v5 =	vshll.u32 v17, $0x4;
	v8 =	vld.idx.msk [tilespmem:v16+s0+$0x0], $0xffff  }
0x2db: {  	s19 =	sadd.s32 $0x1, s19;
	v5 =	vor.u32 v4, v5;
	v15 =	vshll.u32 v18, $0x4;
	v11 =	vld.idx.msk [tilespmem:v19+s0+$0x0], $0xffff  }
0x2dc: {  	_ =	sdelay $0x3  }
0x2dd: {  	v15 =	vor.u32 v4, v15;
	v9 =	vshll.u32 v9, $0x4;
	v14 =	vld.idx.msk [tilespmem:v14+s0+$0x0], $0xffff  }
0x2de: {  	v12 =	vld.idx.msk [tilespmem:v12+s0+$0x0], $0xffff;
	v9 =	vor.u32 v4, v9;
	[tilespmem:s15+$0x125B0] =	vst v6  }
0x2df: {  	v5 =	vld.idx.msk [tilespmem:v5+s0+$0x0], $0xffff;
	[tilespmem:s15+$0x125C0] =	vst v7  }
0x2e0: {  	v6 =	vld.idx.msk [tilespmem:v10+s0+$0x0], $0xffff;
	[tilespmem:s15+$0x125D0] =	vst v8  }
0x2e1: {  	v7 =	vld.idx.msk [tilespmem:v13+s0+$0x0], $0xffff;
	[tilespmem:s1+$0x12580] =	vst v11  }
0x2e2: {  	[tilespmem:s30+$0x12580] =	vst v14;
	v8 =	vld.idx.msk [tilespmem:v15+s0+$0x0], $0xffff  }
0x2e3: {  	[tilespmem:s8+$0x12580] =	vst v12;
	v9 =	vld.idx.msk [tilespmem:v9+s0+$0x0], $0xffff  }
0x2e4: {  	[tilespmem:s8+$0x125B0] =	vst v5  }
0x2e5: {  	s17 =	sadd.s32 s16, s17;
	[tilespmem:s8+$0x12590] =	vst v6  }
0x2e6: {  	s1 =	sshll.u32 s17, $0x9;
	[tilespmem:s8+$0x125A0] =	vst v7  }
0x2e7: {  	s1 =	sand.u32 $0x1FFFFC00, s1;
	[tilespmem:s8+$0x125C0] =	vst v8  }
0x2e8: {  	s7 =	simm.s32 $0x12580;
	s1 =	sadd.s32 s5, s1;
	[tilespmem:s8+$0x125D0] =	vst v9  }
0x2e9: {  	[hbm4b:s1+s6] =	stream.linear.scatter [tilespmem:s7], [sflag:$0xF], $0x1000, $0x38;
	[tilespmem:$0x14600] =	vst v63  }
0x2ea: {  	s1 =	sadd.s32 @!p1 s11, s24  }
0x2eb: {  	s1 =	sshll.u32 @!p1 s1, $0x9  }
0x2ec: {  	s1 =	sand.u32 @!p1 $0x1FFFFC00, s1  }
0x2ed: {  	s8 =	simm.s32 @!p1 $0xA580;
	s7 =	simm.s32 @!p1 $0x0;
	s1 =	sadd.s32 @!p1 s4, s1  }
0x2ee: {  	[tilespmem:s8], [sflag:$0x7] =	stream.linear.gather @!p1 [hbm4b:s1+s7], $0x1000, $0x38;
	[tilespmem:$0x14600] =	vst v63  }
0x2ef: {  	_ =	swait.ge [sflag:s2], $0x1000  }
0x2f0: {  	s18 =	simm.s32 $0x0;
	[sflag:s2] =	ssyncset.done $0x0  }
0x2f1: {  	s19 =	sand.u32 $0x3, s18;
	s7 =	simm.s32 @!p0 $0x10;
	[sflag:s2] =	ssyncadd.s32 $0xFFFFF000  }
0x2f2: {  	s8 =	sshll.u32 s19, $0xA;
	_ =	swait.ge @!p0 [sflag:s7], $0x1000  }
0x2f3: {  	s20 =	sand.u32 $0xC00, s18;
	s8 =	sadd.s32 $0x0, s8;
	[sflag:s7] =	ssyncset.done @!p0 $0x0  }
0x2f4: {  	s1 =	sand.u32 $0x380, s18;
	s17 =	sor.u32 $0x70, s8;
	[sflag:s7] =	ssyncadd.s32 @!p0 $0xFFFFF000  }
0x2f5: {  	s15 =	sor.u32 s1, s20;
	v5 =	vld [tilespmem:s17+$0xB580]  }
0x2f6: {  	s18 =	sor.u32 $0x60, s8;
	v9 =	vld [tilespmem:s15+$0xB5A0]  }
0x2f7: {  	v6 =	vld [tilespmem:s18+$0xB580]  }
0x2f8: {  	s21 =	simm.s32 $0x1;
	v7 =	vld [tilespmem:s15+$0xB580]  }
0x2f9: {  	s1 =	sand.u32 $0x3, s21;
	v8 =	vld [tilespmem:s15+$0xB590]  }
0x2fa: {  	s1 =	sshll.u32 s1, $0xA;
	v10 =	vld [tilespmem:s15+$0xB5B0]  }
0x2fb: {  	s26 =	simm.s32 $0x20;
	s22 =	sadd.s32 $0x20, s1;
	s7 =	simm.s32 $0x400;
	v11 =	vld [tilespmem:s15+$0xB5C0];
	v9 =	vshll.u32 v9, $0x4  }
0x2fc: {  	s20 =	sand.u32 $0x380, s26;
	s30 =	sor.u32 $0x60, s22;
	v12 =	vld [tilespmem:s15+$0xB5D0];
	s19 =	sand.u32 $0xC00, s7;
	v9 =	vor.u32 v4, v9  }
0x2fd: {  	v14 =	vld [tilespmem:s30+$0xB580];
	s8 =	sor.u32 s20, s19;
	v5 =	vshll.u32 v5, $0x4  }
0x2fe: {  	v15 =	vld [tilespmem:s8+$0xB580];
	v6 =	vshll.u32 v6, $0x4;
	v5 =	vor.u32 v4, v5  }
0x2ff: {  	v16 =	vld [tilespmem:s8+$0xB590];
	v7 =	vshll.u32 v7, $0x4;
	v6 =	vor.u32 v4, v6  }
0x300: {  	v17 =	vld [tilespmem:s8+$0xB5A0];
	v8 =	vshll.u32 v8, $0x4;
	v7 =	vor.u32 v4, v7  }
0x301: {  	s1 =	sor.u32 $0x70, s22;
	v8 =	vor.u32 v4, v8;
	v13 =	vld.idx.msk [tilespmem:v9+s0+$0x0], $0xffff  }
0x302: {  	v9 =	vld [tilespmem:s1+$0xB580]  }
0x303: {  	v5 =	vld.idx.msk [tilespmem:v5+s0+$0x0], $0xffff  }
0x304: {  	v10 =	vshll.u32 v10, $0x4;
	v6 =	vld.idx.msk [tilespmem:v6+s0+$0x0], $0xffff  }
0x305: {  	v11 =	vshll.u32 v11, $0x4;
	v10 =	vor.u32 v4, v10;
	v7 =	vld.idx.msk [tilespmem:v7+s0+$0x0], $0xffff  }
0x306: {  	v12 =	vshll.u32 v12, $0x4;
	v11 =	vor.u32 v4, v11;
	v8 =	vld.idx.msk [tilespmem:v8+s0+$0x0], $0xffff  }
0x307: {  	v19 =	vld [tilespmem:s8+$0xB5B0];
	v18 =	vor.u32 v4, v12;
	v9 =	vshll.u32 v9, $0x4  }
0x308: {  	v20 =	vld [tilespmem:s8+$0xB5C0];
	[tilespmem:s17+$0x13580] =	vst v5;
	v5 =	vshll.u32 v14, $0x4;
	v21 =	vor.u32 v4, v9  }
0x309: {  	v12 =	vshll.u32 v15, $0x4;
	[tilespmem:s18+$0x13580] =	vst v6;
	v9 =	vld [tilespmem:s8+$0xB5D0];
	v14 =	vor.u32 v4, v5  }
0x30a: {  	v12 =	vor.u32 v4, v12;
	v6 =	vld.idx.msk [tilespmem:v10+s0+$0x0], $0xffff;
	[tilespmem:s15+$0x13580] =	vst v7;
	v5 =	vshll.u32 v16, $0x4  }
0x30b: {  	v7 =	vld.idx.msk [tilespmem:v11+s0+$0x0], $0xffff;
	[tilespmem:s15+$0x13590] =	vst v8;
	v10 =	vor.u32 v4, v5;
	v5 =	vshll.u32 v17, $0x4  }
0x30c: {  	v11 =	vshll.u32 v19, $0x4;
	v8 =	vld.idx.msk [tilespmem:v18+s0+$0x0], $0xffff;
	[tilespmem:s15+$0x135A0] =	vst v13;
	v13 =	vor.u32 v4, v5  }
0x30d: {  	s13 =	sadd.s32 $0x38, s13;
	v15 =	vshll.u32 v20, $0x4;
	s17 =	simm.s32 $0x8;
	s18 =	simm.s32 $0x2;
	v5 =	vor.u32 v4, v11;
	v11 =	vld.idx.msk [tilespmem:v21+s0+$0x0], $0xffff  }
.LBB2_21:
0x30e: {  	s19 =	sand.u32 $0x3, s18;
	s17 =	sadd.s32 $0x8, s17;
	v15 =	vor.u32 v4, v15;
	v9 =	vshll.u32 v9, $0x4;
	v14 =	vld.idx.msk [tilespmem:v14+s0+$0x0], $0xffff;
	s7 =	sadd.s32 $0x400, s7  }
0x30f: {  	s26 =	sadd.s32 $0x20, s26;
	s19 =	sshll.u32 s19, $0xA;
	p0 =	slt.u32 s17, $0xF8;
	v12 =	vld.idx.msk [tilespmem:v12+s0+$0x0], $0xffff;
	v16 =	vor.u32 v4, v9  }
0x310: {  	s20 =	sand.u32 $0xC00, s7;
	s21 =	sand.u32 $0x380, s26;
	s19 =	sadd.s32 s19, s26;
	v9 =	vld.idx.msk [tilespmem:v10+s0+$0x0], $0xffff;
	[tilespmem:s15+$0x135B0] =	vst v6  }
0x311: {  	s20 =	sor.u32 s21, s20;
	s21 =	sor.u32 $0x60, s19;
	s19 =	sor.u32 $0x70, s19;
	v6 =	vld.idx.msk [tilespmem:v13+s0+$0x0], $0xffff;
	[tilespmem:s15+$0x135C0] =	vst v7  }
0x312: {  	v7 =	vld [tilespmem:s19+$0xB580];
	[tilespmem:s15+$0x135D0] =	vst v8;
	s15 =	smov.u32 s8;
	s8 =	smov.u32 s20  }
0x313: {  	v8 =	vld [tilespmem:s21+$0xB580];
	[tilespmem:s1+$0x13580] =	vst v11;
	s1 =	smov.u32 s19  }
0x314: {  	v10 =	vld [tilespmem:s8+$0xB580];
	[tilespmem:s30+$0x13580] =	vst v14;
	s30 =	smov.u32 s21  }
0x315: {  	v11 =	vld [tilespmem:s8+$0xB590];
	[tilespmem:s15+$0x13580] =	vst v12  }
0x316: {  	v13 =	vld [tilespmem:s8+$0xB5A0];
	[tilespmem:s15+$0x13590] =	vst v9  }
0x317: {  	v17 =	vld [tilespmem:s8+$0xB5B0];
	v7 =	vshll.u32 v7, $0x4;
	[tilespmem:s15+$0x135A0] =	vst v6  }
0x318: {  	v18 =	vld [tilespmem:s8+$0xB5C0];
	v6 =	vshll.u32 v8, $0x4;
	v19 =	vor.u32 v4, v7  }
.Ltmp11:
0x319: {  	v7 =	vshll.u32 v10, $0x4;
	v9 =	vld [tilespmem:s8+$0xB5D0];
	v14 =	vor.u32 v4, v6;
	(pc) =	sbr.rel @p0 .LBB2_21-.Ltmp11, $4  }
0x31a: {  	v12 =	vor.u32 v4, v7;
	v7 =	vshll.u32 v11, $0x4;
	v6 =	vld.idx.msk [tilespmem:v5+s0+$0x0], $0xffff  }
0x31b: {  	v10 =	vor.u32 v4, v7;
	v5 =	vshll.u32 v13, $0x4;
	v7 =	vld.idx.msk [tilespmem:v15+s0+$0x0], $0xffff  }
0x31c: {  	v13 =	vor.u32 v4, v5;
	v5 =	vshll.u32 v17, $0x4;
	v8 =	vld.idx.msk [tilespmem:v16+s0+$0x0], $0xffff  }
0x31d: {  	s18 =	sadd.s32 $0x1, s18;
	v5 =	vor.u32 v4, v5;
	v15 =	vshll.u32 v18, $0x4;
	v11 =	vld.idx.msk [tilespmem:v19+s0+$0x0], $0xffff  }
0x31e: {  	_ =	sdelay $0x3  }
0x31f: {  	v15 =	vor.u32 v4, v15;
	v9 =	vshll.u32 v9, $0x4;
	v14 =	vld.idx.msk [tilespmem:v14+s0+$0x0], $0xffff  }
0x320: {  	v12 =	vld.idx.msk [tilespmem:v12+s0+$0x0], $0xffff;
	v9 =	vor.u32 v4, v9;
	[tilespmem:s15+$0x135B0] =	vst v6  }
0x321: {  	v5 =	vld.idx.msk [tilespmem:v5+s0+$0x0], $0xffff;
	[tilespmem:s15+$0x135C0] =	vst v7  }
0x322: {  	v6 =	vld.idx.msk [tilespmem:v10+s0+$0x0], $0xffff;
	[tilespmem:s15+$0x135D0] =	vst v8  }
0x323: {  	v7 =	vld.idx.msk [tilespmem:v13+s0+$0x0], $0xffff;
	[tilespmem:s1+$0x13580] =	vst v11  }
0x324: {  	[tilespmem:s30+$0x13580] =	vst v14;
	v63 =	vld.idx.msk [tilespmem:v15+s0+$0x0], $0xffff  }
0x325: {  	[tilespmem:s8+$0x13580] =	vst v12;
	v9 =	vld.idx.msk [tilespmem:v9+s0+$0x0], $0xffff  }
0x326: {  	[tilespmem:s8+$0x135B0] =	vst v5  }
.Ltmp12:
0x327: {  	[tilespmem:s8+$0x13590] =	vst v6;
	(pc) =	sbr.rel @p1 .LBB2_24-.Ltmp12, $4  }
0x328: {  	[tilespmem:s8+$0x135A0] =	vst v7  }
0x329: {  	s30 =	sshll.u32 s13, $0x6;
	[tilespmem:s8+$0x135C0] =	vst v63  }
0x32a: {  	s7 =	simm.s32 $0x13580;
	s1 =	sadd.s32 s5, s30;
	[tilespmem:s8+$0x135D0] =	vst v9  }
0x32b: {  	[hbm4b:s1+s6] =	stream.linear.scatter [tilespmem:s7], [sflag:$0x10], $0x1000, $0x38;
	[tilespmem:$0x14600] =	vst v63  }
.Ltmp13:
0x32c: {  	s1 =	rddreg [dreg:$0x15];
	(pc) =	sbr.rel .LBB2_6-.Ltmp13, $4  }
0x32d: {  	s1 =	sadd.s32 s11, s1  }
0x32e: {  	s1 =	sshll.u32 s1, $0x9  }
0x32f: {  	s7 =	simm.s32 $0xB580;
	s9 =	sadd.s32 $0x1, s9;
	s1 =	sadd.s32 s4, s1  }
0x330: {  	[tilespmem:s7], [sflag:$0x8] =	stream.linear.gather [hbm4b:s1+s6], $0x1000, $0x38;
	[tilespmem:$0x14600] =	vst v63  }
.LBB2_25:
0x331: {  	_ =	sfence.sel $0x180000  }
0x332: {  	[bflag:$0x0] =	sbarrier.arrive $0xFFFF  }
0x333: {  	_ =	strace $0x90000047  }
0x334: {  	s0 =	stileid.u32;
	[bflag:$0x2] =	sbarrier.arrive $0xFFFF  }
0x335: {  	p0 =	sne.s32 s0, $0x0;
	s0 =	rddreg [dreg:$0x4]  }
0x336: {  	s0 =	sadd.s32 @!p0 $0x100000, s0  }
0x337: {  	[sflag:s0] =	ssyncadd.tile.s32 @!p0 $0x1;
	_ =	shalt  }
.Lfunc_end2:
_tile_overlayer_lowered:
.L_overlay_start_2:
0x338: {  	(tag) =	ssettag $0x2  }
0x339: {  	s0 =	rddreg [dreg:$0x0];
	s2 =	stileid.u32  }
0x33a: {  	s1 =	rddreg [dreg:$0x1];
	p0 =	sne.s32 s2, $0x0  }
0x33b: {  	s3 =	rddreg [dreg:$0x2];
	[bflag:$0x3] =	sbarrier.arrive $0xFFFF;
	s2 =	simm.s32 @!p0 $0x1C11  }
0x33c: {  	[timem:s3], [sflag:s2] =	dma.local @!p0 [hbm:s0], s1  }
0x33d: {  	s0 =	simm.s32 @!p0 $0x11  }
0x33e: {  	_ =	swait.ge @!p0 [sflag:s0], s1  }
0x33f: {  	s1 =	ssub.s32 @!p0 $0x0, s1;
	[sflag:s0] =	ssyncset.done @!p0 $0x0  }
0x340: {  	[sflag:s0] =	ssyncadd.s32 @!p0 s1  }
0x341: {  	[bflag:$0x3] =	sbarrier.arrive $0xFFFF  }
0x342: {  	_ =	shalt  }

</sc_bundles>
